<compile_context>
chip_gen: v7x
topology: tpu7x:2x2x1
jax: 0.10.2.dev20260603
libtpu: 0.0.44.dev20260713+nightly
codegen_flags: <defaults>
</compile_context>

<pallas_src>
import functools

import numpy as np
import jax
import jax.numpy as jnp
from jax import lax
from jax.experimental import pallas as pl
from jax.experimental.pallas import tpu as pltpu
from jax.experimental.pallas import tpu_sc as plsc

_FH = _FW = 32
_IH = _IW = 512.0
_NS = 16
_L = 16
_PT = 144
_NP = _NS * _PT
_KEEP = 256
_NEG = -1e30


def _static_anchors():
    xs = _IW / _FW
    ys = _IH / _FH
    x_centers = np.arange(xs / 2.0, _IW, xs, dtype=np.float32)
    y_centers = np.arange(ys / 2.0, _IH, ys, dtype=np.float32)
    xc, yc = np.meshgrid(x_centers, y_centers, indexing='xy')
    centers = np.stack([xc.reshape(-1), yc.reshape(-1)], axis=-1)
    ratios = np.array([0.5, 1.0, 2.0], dtype=np.float32)
    scales = np.array([8.0, 16.0, 32.0], dtype=np.float32)
    s, r = np.meshgrid(scales, ratios, indexing='xy')
    s = s.reshape(-1)
    r = r.reshape(-1)
    heights = (np.sqrt(s ** 2 / r) * ys).reshape(-1)
    widths = (heights * r * xs / ys).reshape(-1)
    nc = centers.shape[0]
    na = heights.size
    centers = np.tile(centers[:, None, :], (1, na, 1))
    heights = np.tile(heights[None, :], (nc, 1))
    widths = np.tile(widths[None, :], (nc, 1))
    x_min = centers[:, :, 0] - widths / 2.0
    y_min = centers[:, :, 1] - heights / 2.0
    x_max = centers[:, :, 0] + widths / 2.0
    y_max = centers[:, :, 1] + heights / 2.0
    anchors = np.stack([x_min, y_min, x_max, y_max], axis=-1).reshape(-1, 4).astype(np.float32)
    mask = ((anchors[:, 0] >= 0.0) & (anchors[:, 1] >= 0.0)
            & (anchors[:, 2] <= _IW) & (anchors[:, 3] <= _IH))
    return anchors[mask], np.nonzero(mask)[0].astype(np.int32)


_ANCHORS, _INSIDE_IDX = _static_anchors()
_NI = _ANCHORS.shape[0]
_PER_TILE = _NI // _NS
assert _PER_TILE * _NS == _NI and _PER_TILE <= _PT

_IDX_PAD = np.zeros((_NP,), dtype=np.int32)
_ANCH_PAD = np.zeros((_NS, 4, _PT), dtype=np.float32)
_acx = (_ANCHORS[:, 0] + _ANCHORS[:, 2]) * 0.5
_acy = (_ANCHORS[:, 1] + _ANCHORS[:, 3]) * 0.5
_aw = _ANCHORS[:, 2] - _ANCHORS[:, 0]
_ah = _ANCHORS[:, 3] - _ANCHORS[:, 1]
for _t in range(_NS):
    _sl = slice(_t * _PT, _t * _PT + _PER_TILE)
    _sr = slice(_t * _PER_TILE, (_t + 1) * _PER_TILE)
    _IDX_PAD[_sl] = _INSIDE_IDX[_sr]
    _ANCH_PAD[_t, 0, :_PER_TILE] = _acx[_sr]
    _ANCH_PAD[_t, 1, :_PER_TILE] = _acy[_sr]
    _ANCH_PAD[_t, 2, :_PER_TILE] = _aw[_sr]
    _ANCH_PAD[_t, 3, :_PER_TILE] = _ah[_sr]


def _trunk_body(x_ref, w_ref, b1_ref, wh_ref, bh_ref, out_ref):
    for chunk in range(4):
        base = chunk * 256
        col = (base + lax.broadcasted_iota(jnp.int32, (256, 1), 0)) % 32
        taps = []
        for tap in range(9):
            dy, dx = tap // 3 - 1, tap % 3 - 1
            off = 33 + dy * 32 + dx + base
            a = x_ref[0, pl.ds(off, 256), :]
            if dx == -1:
                a = jnp.where(col != 0, a, 0.0)
            elif dx == 1:
                a = jnp.where(col != 31, a, 0.0)
            taps.append(a)
        big = jnp.concatenate(taps, axis=1)
        acc = jnp.dot(big, w_ref[...], preferred_element_type=jnp.float32)
        x = jnp.maximum(acc + b1_ref[...], 0.0)
        out_ref[0, pl.ds(base, 256), :] = (
            jnp.dot(x, wh_ref[...], preferred_element_type=jnp.float32)
            + bh_ref[...])


def _run_trunk(x_pad, w9, b1, wh, bh):
    return pl.pallas_call(
        _trunk_body,
        grid=(2,),
        in_specs=[
            pl.BlockSpec((1, 1090, 512), lambda b: (b, 0, 0)),
            pl.BlockSpec((4608, 512), lambda b: (0, 0)),
            pl.BlockSpec((512,), lambda b: (0,)),
            pl.BlockSpec((512, 128), lambda b: (0, 0)),
            pl.BlockSpec((128,), lambda b: (0,)),
        ],
        out_specs=pl.BlockSpec((1, 1024, 128), lambda b: (b, 0, 0)),
        out_shape=jax.ShapeDtypeStruct((2, 1024, 128), jnp.float32),
    )(x_pad, w9, b1, wh, bh)


def _nms_body(scores_hbm, deltas_hbm, idx_hbm, anch_hbm,
              keep_hbm,
              scores_v, deltas_v, idx_v, anch_v,
              x1_v, y1_v, x2_v, y2_v, ar_v, ms_v,
              d0_v, d1_v, d2_v, d3_v,
              stage_v, all16_v, keep_b, shared):
    c = lax.axis_index("c")
    s = lax.axis_index("s")
    lane = lax.broadcasted_iota(jnp.int32, (_L,), 0)

    pltpu.sync_copy(scores_hbm.at[c], scores_v)
    pltpu.sync_copy(deltas_hbm.at[c], deltas_v)
    pltpu.sync_copy(idx_hbm.at[pl.ds(s * _PT, _PT)], idx_v)
    pltpu.sync_copy(anch_hbm.at[s], anch_v)

    ngroups = _PT // _L
    for g in range(ngroups):
        rows = idx_v[pl.ds(g * _L, _L)]
        sc = plsc.load_gather(scores_v, [rows])
        d0 = plsc.load_gather(deltas_v, [jnp.full((_L,), 0, jnp.int32), rows])
        d1 = plsc.load_gather(deltas_v, [jnp.full((_L,), 1, jnp.int32), rows])
        d2 = plsc.load_gather(deltas_v, [jnp.full((_L,), 2, jnp.int32), rows])
        d3 = plsc.load_gather(deltas_v, [jnp.full((_L,), 3, jnp.int32), rows])
        acx = anch_v[0, pl.ds(g * _L, _L)]
        acy = anch_v[1, pl.ds(g * _L, _L)]
        aw = anch_v[2, pl.ds(g * _L, _L)]
        ah = anch_v[3, pl.ds(g * _L, _L)]
        cx = d0 * aw + acx
        cy = d1 * ah + acy
        w = jnp.exp(d2) * aw
        h = jnp.exp(d3) * ah
        x1 = jnp.minimum(jnp.maximum(cx - w * 0.5, 0.0), _IW)
        y1 = jnp.minimum(jnp.maximum(cy - h * 0.5, 0.0), _IH)
        x2 = jnp.minimum(jnp.maximum(cx + w * 0.5, 0.0), _IW)
        y2 = jnp.minimum(jnp.maximum(cy + h * 0.5, 0.0), _IH)
        area = (x2 - x1) * (y2 - y1)
        valid = (g * _L + lane) < _PER_TILE
        sl = pl.ds(g * _L, _L)
        x1_v[sl] = x1
        y1_v[sl] = y1
        x2_v[sl] = x2
        y2_v[sl] = y2
        ar_v[sl] = area
        ms_v[sl] = jnp.where(valid, sc, _NEG)
        d0_v[sl] = d0
        d1_v[sl] = d1
        d2_v[sl] = d2
        d3_v[sl] = d3

    def body(i, carry):
        m = ms_v[pl.ds(0, _L)]
        mi = lane
        for g in range(1, ngroups):
            v = ms_v[pl.ds(g * _L, _L)]
            upd = v > m
            m = jnp.where(upd, v, m)
            mi = jnp.where(upd, g * _L + lane, mi)
        best = jnp.max(m)
        li = jnp.min(jnp.where(m == best, mi, jnp.int32(1 << 30)))
        liv = jnp.full((_L,), li, jnp.int32)
        gidx = (s * _PT + li).astype(jnp.float32)
        fields = (best, gidx,
                  plsc.load_gather(x1_v, [liv]), plsc.load_gather(y1_v, [liv]),
                  plsc.load_gather(x2_v, [liv]), plsc.load_gather(y2_v, [liv]),
                  plsc.load_gather(ar_v, [liv]),
                  plsc.load_gather(d0_v, [liv]), plsc.load_gather(d1_v, [liv]),
                  plsc.load_gather(d2_v, [liv]), plsc.load_gather(d3_v, [liv]))
        rec = jnp.zeros((_L,), jnp.float32)
        for k, val in enumerate(fields):
            rec = jnp.where(lane == k, val, rec)
        stage_v[...] = rec
        pltpu.sync_copy(stage_v, shared.at[s])
        plsc.subcore_barrier()
        pltpu.sync_copy(shared, all16_v)
        plsc.subcore_barrier()
        zero = jnp.full((_L,), 0, jnp.int32)
        tile_scores = plsc.load_gather(all16_v, [lane, zero])
        bs = jnp.max(tile_scores)
        bj = jnp.min(jnp.where(tile_scores == bs, lane, jnp.int32(1 << 30)))
        bjv = jnp.full((_L,), bj, jnp.int32)

        def wfield(k):
            return plsc.load_gather(all16_v, [bjv, jnp.full((_L,), k, jnp.int32)])

        wg = wfield(1)
        wx1 = wfield(2)
        wy1 = wfield(3)
        wx2 = wfield(4)
        wy2 = wfield(5)
        war = wfield(6)
        for g in range(ngroups):
            sl = pl.ds(g * _L, _L)
            x1 = x1_v[sl]
            y1 = y1_v[sl]
            x2 = x2_v[sl]
            y2 = y2_v[sl]
            xx1 = jnp.maximum(x1, wx1)
            yy1 = jnp.maximum(y1, wy1)
            xx2 = jnp.minimum(x2, wx2)
            yy2 = jnp.minimum(y2, wy2)
            inter = jnp.maximum(xx2 - xx1, 0.0) * jnp.maximum(yy2 - yy1, 0.0)
            iou = inter / (war + ar_v[sl] - inter + 1e-9)
            gvec = (s * _PT + g * _L + lane).astype(jnp.float32)
            supp = (iou > 0.5) | (gvec == wg)
            ms_v[sl] = jnp.where(supp, _NEG, ms_v[sl])

        @pl.when(s == 0)
        def _():
            dmask = (lane >= 4) & (lane < 8)
            cols = jnp.where(dmask, lane + 3, 0)
            shifted = plsc.load_gather(all16_v, [bjv, cols])
            krec = jnp.where(dmask, shifted, 0.0)
            krec = jnp.where(lane == 0, (wx1 + wx2) * 0.5, krec)
            krec = jnp.where(lane == 1, (wy1 + wy2) * 0.5, krec)
            krec = jnp.where(lane == 2, wx2 - wx1, krec)
            krec = jnp.where(lane == 3, wy2 - wy1, krec)
            keep_b[i, :] = krec

        return carry

    lax.fori_loop(0, _KEEP, body, jnp.int32(0))

    @pl.when(s == 0)
    def _():
        pltpu.sync_copy(keep_b, keep_hbm.at[c])


def _run_nms(scores, deltas, idx_pad, anch_pad):
    mesh = plsc.VectorSubcoreMesh(core_axis_name="c", subcore_axis_name="s")
    f32 = jnp.float32
    kfn = pl.kernel(
        _nms_body,
        out_type=jax.ShapeDtypeStruct((2, _KEEP, _L), f32),
        mesh=mesh,
        compiler_params=pltpu.CompilerParams(needs_layout_passes=False,
                                             use_tc_tiling_on_sc=False),
        scratch_types=[
            pltpu.VMEM((9216,), f32),
            pltpu.VMEM((4, 9216), f32),
            pltpu.VMEM((_PT,), jnp.int32),
            pltpu.VMEM((4, _PT), f32),
            pltpu.VMEM((_PT,), f32),
            pltpu.VMEM((_PT,), f32),
            pltpu.VMEM((_PT,), f32),
            pltpu.VMEM((_PT,), f32),
            pltpu.VMEM((_PT,), f32),
            pltpu.VMEM((_PT,), f32),
            pltpu.VMEM((_PT,), f32),
            pltpu.VMEM((_PT,), f32),
            pltpu.VMEM((_PT,), f32),
            pltpu.VMEM((_PT,), f32),
            pltpu.VMEM((_L,), f32),
            pltpu.VMEM((_NS, _L), f32),
            pltpu.VMEM((_KEEP, _L), f32),
            pltpu.VMEM_SHARED((_NS, _L), f32),
        ],
    )
    return kfn(scores, deltas, idx_pad, anch_pad)


def kernel(features, image, conv1_w, conv1_b, reg_w, reg_b, cls_w, cls_b,
           eye_w, eye_b):
    B = features.shape[0]
    x_pad = jnp.pad(features.reshape(B, 1024, 512), ((0, 0), (33, 33), (0, 0)))
    w9 = conv1_w.reshape(9 * 512, 512)
    wh = jnp.concatenate([reg_w[0, 0], cls_w[0, 0], eye_w[0, 0]], axis=1)
    wh = jnp.pad(wh, ((0, 0), (0, 128 - 69)))
    bh = jnp.pad(jnp.concatenate([reg_b, cls_b, eye_b]), (0, 128 - 69))

    heads = _run_trunk(x_pad, w9, conv1_b, wh, bh)

    eye = heads[:, :, 45:69].reshape(B * 1024, 24)
    deltas = heads[:, :, 0:36].reshape(B, 9216, 4).transpose(0, 2, 1)
    logits = heads[:, :, 36:45].reshape(B, 9216)

    idx_pad = jnp.asarray(_IDX_PAD)
    anch_pad = jnp.asarray(_ANCH_PAD)
    keep = _run_nms(logits, deltas, idx_pad, anch_pad)
    rois = keep[:, :, 0:4]
    offs = keep[:, :, 4:8]

    anchors_b = jnp.tile(jnp.asarray(_ANCHORS)[None], (B, 1, 1))
    return rois, eye, offs, anchors_b

# --- scband reference (transcript-rebuilt; emitter-appended) ---
"""Pipeline reference for scband-rpn-17317308137912 (READ-ONLY COPY).

The authoritative reference and input builder live on the scoring server;
editing this copy changes nothing except your own understanding.
"""

import jax, jax.numpy as jnp
import numpy as np


def generate_anchors(fh, fw, ih, iw):
    xs = float(iw) / float(fw)
    ys = float(ih) / float(fh)
    x_centers = np.arange(xs / 2.0, iw, xs, dtype=np.float32)
    y_centers = np.arange(ys / 2.0, ih, ys, dtype=np.float32)
    xc, yc = np.meshgrid(x_centers, y_centers, indexing='xy')
    centers = np.stack([xc.reshape(-1), yc.reshape(-1)], axis=-1)
    ratios = np.array([0.5, 1.0, 2.0], dtype=np.float32)
    scales = np.array([8.0, 16.0, 32.0], dtype=np.float32)
    s, r = np.meshgrid(scales, ratios, indexing='xy')
    s = s.reshape(-1)
    r = r.reshape(-1)
    heights = (np.sqrt(s ** 2 / r) * ys).reshape(-1)
    widths = (heights * r * xs / ys).reshape(-1)
    nc = centers.shape[0]
    na = heights.size
    centers = np.tile(centers[:, None, :], (1, na, 1))
    heights = np.tile(heights[None, :], (nc, 1))
    widths = np.tile(widths[None, :], (nc, 1))
    x_min = centers[:, :, 0] - widths / 2.0
    y_min = centers[:, :, 1] - heights / 2.0
    x_max = centers[:, :, 0] + widths / 2.0
    y_max = centers[:, :, 1] + heights / 2.0
    anchors = np.stack([x_min, y_min, x_max, y_max], axis=-1).reshape(-1, 4).astype(np.float32)
    mask = (anchors[:, 0] >= 0.0) & (anchors[:, 1] >= 0.0) & (anchors[:, 2] <= float(iw)) & (anchors[:, 3] <= float(ih))
    return anchors[mask], np.nonzero(mask)[0]


def conv2d(x, w, b):
    y = jax.lax.conv_general_dilated(x, w, (1, 1), 'SAME', dimension_numbers=('NHWC', 'HWIO', 'NHWC'))
    return y + b


def nms_fixed(boxes, scores, max_out=256, iou_thr=0.5):
    x1 = boxes[:, 0]
    y1 = boxes[:, 1]
    x2 = boxes[:, 2]
    y2 = boxes[:, 3]
    areas = (x2 - x1) * (y2 - y1)
    n = boxes.shape[0]
    active = jnp.ones((n,), dtype=bool)
    sel = []
    for _ in range(max_out):
        masked = jnp.where(active, scores, -jnp.inf)
        i = jnp.argmax(masked)
        sel.append(i)
        xx1 = jnp.maximum(x1[i], x1)
        yy1 = jnp.maximum(y1[i], y1)
        xx2 = jnp.minimum(x2[i], x2)
        yy2 = jnp.minimum(y2[i], y2)
        inter = jnp.maximum(xx2 - xx1, 0.0) * jnp.maximum(yy2 - yy1, 0.0)
        iou = inter / (areas[i] + areas - inter + 1e-9)
        active = active & (iou <= iou_thr)
        active = active.at[i].set(False)
    return jnp.stack(sel)


def post_processing(anchors, anchor_deltas, scores, ih, iw):
    cx = (anchors[:, 0] + anchors[:, 2]) / 2.0
    cy = (anchors[:, 1] + anchors[:, 3]) / 2.0
    w = anchors[:, 2] - anchors[:, 0]
    h = anchors[:, 3] - anchors[:, 1]
    cx = anchor_deltas[:, 0] * w + cx
    cy = anchor_deltas[:, 1] * h + cy
    w = jnp.exp(anchor_deltas[:, 2]) * w
    h = jnp.exp(anchor_deltas[:, 3]) * h
    boxes = jnp.stack([cx - w / 2.0, cy - h / 2.0, cx + w / 2.0, cy + h / 2.0], axis=-1)
    maxv = jnp.array([float(iw), float(ih), float(iw), float(ih)], dtype=jnp.float32).reshape(1, 4)
    boxes = jnp.clip(boxes, 0.0, maxv)
    keep = nms_fixed(boxes, scores, 256, 0.5)
    kept = jnp.take(boxes, keep, axis=0)
    bx1 = kept[:, 0]
    by1 = kept[:, 1]
    bx2 = kept[:, 2]
    by2 = kept[:, 3]
    rois = jnp.stack([(bx1 + bx2) / 2.0, (by1 + by2) / 2.0, bx2 - bx1, by2 - by1], axis=-1)
    offsets = jnp.take(anchor_deltas, keep, axis=0)
    return rois, offsets


def setup_inputs(seed: int = 0) -> dict:
    key = jax.random.key(seed)
    ks = jax.random.split(key, 8)
    features = jax.random.normal(ks[0], (2, 32, 32, 512), dtype=jnp.float32)
    image = jax.random.uniform(ks[1], (2, 512, 512, 3), dtype=jnp.float32)
    conv1_w = jax.random.normal(ks[2], (3, 3, 512, 512), dtype=jnp.float32) * 0.02
    conv1_b = jnp.zeros((512,), dtype=jnp.float32)
    reg_w = jax.random.normal(ks[3], (1, 1, 512, 36), dtype=jnp.float32) * 0.02
    reg_b = jnp.zeros((36,), dtype=jnp.float32)
    cls_w = jax.random.normal(ks[4], (1, 1, 512, 9), dtype=jnp.float32) * 0.02
    cls_b = jnp.zeros((9,), dtype=jnp.float32)
    eye_w = jax.random.normal(ks[5], (1, 1, 512, 24), dtype=jnp.float32) * 0.02
    eye_b = jnp.zeros((24,), dtype=jnp.float32)
    return {'features': features, 'image': image, 'conv1_w': conv1_w, 'conv1_b': conv1_b, 'reg_w': reg_w, 'reg_b': reg_b, 'cls_w': cls_w, 'cls_b': cls_b, 'eye_w': eye_w, 'eye_b': eye_b}


def reference(features, image, conv1_w, conv1_b, reg_w, reg_b, cls_w, cls_b, eye_w, eye_b):
    B, fh, fw, _ = features.shape
    ih, iw = image.shape[1], image.shape[2]
    anchors_np, inside_idx = generate_anchors(fh, fw, ih, iw)
    anchors_j = jnp.asarray(anchors_np)
    x = jax.nn.relu(conv2d(features, conv1_w, conv1_b))
    predicted_offsets = conv2d(x, reg_w, reg_b).reshape(B, -1, 4)
    objectivness = jax.nn.sigmoid(conv2d(x, cls_w, cls_b)).reshape(B, -1)
    eye_landmarks = conv2d(x, eye_w, eye_b).reshape(-1, 24)
    rois_l = []
    offs_l = []
    for b in range(B):
        ad = jnp.take(predicted_offsets[b], inside_idx, axis=0)
        sc = jnp.take(objectivness[b], inside_idx, axis=0)
        r, o = post_processing(anchors_j, ad, sc, ih, iw)
        rois_l.append(r)
        offs_l.append(o)
    rois = jnp.stack(rois_l, axis=0)
    original_predictions = jnp.stack(offs_l, axis=0)
    anchors_b = jnp.tile(anchors_j[None, :, :], (B, 1, 1))
    return rois, eye_landmarks, original_predictions, anchors_b

if __name__ == "__main__":
    import jax
    _d = setup_inputs()
    print(jax.jit(kernel)(*tuple(_d.values())))

</pallas_src>

<mosaic_0001>
#map = affine_map<(d0, d1) -> (0, 0)>
#map1 = affine_map<(d0, d1) -> (0, 0, 0)>
#map2 = affine_map<(d0, d1) -> (0)>
module attributes {stable_mosaic.version = 14 : i64} {
  func.func @_nms_body(%arg0: i32, %arg1: i32, %arg2: memref<2x9216xf32, #tpu.memory_space<hbm>>, %arg3: memref<2x4x9216xf32, #tpu.memory_space<hbm>>, %arg4: memref<2304xi32, #tpu.memory_space<hbm>>, %arg5: memref<16x4x144xf32, #tpu.memory_space<hbm>>, %arg6: memref<2x256x16xf32, #tpu.memory_space<hbm>>, %arg7: memref<9216xf32, #tpu.memory_space<vmem>>, %arg8: memref<4x9216xf32, #tpu.memory_space<vmem>>, %arg9: memref<144xi32, #tpu.memory_space<vmem>>, %arg10: memref<4x144xf32, #tpu.memory_space<vmem>>, %arg11: memref<144xf32, #tpu.memory_space<vmem>>, %arg12: memref<144xf32, #tpu.memory_space<vmem>>, %arg13: memref<144xf32, #tpu.memory_space<vmem>>, %arg14: memref<144xf32, #tpu.memory_space<vmem>>, %arg15: memref<144xf32, #tpu.memory_space<vmem>>, %arg16: memref<144xf32, #tpu.memory_space<vmem>>, %arg17: memref<144xf32, #tpu.memory_space<vmem>>, %arg18: memref<144xf32, #tpu.memory_space<vmem>>, %arg19: memref<144xf32, #tpu.memory_space<vmem>>, %arg20: memref<144xf32, #tpu.memory_space<vmem>>, %arg21: memref<16xf32, #tpu.memory_space<vmem>>, %arg22: memref<16x16xf32, #tpu.memory_space<vmem>>, %arg23: memref<256x16xf32, #tpu.memory_space<vmem>>, %arg24: memref<16x16xf32, #tpu.memory_space<vmem_shared>>) attributes {dimension_semantics = [#tpu.dimension_semantics<core_parallel>, #tpu.dimension_semantics<subcore_parallel>], iteration_bounds = array<i64: 2, 16>, scalar_prefetch = 0 : i64, scratch_operands = 18 : i64, tpu.core_type = #tpu.core_type<sc_vector_subcore>, window_params = [{transform_indices = #map}, {transform_indices = #map1}, {transform_indices = #map2}, {transform_indices = #map1}, {transform_indices = #map1}]} {
    %iota3A = tpu.iota {dimensions = array<i32: 0>} : vector<16xi32>
    "tpu.region"() ({
      %run_scoped3A = tpu.sem_alloc : memref<!tpu.dma_semaphore, #tpu.memory_space<semaphore_mem>>
      %dma_start3A = arith.constant 0 : i32
      %dma_start3A_995 = tpu.memref_slice %arg2[%arg0, %dma_start3A] : memref<2x9216xf32, #tpu.memory_space<hbm>> -> memref<1x9216xf32, #tpu.memory_space<hbm>>
      %dma_start3A_996 = tpu.memref_squeeze %dma_start3A_995 : memref<1x9216xf32, #tpu.memory_space<hbm>> -> memref<9216xf32, #tpu.memory_space<hbm>>
      %dma_start3A_997 = arith.constant 0 : i32
      %dma_start3A_998 = tpu.memref_slice %arg2[%arg0, %dma_start3A_997] : memref<2x9216xf32, #tpu.memory_space<hbm>> -> memref<1x9216xf32, #tpu.memory_space<hbm>>
      %dma_start3A_999 = tpu.memref_squeeze %dma_start3A_998 : memref<1x9216xf32, #tpu.memory_space<hbm>> -> memref<9216xf32, #tpu.memory_space<hbm>>
      tpu.enqueue_dma source(%dma_start3A_999 : memref<9216xf32, #tpu.memory_space<hbm>>) target(%arg7 : memref<9216xf32, #tpu.memory_space<vmem>>) target_semaphore(%run_scoped3A : memref<!tpu.dma_semaphore, #tpu.memory_space<semaphore_mem>>)
      %dma_wait3A = arith.constant 0 : i32
      %dma_wait3A_1000 = tpu.memref_slice %arg2[%arg0, %dma_wait3A] : memref<2x9216xf32, #tpu.memory_space<hbm>> -> memref<1x9216xf32, #tpu.memory_space<hbm>>
      %dma_wait3A_1001 = tpu.memref_squeeze %dma_wait3A_1000 : memref<1x9216xf32, #tpu.memory_space<hbm>> -> memref<9216xf32, #tpu.memory_space<hbm>>
      %dma_wait3A_1002 = arith.constant 0 : i32
      %dma_wait3A_1003 = tpu.memref_slice %arg2[%arg0, %dma_wait3A_1002] : memref<2x9216xf32, #tpu.memory_space<hbm>> -> memref<1x9216xf32, #tpu.memory_space<hbm>>
      %dma_wait3A_1004 = tpu.memref_squeeze %dma_wait3A_1003 : memref<1x9216xf32, #tpu.memory_space<hbm>> -> memref<9216xf32, #tpu.memory_space<hbm>>
      tpu.wait_dma2 semaphore(%run_scoped3A : memref<!tpu.dma_semaphore, #tpu.memory_space<semaphore_mem>>) src(%dma_wait3A_1004 : memref<9216xf32, #tpu.memory_space<hbm>>) dst(%arg7 : memref<9216xf32, #tpu.memory_space<vmem>>)
      tpu.yield
    }) : () -> ()
    "tpu.region"() ({
      %run_scoped3A = tpu.sem_alloc : memref<!tpu.dma_semaphore, #tpu.memory_space<semaphore_mem>>
      %dma_start3A = arith.constant 0 : i32
      %dma_start3A_995 = arith.constant 0 : i32
      %dma_start3A_996 = tpu.memref_slice %arg3[%arg0, %dma_start3A, %dma_start3A_995] : memref<2x4x9216xf32, #tpu.memory_space<hbm>> -> memref<1x4x9216xf32, #tpu.memory_space<hbm>>
      %dma_start3A_997 = tpu.memref_squeeze %dma_start3A_996 : memref<1x4x9216xf32, #tpu.memory_space<hbm>> -> memref<4x9216xf32, #tpu.memory_space<hbm>>
      %dma_start3A_998 = arith.constant 0 : i32
      %dma_start3A_999 = arith.constant 0 : i32
      %dma_start3A_1000 = tpu.memref_slice %arg3[%arg0, %dma_start3A_998, %dma_start3A_999] : memref<2x4x9216xf32, #tpu.memory_space<hbm>> -> memref<1x4x9216xf32, #tpu.memory_space<hbm>>
      %dma_start3A_1001 = tpu.memref_squeeze %dma_start3A_1000 : memref<1x4x9216xf32, #tpu.memory_space<hbm>> -> memref<4x9216xf32, #tpu.memory_space<hbm>>
      tpu.enqueue_dma source(%dma_start3A_1001 : memref<4x9216xf32, #tpu.memory_space<hbm>>) target(%arg8 : memref<4x9216xf32, #tpu.memory_space<vmem>>) target_semaphore(%run_scoped3A : memref<!tpu.dma_semaphore, #tpu.memory_space<semaphore_mem>>)
      %dma_wait3A = arith.constant 0 : i32
      %dma_wait3A_1002 = arith.constant 0 : i32
      %dma_wait3A_1003 = tpu.memref_slice %arg3[%arg0, %dma_wait3A, %dma_wait3A_1002] : memref<2x4x9216xf32, #tpu.memory_space<hbm>> -> memref<1x4x9216xf32, #tpu.memory_space<hbm>>
      %dma_wait3A_1004 = tpu.memref_squeeze %dma_wait3A_1003 : memref<1x4x9216xf32, #tpu.memory_space<hbm>> -> memref<4x9216xf32, #tpu.memory_space<hbm>>
      %dma_wait3A_1005 = arith.constant 0 : i32
      %dma_wait3A_1006 = arith.constant 0 : i32
      %dma_wait3A_1007 = tpu.memref_slice %arg3[%arg0, %dma_wait3A_1005, %dma_wait3A_1006] : memref<2x4x9216xf32, #tpu.memory_space<hbm>> -> memref<1x4x9216xf32, #tpu.memory_space<hbm>>
      %dma_wait3A_1008 = tpu.memref_squeeze %dma_wait3A_1007 : memref<1x4x9216xf32, #tpu.memory_space<hbm>> -> memref<4x9216xf32, #tpu.memory_space<hbm>>
      tpu.wait_dma2 semaphore(%run_scoped3A : memref<!tpu.dma_semaphore, #tpu.memory_space<semaphore_mem>>) src(%dma_wait3A_1008 : memref<4x9216xf32, #tpu.memory_space<hbm>>) dst(%arg8 : memref<4x9216xf32, #tpu.memory_space<vmem>>)
      tpu.yield
    }) : () -> ()
    %mul3A = arith.constant 144 : i32
    %mul3A_0 = arith.muli %arg1, %mul3A : i32
    "tpu.region"() ({
      %run_scoped3A = tpu.sem_alloc : memref<!tpu.dma_semaphore, #tpu.memory_space<semaphore_mem>>
      %dma_start3A = tpu.memref_slice %arg4[%mul3A_0] : memref<2304xi32, #tpu.memory_space<hbm>> -> memref<144xi32, #tpu.memory_space<hbm>>
      %dma_start3A_995 = tpu.memref_slice %arg4[%mul3A_0] : memref<2304xi32, #tpu.memory_space<hbm>> -> memref<144xi32, #tpu.memory_space<hbm>>
      tpu.enqueue_dma source(%dma_start3A_995 : memref<144xi32, #tpu.memory_space<hbm>>) target(%arg9 : memref<144xi32, #tpu.memory_space<vmem>>) target_semaphore(%run_scoped3A : memref<!tpu.dma_semaphore, #tpu.memory_space<semaphore_mem>>)
      %dma_wait3A = tpu.memref_slice %arg4[%mul3A_0] : memref<2304xi32, #tpu.memory_space<hbm>> -> memref<144xi32, #tpu.memory_space<hbm>>
      %dma_wait3A_996 = tpu.memref_slice %arg4[%mul3A_0] : memref<2304xi32, #tpu.memory_space<hbm>> -> memref<144xi32, #tpu.memory_space<hbm>>
      tpu.wait_dma2 semaphore(%run_scoped3A : memref<!tpu.dma_semaphore, #tpu.memory_space<semaphore_mem>>) src(%dma_wait3A_996 : memref<144xi32, #tpu.memory_space<hbm>>) dst(%arg9 : memref<144xi32, #tpu.memory_space<vmem>>)
      tpu.yield
    }) : () -> ()
    "tpu.region"() ({
      %run_scoped3A = tpu.sem_alloc : memref<!tpu.dma_semaphore, #tpu.memory_space<semaphore_mem>>
      %dma_start3A = arith.constant 0 : i32
      %dma_start3A_995 = arith.constant 0 : i32
      %dma_start3A_996 = tpu.memref_slice %arg5[%arg1, %dma_start3A, %dma_start3A_995] : memref<16x4x144xf32, #tpu.memory_space<hbm>> -> memref<1x4x144xf32, #tpu.memory_space<hbm>>
      %dma_start3A_997 = tpu.memref_squeeze %dma_start3A_996 : memref<1x4x144xf32, #tpu.memory_space<hbm>> -> memref<4x144xf32, #tpu.memory_space<hbm>>
      %dma_start3A_998 = arith.constant 0 : i32
      %dma_start3A_999 = arith.constant 0 : i32
      %dma_start3A_1000 = tpu.memref_slice %arg5[%arg1, %dma_start3A_998, %dma_start3A_999] : memref<16x4x144xf32, #tpu.memory_space<hbm>> -> memref<1x4x144xf32, #tpu.memory_space<hbm>>
      %dma_start3A_1001 = tpu.memref_squeeze %dma_start3A_1000 : memref<1x4x144xf32, #tpu.memory_space<hbm>> -> memref<4x144xf32, #tpu.memory_space<hbm>>
      tpu.enqueue_dma source(%dma_start3A_1001 : memref<4x144xf32, #tpu.memory_space<hbm>>) target(%arg10 : memref<4x144xf32, #tpu.memory_space<vmem>>) target_semaphore(%run_scoped3A : memref<!tpu.dma_semaphore, #tpu.memory_space<semaphore_mem>>)
      %dma_wait3A = arith.constant 0 : i32
      %dma_wait3A_1002 = arith.constant 0 : i32
      %dma_wait3A_1003 = tpu.memref_slice %arg5[%arg1, %dma_wait3A, %dma_wait3A_1002] : memref<16x4x144xf32, #tpu.memory_space<hbm>> -> memref<1x4x144xf32, #tpu.memory_space<hbm>>
      %dma_wait3A_1004 = tpu.memref_squeeze %dma_wait3A_1003 : memref<1x4x144xf32, #tpu.memory_space<hbm>> -> memref<4x144xf32, #tpu.memory_space<hbm>>
      %dma_wait3A_1005 = arith.constant 0 : i32
      %dma_wait3A_1006 = arith.constant 0 : i32
      %dma_wait3A_1007 = tpu.memref_slice %arg5[%arg1, %dma_wait3A_1005, %dma_wait3A_1006] : memref<16x4x144xf32, #tpu.memory_space<hbm>> -> memref<1x4x144xf32, #tpu.memory_space<hbm>>
      %dma_wait3A_1008 = tpu.memref_squeeze %dma_wait3A_1007 : memref<1x4x144xf32, #tpu.memory_space<hbm>> -> memref<4x144xf32, #tpu.memory_space<hbm>>
      tpu.wait_dma2 semaphore(%run_scoped3A : memref<!tpu.dma_semaphore, #tpu.memory_space<semaphore_mem>>) src(%dma_wait3A_1008 : memref<4x144xf32, #tpu.memory_space<hbm>>) dst(%arg10 : memref<4x144xf32, #tpu.memory_space<vmem>>)
      tpu.yield
    }) : () -> ()
    %get3A = arith.constant 0 : index
    %get3A_1 = tpu.vector_load %arg9[%get3A] {strides = array<i32>} : memref<144xi32, #tpu.memory_space<vmem>>, vector<16xi32>,
    %gather3A = tpu.vector_load_idx %arg7[%get3A_1] : memref<9216xf32, #tpu.memory_space<vmem>>[vector<16xi32>], vector<16xf32>,
    %broadcast_in_dim3A = arith.constant 0 : i32
    %broadcast_in_dim3A_2 = vector.broadcast %broadcast_in_dim3A : i32 to vector<16xi32>
    %gather3A_3 = tpu.vector_load_idx %arg8[%broadcast_in_dim3A_2, %get3A_1] : memref<4x9216xf32, #tpu.memory_space<vmem>>[vector<16xi32>, vector<16xi32>], vector<16xf32>,
    %broadcast_in_dim3A_4 = arith.constant 1 : i32
    %broadcast_in_dim3A_5 = vector.broadcast %broadcast_in_dim3A_4 : i32 to vector<16xi32>
    %gather3A_6 = tpu.vector_load_idx %arg8[%broadcast_in_dim3A_5, %get3A_1] : memref<4x9216xf32, #tpu.memory_space<vmem>>[vector<16xi32>, vector<16xi32>], vector<16xf32>,
    %broadcast_in_dim3A_7 = arith.constant 2 : i32
    %broadcast_in_dim3A_8 = vector.broadcast %broadcast_in_dim3A_7 : i32 to vector<16xi32>
    %gather3A_9 = tpu.vector_load_idx %arg8[%broadcast_in_dim3A_8, %get3A_1] : memref<4x9216xf32, #tpu.memory_space<vmem>>[vector<16xi32>, vector<16xi32>], vector<16xf32>,
    %broadcast_in_dim3A_10 = arith.constant 3 : i32
    %broadcast_in_dim3A_11 = vector.broadcast %broadcast_in_dim3A_10 : i32 to vector<16xi32>
    %gather3A_12 = tpu.vector_load_idx %arg8[%broadcast_in_dim3A_11, %get3A_1] : memref<4x9216xf32, #tpu.memory_space<vmem>>[vector<16xi32>, vector<16xi32>], vector<16xf32>,
    %get3A_13 = arith.constant 0 : i32
    %get3A_14 = arith.index_cast %get3A_13 : i32 to index
    %get3A_15 = arith.constant 0 : index
    %get3A_16 = tpu.vector_load %arg10[%get3A_14, %get3A_15] {strides = array<i32>} : memref<4x144xf32, #tpu.memory_space<vmem>>, vector<16xf32>,
    %get3A_17 = arith.constant 1 : i32
    %get3A_18 = arith.index_cast %get3A_17 : i32 to index
    %get3A_19 = arith.constant 0 : index
    %get3A_20 = tpu.vector_load %arg10[%get3A_18, %get3A_19] {strides = array<i32>} : memref<4x144xf32, #tpu.memory_space<vmem>>, vector<16xf32>,
    %get3A_21 = arith.constant 2 : i32
    %get3A_22 = arith.index_cast %get3A_21 : i32 to index
    %get3A_23 = arith.constant 0 : index
    %get3A_24 = tpu.vector_load %arg10[%get3A_22, %get3A_23] {strides = array<i32>} : memref<4x144xf32, #tpu.memory_space<vmem>>, vector<16xf32>,
    %get3A_25 = arith.constant 3 : i32
    %get3A_26 = arith.index_cast %get3A_25 : i32 to index
    %get3A_27 = arith.constant 0 : index
    %get3A_28 = tpu.vector_load %arg10[%get3A_26, %get3A_27] {strides = array<i32>} : memref<4x144xf32, #tpu.memory_space<vmem>>, vector<16xf32>,
    %mul3A_29 = arith.mulf %gather3A_3, %get3A_24 : vector<16xf32>
    %add3A = arith.addf %mul3A_29, %get3A_16 : vector<16xf32>
    %mul3A_30 = arith.mulf %gather3A_6, %get3A_28 : vector<16xf32>
    %add3A_31 = arith.addf %mul3A_30, %get3A_20 : vector<16xf32>
    %exp3A = math.exp %gather3A_9 : vector<16xf32>
    %mul3A_32 = arith.mulf %exp3A, %get3A_24 : vector<16xf32>
    %exp3A_33 = math.exp %gather3A_12 : vector<16xf32>
    %mul3A_34 = arith.mulf %exp3A_33, %get3A_28 : vector<16xf32>
    %mul3A_35 = arith.constant 5.000000e-01 : f32
    %mul3A_36 = vector.broadcast %mul3A_35 : f32 to vector<16xf32>
    %mul3A_37 = arith.mulf %mul3A_32, %mul3A_36 : vector<16xf32>
    %sub3A = arith.subf %add3A, %mul3A_37 : vector<16xf32>
    %max3A = arith.constant 0.000000e+00 : f32
    %max3A_38 = vector.broadcast %max3A : f32 to vector<16xf32>
    %max3A_39 = arith.maximumf %sub3A, %max3A_38 : vector<16xf32>
    %min3A = arith.constant 5.120000e+02 : f32
    %min3A_40 = vector.broadcast %min3A : f32 to vector<16xf32>
    %min3A_41 = arith.minimumf %max3A_39, %min3A_40 : vector<16xf32>
    %mul3A_42 = arith.constant 5.000000e-01 : f32
    %mul3A_43 = vector.broadcast %mul3A_42 : f32 to vector<16xf32>
    %mul3A_44 = arith.mulf %mul3A_34, %mul3A_43 : vector<16xf32>
    %sub3A_45 = arith.subf %add3A_31, %mul3A_44 : vector<16xf32>
    %max3A_46 = arith.constant 0.000000e+00 : f32
    %max3A_47 = vector.broadcast %max3A_46 : f32 to vector<16xf32>
    %max3A_48 = arith.maximumf %sub3A_45, %max3A_47 : vector<16xf32>
    %min3A_49 = arith.constant 5.120000e+02 : f32
    %min3A_50 = vector.broadcast %min3A_49 : f32 to vector<16xf32>
    %min3A_51 = arith.minimumf %max3A_48, %min3A_50 : vector<16xf32>
    %mul3A_52 = arith.constant 5.000000e-01 : f32
    %mul3A_53 = vector.broadcast %mul3A_52 : f32 to vector<16xf32>
    %mul3A_54 = arith.mulf %mul3A_32, %mul3A_53 : vector<16xf32>
    %add3A_55 = arith.addf %add3A, %mul3A_54 : vector<16xf32>
    %max3A_56 = arith.constant 0.000000e+00 : f32
    %max3A_57 = vector.broadcast %max3A_56 : f32 to vector<16xf32>
    %max3A_58 = arith.maximumf %add3A_55, %max3A_57 : vector<16xf32>
    %min3A_59 = arith.constant 5.120000e+02 : f32
    %min3A_60 = vector.broadcast %min3A_59 : f32 to vector<16xf32>
    %min3A_61 = arith.minimumf %max3A_58, %min3A_60 : vector<16xf32>
    %mul3A_62 = arith.constant 5.000000e-01 : f32
    %mul3A_63 = vector.broadcast %mul3A_62 : f32 to vector<16xf32>
    %mul3A_64 = arith.mulf %mul3A_34, %mul3A_63 : vector<16xf32>
    %add3A_65 = arith.addf %add3A_31, %mul3A_64 : vector<16xf32>
    %max3A_66 = arith.constant 0.000000e+00 : f32
    %max3A_67 = vector.broadcast %max3A_66 : f32 to vector<16xf32>
    %max3A_68 = arith.maximumf %add3A_65, %max3A_67 : vector<16xf32>
    %min3A_69 = arith.constant 5.120000e+02 : f32
    %min3A_70 = vector.broadcast %min3A_69 : f32 to vector<16xf32>
    %min3A_71 = arith.minimumf %max3A_68, %min3A_70 : vector<16xf32>
    %sub3A_72 = arith.subf %min3A_61, %min3A_41 : vector<16xf32>
    %sub3A_73 = arith.subf %min3A_71, %min3A_51 : vector<16xf32>
    %mul3A_74 = arith.mulf %sub3A_72, %sub3A_73 : vector<16xf32>
    %add3A_75 = arith.constant 0 : i32
    %add3A_76 = vector.broadcast %add3A_75 : i32 to vector<16xi32>
    %add3A_77 = arith.addi %add3A_76, %iota3A : vector<16xi32>
    %lt3A = arith.constant 142 : i32
    %lt3A_78 = vector.broadcast %lt3A : i32 to vector<16xi32>
    %lt3A_79 = arith.cmpi slt, %add3A_77, %lt3A_78 : vector<16xi32>
    %swap3A = arith.constant 0 : index
    %swap3A_80 = tpu.vector_load %arg11[%swap3A] {strides = array<i32>} : memref<144xf32, #tpu.memory_space<vmem>>, vector<16xf32>,
    tpu.vector_store %arg11[%swap3A], %min3A_41 {strides = array<i32>} : memref<144xf32, #tpu.memory_space<vmem>>, vector<16xf32>,
    %swap3A_81 = arith.constant 0 : index
    %swap3A_82 = tpu.vector_load %arg12[%swap3A_81] {strides = array<i32>} : memref<144xf32, #tpu.memory_space<vmem>>, vector<16xf32>,
    tpu.vector_store %arg12[%swap3A_81], %min3A_51 {strides = array<i32>} : memref<144xf32, #tpu.memory_space<vmem>>, vector<16xf32>,
    %swap3A_83 = arith.constant 0 : index
    %swap3A_84 = tpu.vector_load %arg13[%swap3A_83] {strides = array<i32>} : memref<144xf32, #tpu.memory_space<vmem>>, vector<16xf32>,
    tpu.vector_store %arg13[%swap3A_83], %min3A_61 {strides = array<i32>} : memref<144xf32, #tpu.memory_space<vmem>>, vector<16xf32>,
    %swap3A_85 = arith.constant 0 : index
    %swap3A_86 = tpu.vector_load %arg14[%swap3A_85] {strides = array<i32>} : memref<144xf32, #tpu.memory_space<vmem>>, vector<16xf32>,
    tpu.vector_store %arg14[%swap3A_85], %min3A_71 {strides = array<i32>} : memref<144xf32, #tpu.memory_space<vmem>>, vector<16xf32>,
    %swap3A_87 = arith.constant 0 : index
    %swap3A_88 = tpu.vector_load %arg15[%swap3A_87] {strides = array<i32>} : memref<144xf32, #tpu.memory_space<vmem>>, vector<16xf32>,
    tpu.vector_store %arg15[%swap3A_87], %mul3A_74 {strides = array<i32>} : memref<144xf32, #tpu.memory_space<vmem>>, vector<16xf32>,
    %jit3A = arith.constant -1.000000e+30 : f32
    %broadcast_in_dim3A_89 = vector.broadcast %jit3A : f32 to vector<16xf32>
    %select_n3A = arith.select %lt3A_79, %gather3A, %broadcast_in_dim3A_89 : vector<16xi1>, vector<16xf32>
    %swap3A_90 = arith.constant 0 : index
    %swap3A_91 = tpu.vector_load %arg16[%swap3A_90] {strides = array<i32>} : memref<144xf32, #tpu.memory_space<vmem>>, vector<16xf32>,
    tpu.vector_store %arg16[%swap3A_90], %select_n3A {strides = array<i32>} : memref<144xf32, #tpu.memory_space<vmem>>, vector<16xf32>,
    %swap3A_92 = arith.constant 0 : index
    %swap3A_93 = tpu.vector_load %arg17[%swap3A_92] {strides = array<i32>} : memref<144xf32, #tpu.memory_space<vmem>>, vector<16xf32>,
    tpu.vector_store %arg17[%swap3A_92], %gather3A_3 {strides = array<i32>} : memref<144xf32, #tpu.memory_space<vmem>>, vector<16xf32>,
    %swap3A_94 = arith.constant 0 : index
    %swap3A_95 = tpu.vector_load %arg18[%swap3A_94] {strides = array<i32>} : memref<144xf32, #tpu.memory_space<vmem>>, vector<16xf32>,
    tpu.vector_store %arg18[%swap3A_94], %gather3A_6 {strides = array<i32>} : memref<144xf32, #tpu.memory_space<vmem>>, vector<16xf32>,
    %swap3A_96 = arith.constant 0 : index
    %swap3A_97 = tpu.vector_load %arg19[%swap3A_96] {strides = array<i32>} : memref<144xf32, #tpu.memory_space<vmem>>, vector<16xf32>,
    tpu.vector_store %arg19[%swap3A_96], %gather3A_9 {strides = array<i32>} : memref<144xf32, #tpu.memory_space<vmem>>, vector<16xf32>,
    %swap3A_98 = arith.constant 0 : index
    %swap3A_99 = tpu.vector_load %arg20[%swap3A_98] {strides = array<i32>} : memref<144xf32, #tpu.memory_space<vmem>>, vector<16xf32>,
    tpu.vector_store %arg20[%swap3A_98], %gather3A_12 {strides = array<i32>} : memref<144xf32, #tpu.memory_space<vmem>>, vector<16xf32>,
    %get3A_100 = arith.constant 16 : index
    %get3A_101 = tpu.vector_load %arg9[%get3A_100] {strides = array<i32>} : memref<144xi32, #tpu.memory_space<vmem>>, vector<16xi32>,
    %gather3A_102 = tpu.vector_load_idx %arg7[%get3A_101] : memref<9216xf32, #tpu.memory_space<vmem>>[vector<16xi32>], vector<16xf32>,
    %broadcast_in_dim3A_103 = arith.constant 0 : i32
    %broadcast_in_dim3A_104 = vector.broadcast %broadcast_in_dim3A_103 : i32 to vector<16xi32>
    %gather3A_105 = tpu.vector_load_idx %arg8[%broadcast_in_dim3A_104, %get3A_101] : memref<4x9216xf32, #tpu.memory_space<vmem>>[vector<16xi32>, vector<16xi32>], vector<16xf32>,
    %broadcast_in_dim3A_106 = arith.constant 1 : i32
    %broadcast_in_dim3A_107 = vector.broadcast %broadcast_in_dim3A_106 : i32 to vector<16xi32>
    %gather3A_108 = tpu.vector_load_idx %arg8[%broadcast_in_dim3A_107, %get3A_101] : memref<4x9216xf32, #tpu.memory_space<vmem>>[vector<16xi32>, vector<16xi32>], vector<16xf32>,
    %broadcast_in_dim3A_109 = arith.constant 2 : i32
    %broadcast_in_dim3A_110 = vector.broadcast %broadcast_in_dim3A_109 : i32 to vector<16xi32>
    %gather3A_111 = tpu.vector_load_idx %arg8[%broadcast_in_dim3A_110, %get3A_101] : memref<4x9216xf32, #tpu.memory_space<vmem>>[vector<16xi32>, vector<16xi32>], vector<16xf32>,
    %broadcast_in_dim3A_112 = arith.constant 3 : i32
    %broadcast_in_dim3A_113 = vector.broadcast %broadcast_in_dim3A_112 : i32 to vector<16xi32>
    %gather3A_114 = tpu.vector_load_idx %arg8[%broadcast_in_dim3A_113, %get3A_101] : memref<4x9216xf32, #tpu.memory_space<vmem>>[vector<16xi32>, vector<16xi32>], vector<16xf32>,
    %get3A_115 = arith.constant 0 : i32
    %get3A_116 = arith.index_cast %get3A_115 : i32 to index
    %get3A_117 = arith.constant 16 : index
    %get3A_118 = tpu.vector_load %arg10[%get3A_116, %get3A_117] {strides = array<i32>} : memref<4x144xf32, #tpu.memory_space<vmem>>, vector<16xf32>,
    %get3A_119 = arith.constant 1 : i32
    %get3A_120 = arith.index_cast %get3A_119 : i32 to index
    %get3A_121 = arith.constant 16 : index
    %get3A_122 = tpu.vector_load %arg10[%get3A_120, %get3A_121] {strides = array<i32>} : memref<4x144xf32, #tpu.memory_space<vmem>>, vector<16xf32>,
    %get3A_123 = arith.constant 2 : i32
    %get3A_124 = arith.index_cast %get3A_123 : i32 to index
    %get3A_125 = arith.constant 16 : index
    %get3A_126 = tpu.vector_load %arg10[%get3A_124, %get3A_125] {strides = array<i32>} : memref<4x144xf32, #tpu.memory_space<vmem>>, vector<16xf32>,
    %get3A_127 = arith.constant 3 : i32
    %get3A_128 = arith.index_cast %get3A_127 : i32 to index
    %get3A_129 = arith.constant 16 : index
    %get3A_130 = tpu.vector_load %arg10[%get3A_128, %get3A_129] {strides = array<i32>} : memref<4x144xf32, #tpu.memory_space<vmem>>, vector<16xf32>,
    %mul3A_131 = arith.mulf %gather3A_105, %get3A_126 : vector<16xf32>
    %add3A_132 = arith.addf %mul3A_131, %get3A_118 : vector<16xf32>
    %mul3A_133 = arith.mulf %gather3A_108, %get3A_130 : vector<16xf32>
    %add3A_134 = arith.addf %mul3A_133, %get3A_122 : vector<16xf32>
    %exp3A_135 = math.exp %gather3A_111 : vector<16xf32>
    %mul3A_136 = arith.mulf %exp3A_135, %get3A_126 : vector<16xf32>
    %exp3A_137 = math.exp %gather3A_114 : vector<16xf32>
    %mul3A_138 = arith.mulf %exp3A_137, %get3A_130 : vector<16xf32>
    %mul3A_139 = arith.constant 5.000000e-01 : f32
    %mul3A_140 = vector.broadcast %mul3A_139 : f32 to vector<16xf32>
    %mul3A_141 = arith.mulf %mul3A_136, %mul3A_140 : vector<16xf32>
    %sub3A_142 = arith.subf %add3A_132, %mul3A_141 : vector<16xf32>
    %max3A_143 = arith.constant 0.000000e+00 : f32
    %max3A_144 = vector.broadcast %max3A_143 : f32 to vector<16xf32>
    %max3A_145 = arith.maximumf %sub3A_142, %max3A_144 : vector<16xf32>
    %min3A_146 = arith.constant 5.120000e+02 : f32
    %min3A_147 = vector.broadcast %min3A_146 : f32 to vector<16xf32>
    %min3A_148 = arith.minimumf %max3A_145, %min3A_147 : vector<16xf32>
    %mul3A_149 = arith.constant 5.000000e-01 : f32
    %mul3A_150 = vector.broadcast %mul3A_149 : f32 to vector<16xf32>
    %mul3A_151 = arith.mulf %mul3A_138, %mul3A_150 : vector<16xf32>
    %sub3A_152 = arith.subf %add3A_134, %mul3A_151 : vector<16xf32>
    %max3A_153 = arith.constant 0.000000e+00 : f32
    %max3A_154 = vector.broadcast %max3A_153 : f32 to vector<16xf32>
    %max3A_155 = arith.maximumf %sub3A_152, %max3A_154 : vector<16xf32>
    %min3A_156 = arith.constant 5.120000e+02 : f32
    %min3A_157 = vector.broadcast %min3A_156 : f32 to vector<16xf32>
    %min3A_158 = arith.minimumf %max3A_155, %min3A_157 : vector<16xf32>
    %mul3A_159 = arith.constant 5.000000e-01 : f32
    %mul3A_160 = vector.broadcast %mul3A_159 : f32 to vector<16xf32>
    %mul3A_161 = arith.mulf %mul3A_136, %mul3A_160 : vector<16xf32>
    %add3A_162 = arith.addf %add3A_132, %mul3A_161 : vector<16xf32>
    %max3A_163 = arith.constant 0.000000e+00 : f32
    %max3A_164 = vector.broadcast %max3A_163 : f32 to vector<16xf32>
    %max3A_165 = arith.maximumf %add3A_162, %max3A_164 : vector<16xf32>
    %min3A_166 = arith.constant 5.120000e+02 : f32
    %min3A_167 = vector.broadcast %min3A_166 : f32 to vector<16xf32>
    %min3A_168 = arith.minimumf %max3A_165, %min3A_167 : vector<16xf32>
    %mul3A_169 = arith.constant 5.000000e-01 : f32
    %mul3A_170 = vector.broadcast %mul3A_169 : f32 to vector<16xf32>
    %mul3A_171 = arith.mulf %mul3A_138, %mul3A_170 : vector<16xf32>
    %add3A_172 = arith.addf %add3A_134, %mul3A_171 : vector<16xf32>
    %max3A_173 = arith.constant 0.000000e+00 : f32
    %max3A_174 = vector.broadcast %max3A_173 : f32 to vector<16xf32>
    %max3A_175 = arith.maximumf %add3A_172, %max3A_174 : vector<16xf32>
    %min3A_176 = arith.constant 5.120000e+02 : f32
    %min3A_177 = vector.broadcast %min3A_176 : f32 to vector<16xf32>
    %min3A_178 = arith.minimumf %max3A_175, %min3A_177 : vector<16xf32>
    %sub3A_179 = arith.subf %min3A_168, %min3A_148 : vector<16xf32>
    %sub3A_180 = arith.subf %min3A_178, %min3A_158 : vector<16xf32>
    %mul3A_181 = arith.mulf %sub3A_179, %sub3A_180 : vector<16xf32>
    %add3A_182 = arith.constant 16 : i32
    %add3A_183 = vector.broadcast %add3A_182 : i32 to vector<16xi32>
    %add3A_184 = arith.addi %add3A_183, %iota3A : vector<16xi32>
    %lt3A_185 = arith.constant 142 : i32
    %lt3A_186 = vector.broadcast %lt3A_185 : i32 to vector<16xi32>
    %lt3A_187 = arith.cmpi slt, %add3A_184, %lt3A_186 : vector<16xi32>
    %swap3A_188 = arith.constant 16 : index
    %swap3A_189 = tpu.vector_load %arg11[%swap3A_188] {strides = array<i32>} : memref<144xf32, #tpu.memory_space<vmem>>, vector<16xf32>,
    tpu.vector_store %arg11[%swap3A_188], %min3A_148 {strides = array<i32>} : memref<144xf32, #tpu.memory_space<vmem>>, vector<16xf32>,
    %swap3A_190 = arith.constant 16 : index
    %swap3A_191 = tpu.vector_load %arg12[%swap3A_190] {strides = array<i32>} : memref<144xf32, #tpu.memory_space<vmem>>, vector<16xf32>,
    tpu.vector_store %arg12[%swap3A_190], %min3A_158 {strides = array<i32>} : memref<144xf32, #tpu.memory_space<vmem>>, vector<16xf32>,
    %swap3A_192 = arith.constant 16 : index
    %swap3A_193 = tpu.vector_load %arg13[%swap3A_192] {strides = array<i32>} : memref<144xf32, #tpu.memory_space<vmem>>, vector<16xf32>,
    tpu.vector_store %arg13[%swap3A_192], %min3A_168 {strides = array<i32>} : memref<144xf32, #tpu.memory_space<vmem>>, vector<16xf32>,
    %swap3A_194 = arith.constant 16 : index
    %swap3A_195 = tpu.vector_load %arg14[%swap3A_194] {strides = array<i32>} : memref<144xf32, #tpu.memory_space<vmem>>, vector<16xf32>,
    tpu.vector_store %arg14[%swap3A_194], %min3A_178 {strides = array<i32>} : memref<144xf32, #tpu.memory_space<vmem>>, vector<16xf32>,
    %swap3A_196 = arith.constant 16 : index
    %swap3A_197 = tpu.vector_load %arg15[%swap3A_196] {strides = array<i32>} : memref<144xf32, #tpu.memory_space<vmem>>, vector<16xf32>,
    tpu.vector_store %arg15[%swap3A_196], %mul3A_181 {strides = array<i32>} : memref<144xf32, #tpu.memory_space<vmem>>, vector<16xf32>,
    %jit3A_198 = arith.constant -1.000000e+30 : f32
    %broadcast_in_dim3A_199 = vector.broadcast %jit3A_198 : f32 to vector<16xf32>
    %select_n3A_200 = arith.select %lt3A_187, %gather3A_102, %broadcast_in_dim3A_199 : vector<16xi1>, vector<16xf32>
    %swap3A_201 = arith.constant 16 : index
    %swap3A_202 = tpu.vector_load %arg16[%swap3A_201] {strides = array<i32>} : memref<144xf32, #tpu.memory_space<vmem>>, vector<16xf32>,
    tpu.vector_store %arg16[%swap3A_201], %select_n3A_200 {strides = array<i32>} : memref<144xf32, #tpu.memory_space<vmem>>, vector<16xf32>,
    %swap3A_203 = arith.constant 16 : index
    %swap3A_204 = tpu.vector_load %arg17[%swap3A_203] {strides = array<i32>} : memref<144xf32, #tpu.memory_space<vmem>>, vector<16xf32>,
    tpu.vector_store %arg17[%swap3A_203], %gather3A_105 {strides = array<i32>} : memref<144xf32, #tpu.memory_space<vmem>>, vector<16xf32>,
    %swap3A_205 = arith.constant 16 : index
    %swap3A_206 = tpu.vector_load %arg18[%swap3A_205] {strides = array<i32>} : memref<144xf32, #tpu.memory_space<vmem>>, vector<16xf32>,
    tpu.vector_store %arg18[%swap3A_205], %gather3A_108 {strides = array<i32>} : memref<144xf32, #tpu.memory_space<vmem>>, vector<16xf32>,
    %swap3A_207 = arith.constant 16 : index
    %swap3A_208 = tpu.vector_load %arg19[%swap3A_207] {strides = array<i32>} : memref<144xf32, #tpu.memory_space<vmem>>, vector<16xf32>,
    tpu.vector_store %arg19[%swap3A_207], %gather3A_111 {strides = array<i32>} : memref<144xf32, #tpu.memory_space<vmem>>, vector<16xf32>,
    %swap3A_209 = arith.constant 16 : index
    %swap3A_210 = tpu.vector_load %arg20[%swap3A_209] {strides = array<i32>} : memref<144xf32, #tpu.memory_space<vmem>>, vector<16xf32>,
    tpu.vector_store %arg20[%swap3A_209], %gather3A_114 {strides = array<i32>} : memref<144xf32, #tpu.memory_space<vmem>>, vector<16xf32>,
    %get3A_211 = arith.constant 32 : index
    %get3A_212 = tpu.vector_load %arg9[%get3A_211] {strides = array<i32>} : memref<144xi32, #tpu.memory_space<vmem>>, vector<16xi32>,
    %gather3A_213 = tpu.vector_load_idx %arg7[%get3A_212] : memref<9216xf32, #tpu.memory_space<vmem>>[vector<16xi32>], vector<16xf32>,
    %broadcast_in_dim3A_214 = arith.constant 0 : i32
    %broadcast_in_dim3A_215 = vector.broadcast %broadcast_in_dim3A_214 : i32 to vector<16xi32>
    %gather3A_216 = tpu.vector_load_idx %arg8[%broadcast_in_dim3A_215, %get3A_212] : memref<4x9216xf32, #tpu.memory_space<vmem>>[vector<16xi32>, vector<16xi32>], vector<16xf32>,
    %broadcast_in_dim3A_217 = arith.constant 1 : i32
    %broadcast_in_dim3A_218 = vector.broadcast %broadcast_in_dim3A_217 : i32 to vector<16xi32>
    %gather3A_219 = tpu.vector_load_idx %arg8[%broadcast_in_dim3A_218, %get3A_212] : memref<4x9216xf32, #tpu.memory_space<vmem>>[vector<16xi32>, vector<16xi32>], vector<16xf32>,
    %broadcast_in_dim3A_220 = arith.constant 2 : i32
    %broadcast_in_dim3A_221 = vector.broadcast %broadcast_in_dim3A_220 : i32 to vector<16xi32>
    %gather3A_222 = tpu.vector_load_idx %arg8[%broadcast_in_dim3A_221, %get3A_212] : memref<4x9216xf32, #tpu.memory_space<vmem>>[vector<16xi32>, vector<16xi32>], vector<16xf32>,
    %broadcast_in_dim3A_223 = arith.constant 3 : i32
    %broadcast_in_dim3A_224 = vector.broadcast %broadcast_in_dim3A_223 : i32 to vector<16xi32>
    %gather3A_225 = tpu.vector_load_idx %arg8[%broadcast_in_dim3A_224, %get3A_212] : memref<4x9216xf32, #tpu.memory_space<vmem>>[vector<16xi32>, vector<16xi32>], vector<16xf32>,
    %get3A_226 = arith.constant 0 : i32
    %get3A_227 = arith.index_cast %get3A_226 : i32 to index
    %get3A_228 = arith.constant 32 : index
    %get3A_229 = tpu.vector_load %arg10[%get3A_227, %get3A_228] {strides = array<i32>} : memref<4x144xf32, #tpu.memory_space<vmem>>, vector<16xf32>,
    %get3A_230 = arith.constant 1 : i32
    %get3A_231 = arith.index_cast %get3A_230 : i32 to index
    %get3A_232 = arith.constant 32 : index
    %get3A_233 = tpu.vector_load %arg10[%get3A_231, %get3A_232] {strides = array<i32>} : memref<4x144xf32, #tpu.memory_space<vmem>>, vector<16xf32>,
    %get3A_234 = arith.constant 2 : i32
    %get3A_235 = arith.index_cast %get3A_234 : i32 to index
    %get3A_236 = arith.constant 32 : index
    %get3A_237 = tpu.vector_load %arg10[%get3A_235, %get3A_236] {strides = array<i32>} : memref<4x144xf32, #tpu.memory_space<vmem>>, vector<16xf32>,
    %get3A_238 = arith.constant 3 : i32
    %get3A_239 = arith.index_cast %get3A_238 : i32 to index
    %get3A_240 = arith.constant 32 : index
    %get3A_241 = tpu.vector_load %arg10[%get3A_239, %get3A_240] {strides = array<i32>} : memref<4x144xf32, #tpu.memory_space<vmem>>, vector<16xf32>,
    %mul3A_242 = arith.mulf %gather3A_216, %get3A_237 : vector<16xf32>
    %add3A_243 = arith.addf %mul3A_242, %get3A_229 : vector<16xf32>
    %mul3A_244 = arith.mulf %gather3A_219, %get3A_241 : vector<16xf32>
    %add3A_245 = arith.addf %mul3A_244, %get3A_233 : vector<16xf32>
    %exp3A_246 = math.exp %gather3A_222 : vector<16xf32>
    %mul3A_247 = arith.mulf %exp3A_246, %get3A_237 : vector<16xf32>
    %exp3A_248 = math.exp %gather3A_225 : vector<16xf32>
    %mul3A_249 = arith.mulf %exp3A_248, %get3A_241 : vector<16xf32>
    %mul3A_250 = arith.constant 5.000000e-01 : f32
    %mul3A_251 = vector.broadcast %mul3A_250 : f32 to vector<16xf32>
    %mul3A_252 = arith.mulf %mul3A_247, %mul3A_251 : vector<16xf32>
    %sub3A_253 = arith.subf %add3A_243, %mul3A_252 : vector<16xf32>
    %max3A_254 = arith.constant 0.000000e+00 : f32
    %max3A_255 = vector.broadcast %max3A_254 : f32 to vector<16xf32>
    %max3A_256 = arith.maximumf %sub3A_253, %max3A_255 : vector<16xf32>
    %min3A_257 = arith.constant 5.120000e+02 : f32
    %min3A_258 = vector.broadcast %min3A_257 : f32 to vector<16xf32>
    %min3A_259 = arith.minimumf %max3A_256, %min3A_258 : vector<16xf32>
    %mul3A_260 = arith.constant 5.000000e-01 : f32
    %mul3A_261 = vector.broadcast %mul3A_260 : f32 to vector<16xf32>
    %mul3A_262 = arith.mulf %mul3A_249, %mul3A_261 : vector<16xf32>
    %sub3A_263 = arith.subf %add3A_245, %mul3A_262 : vector<16xf32>
    %max3A_264 = arith.constant 0.000000e+00 : f32
    %max3A_265 = vector.broadcast %max3A_264 : f32 to vector<16xf32>
    %max3A_266 = arith.maximumf %sub3A_263, %max3A_265 : vector<16xf32>
    %min3A_267 = arith.constant 5.120000e+02 : f32
    %min3A_268 = vector.broadcast %min3A_267 : f32 to vector<16xf32>
    %min3A_269 = arith.minimumf %max3A_266, %min3A_268 : vector<16xf32>
    %mul3A_270 = arith.constant 5.000000e-01 : f32
    %mul3A_271 = vector.broadcast %mul3A_270 : f32 to vector<16xf32>
    %mul3A_272 = arith.mulf %mul3A_247, %mul3A_271 : vector<16xf32>
    %add3A_273 = arith.addf %add3A_243, %mul3A_272 : vector<16xf32>
    %max3A_274 = arith.constant 0.000000e+00 : f32
    %max3A_275 = vector.broadcast %max3A_274 : f32 to vector<16xf32>
    %max3A_276 = arith.maximumf %add3A_273, %max3A_275 : vector<16xf32>
    %min3A_277 = arith.constant 5.120000e+02 : f32
    %min3A_278 = vector.broadcast %min3A_277 : f32 to vector<16xf32>
    %min3A_279 = arith.minimumf %max3A_276, %min3A_278 : vector<16xf32>
    %mul3A_280 = arith.constant 5.000000e-01 : f32
    %mul3A_281 = vector.broadcast %mul3A_280 : f32 to vector<16xf32>
    %mul3A_282 = arith.mulf %mul3A_249, %mul3A_281 : vector<16xf32>
    %add3A_283 = arith.addf %add3A_245, %mul3A_282 : vector<16xf32>
    %max3A_284 = arith.constant 0.000000e+00 : f32
    %max3A_285 = vector.broadcast %max3A_284 : f32 to vector<16xf32>
    %max3A_286 = arith.maximumf %add3A_283, %max3A_285 : vector<16xf32>
    %min3A_287 = arith.constant 5.120000e+02 : f32
    %min3A_288 = vector.broadcast %min3A_287 : f32 to vector<16xf32>
    %min3A_289 = arith.minimumf %max3A_286, %min3A_288 : vector<16xf32>
    %sub3A_290 = arith.subf %min3A_279, %min3A_259 : vector<16xf32>
    %sub3A_291 = arith.subf %min3A_289, %min3A_269 : vector<16xf32>
    %mul3A_292 = arith.mulf %sub3A_290, %sub3A_291 : vector<16xf32>
    %add3A_293 = arith.constant 32 : i32
    %add3A_294 = vector.broadcast %add3A_293 : i32 to vector<16xi32>
    %add3A_295 = arith.addi %add3A_294, %iota3A : vector<16xi32>
    %lt3A_296 = arith.constant 142 : i32
    %lt3A_297 = vector.broadcast %lt3A_296 : i32 to vector<16xi32>
    %lt3A_298 = arith.cmpi slt, %add3A_295, %lt3A_297 : vector<16xi32>
    %swap3A_299 = arith.constant 32 : index
    %swap3A_300 = tpu.vector_load %arg11[%swap3A_299] {strides = array<i32>} : memref<144xf32, #tpu.memory_space<vmem>>, vector<16xf32>,
    tpu.vector_store %arg11[%swap3A_299], %min3A_259 {strides = array<i32>} : memref<144xf32, #tpu.memory_space<vmem>>, vector<16xf32>,
    %swap3A_301 = arith.constant 32 : index
    %swap3A_302 = tpu.vector_load %arg12[%swap3A_301] {strides = array<i32>} : memref<144xf32, #tpu.memory_space<vmem>>, vector<16xf32>,
    tpu.vector_store %arg12[%swap3A_301], %min3A_269 {strides = array<i32>} : memref<144xf32, #tpu.memory_space<vmem>>, vector<16xf32>,
    %swap3A_303 = arith.constant 32 : index
    %swap3A_304 = tpu.vector_load %arg13[%swap3A_303] {strides = array<i32>} : memref<144xf32, #tpu.memory_space<vmem>>, vector<16xf32>,
    tpu.vector_store %arg13[%swap3A_303], %min3A_279 {strides = array<i32>} : memref<144xf32, #tpu.memory_space<vmem>>, vector<16xf32>,
    %swap3A_305 = arith.constant 32 : index
    %swap3A_306 = tpu.vector_load %arg14[%swap3A_305] {strides = array<i32>} : memref<144xf32, #tpu.memory_space<vmem>>, vector<16xf32>,
    tpu.vector_store %arg14[%swap3A_305], %min3A_289 {strides = array<i32>} : memref<144xf32, #tpu.memory_space<vmem>>, vector<16xf32>,
    %swap3A_307 = arith.constant 32 : index
    %swap3A_308 = tpu.vector_load %arg15[%swap3A_307] {strides = array<i32>} : memref<144xf32, #tpu.memory_space<vmem>>, vector<16xf32>,
    tpu.vector_store %arg15[%swap3A_307], %mul3A_292 {strides = array<i32>} : memref<144xf32, #tpu.memory_space<vmem>>, vector<16xf32>,
    %jit3A_309 = arith.constant -1.000000e+30 : f32
    %broadcast_in_dim3A_310 = vector.broadcast %jit3A_309 : f32 to vector<16xf32>
    %select_n3A_311 = arith.select %lt3A_298, %gather3A_213, %broadcast_in_dim3A_310 : vector<16xi1>, vector<16xf32>
    %swap3A_312 = arith.constant 32 : index
    %swap3A_313 = tpu.vector_load %arg16[%swap3A_312] {strides = array<i32>} : memref<144xf32, #tpu.memory_space<vmem>>, vector<16xf32>,
    tpu.vector_store %arg16[%swap3A_312], %select_n3A_311 {strides = array<i32>} : memref<144xf32, #tpu.memory_space<vmem>>, vector<16xf32>,
    %swap3A_314 = arith.constant 32 : index
    %swap3A_315 = tpu.vector_load %arg17[%swap3A_314] {strides = array<i32>} : memref<144xf32, #tpu.memory_space<vmem>>, vector<16xf32>,
    tpu.vector_store %arg17[%swap3A_314], %gather3A_216 {strides = array<i32>} : memref<144xf32, #tpu.memory_space<vmem>>, vector<16xf32>,
    %swap3A_316 = arith.constant 32 : index
    %swap3A_317 = tpu.vector_load %arg18[%swap3A_316] {strides = array<i32>} : memref<144xf32, #tpu.memory_space<vmem>>, vector<16xf32>,
    tpu.vector_store %arg18[%swap3A_316], %gather3A_219 {strides = array<i32>} : memref<144xf32, #tpu.memory_space<vmem>>, vector<16xf32>,
    %swap3A_318 = arith.constant 32 : index
    %swap3A_319 = tpu.vector_load %arg19[%swap3A_318] {strides = array<i32>} : memref<144xf32, #tpu.memory_space<vmem>>, vector<16xf32>,
    tpu.vector_store %arg19[%swap3A_318], %gather3A_222 {strides = array<i32>} : memref<144xf32, #tpu.memory_space<vmem>>, vector<16xf32>,
    %swap3A_320 = arith.constant 32 : index
    %swap3A_321 = tpu.vector_load %arg20[%swap3A_320] {strides = array<i32>} : memref<144xf32, #tpu.memory_space<vmem>>, vector<16xf32>,
    tpu.vector_store %arg20[%swap3A_320], %gather3A_225 {strides = array<i32>} : memref<144xf32, #tpu.memory_space<vmem>>, vector<16xf32>,
    %get3A_322 = arith.constant 48 : index
    %get3A_323 = tpu.vector_load %arg9[%get3A_322] {strides = array<i32>} : memref<144xi32, #tpu.memory_space<vmem>>, vector<16xi32>,
    %gather3A_324 = tpu.vector_load_idx %arg7[%get3A_323] : memref<9216xf32, #tpu.memory_space<vmem>>[vector<16xi32>], vector<16xf32>,
    %broadcast_in_dim3A_325 = arith.constant 0 : i32
    %broadcast_in_dim3A_326 = vector.broadcast %broadcast_in_dim3A_325 : i32 to vector<16xi32>
    %gather3A_327 = tpu.vector_load_idx %arg8[%broadcast_in_dim3A_326, %get3A_323] : memref<4x9216xf32, #tpu.memory_space<vmem>>[vector<16xi32>, vector<16xi32>], vector<16xf32>,
    %broadcast_in_dim3A_328 = arith.constant 1 : i32
    %broadcast_in_dim3A_329 = vector.broadcast %broadcast_in_dim3A_328 : i32 to vector<16xi32>
    %gather3A_330 = tpu.vector_load_idx %arg8[%broadcast_in_dim3A_329, %get3A_323] : memref<4x9216xf32, #tpu.memory_space<vmem>>[vector<16xi32>, vector<16xi32>], vector<16xf32>,
    %broadcast_in_dim3A_331 = arith.constant 2 : i32
    %broadcast_in_dim3A_332 = vector.broadcast %broadcast_in_dim3A_331 : i32 to vector<16xi32>
    %gather3A_333 = tpu.vector_load_idx %arg8[%broadcast_in_dim3A_332, %get3A_323] : memref<4x9216xf32, #tpu.memory_space<vmem>>[vector<16xi32>, vector<16xi32>], vector<16xf32>,
    %broadcast_in_dim3A_334 = arith.constant 3 : i32
    %broadcast_in_dim3A_335 = vector.broadcast %broadcast_in_dim3A_334 : i32 to vector<16xi32>
    %gather3A_336 = tpu.vector_load_idx %arg8[%broadcast_in_dim3A_335, %get3A_323] : memref<4x9216xf32, #tpu.memory_space<vmem>>[vector<16xi32>, vector<16xi32>], vector<16xf32>,
    %get3A_337 = arith.constant 0 : i32
    %get3A_338 = arith.index_cast %get3A_337 : i32 to index
    %get3A_339 = arith.constant 48 : index
    %get3A_340 = tpu.vector_load %arg10[%get3A_338, %get3A_339] {strides = array<i32>} : memref<4x144xf32, #tpu.memory_space<vmem>>, vector<16xf32>,
    %get3A_341 = arith.constant 1 : i32
    %get3A_342 = arith.index_cast %get3A_341 : i32 to index
    %get3A_343 = arith.constant 48 : index
    %get3A_344 = tpu.vector_load %arg10[%get3A_342, %get3A_343] {strides = array<i32>} : memref<4x144xf32, #tpu.memory_space<vmem>>, vector<16xf32>,
    %get3A_345 = arith.constant 2 : i32
    %get3A_346 = arith.index_cast %get3A_345 : i32 to index
    %get3A_347 = arith.constant 48 : index
    %get3A_348 = tpu.vector_load %arg10[%get3A_346, %get3A_347] {strides = array<i32>} : memref<4x144xf32, #tpu.memory_space<vmem>>, vector<16xf32>,
    %get3A_349 = arith.constant 3 : i32
    %get3A_350 = arith.index_cast %get3A_349 : i32 to index
    %get3A_351 = arith.constant 48 : index
    %get3A_352 = tpu.vector_load %arg10[%get3A_350, %get3A_351] {strides = array<i32>} : memref<4x144xf32, #tpu.memory_space<vmem>>, vector<16xf32>,
    %mul3A_353 = arith.mulf %gather3A_327, %get3A_348 : vector<16xf32>
    %add3A_354 = arith.addf %mul3A_353, %get3A_340 : vector<16xf32>
    %mul3A_355 = arith.mulf %gather3A_330, %get3A_352 : vector<16xf32>
    %add3A_356 = arith.addf %mul3A_355, %get3A_344 : vector<16xf32>
    %exp3A_357 = math.exp %gather3A_333 : vector<16xf32>
    %mul3A_358 = arith.mulf %exp3A_357, %get3A_348 : vector<16xf32>
    %exp3A_359 = math.exp %gather3A_336 : vector<16xf32>
    %mul3A_360 = arith.mulf %exp3A_359, %get3A_352 : vector<16xf32>
    %mul3A_361 = arith.constant 5.000000e-01 : f32
    %mul3A_362 = vector.broadcast %mul3A_361 : f32 to vector<16xf32>
    %mul3A_363 = arith.mulf %mul3A_358, %mul3A_362 : vector<16xf32>
    %sub3A_364 = arith.subf %add3A_354, %mul3A_363 : vector<16xf32>
    %max3A_365 = arith.constant 0.000000e+00 : f32
    %max3A_366 = vector.broadcast %max3A_365 : f32 to vector<16xf32>
    %max3A_367 = arith.maximumf %sub3A_364, %max3A_366 : vector<16xf32>
    %min3A_368 = arith.constant 5.120000e+02 : f32
    %min3A_369 = vector.broadcast %min3A_368 : f32 to vector<16xf32>
    %min3A_370 = arith.minimumf %max3A_367, %min3A_369 : vector<16xf32>
    %mul3A_371 = arith.constant 5.000000e-01 : f32
    %mul3A_372 = vector.broadcast %mul3A_371 : f32 to vector<16xf32>
    %mul3A_373 = arith.mulf %mul3A_360, %mul3A_372 : vector<16xf32>
    %sub3A_374 = arith.subf %add3A_356, %mul3A_373 : vector<16xf32>
    %max3A_375 = arith.constant 0.000000e+00 : f32
    %max3A_376 = vector.broadcast %max3A_375 : f32 to vector<16xf32>
    %max3A_377 = arith.maximumf %sub3A_374, %max3A_376 : vector<16xf32>
    %min3A_378 = arith.constant 5.120000e+02 : f32
    %min3A_379 = vector.broadcast %min3A_378 : f32 to vector<16xf32>
    %min3A_380 = arith.minimumf %max3A_377, %min3A_379 : vector<16xf32>
    %mul3A_381 = arith.constant 5.000000e-01 : f32
    %mul3A_382 = vector.broadcast %mul3A_381 : f32 to vector<16xf32>
    %mul3A_383 = arith.mulf %mul3A_358, %mul3A_382 : vector<16xf32>
    %add3A_384 = arith.addf %add3A_354, %mul3A_383 : vector<16xf32>
    %max3A_385 = arith.constant 0.000000e+00 : f32
    %max3A_386 = vector.broadcast %max3A_385 : f32 to vector<16xf32>
    %max3A_387 = arith.maximumf %add3A_384, %max3A_386 : vector<16xf32>
    %min3A_388 = arith.constant 5.120000e+02 : f32
    %min3A_389 = vector.broadcast %min3A_388 : f32 to vector<16xf32>
    %min3A_390 = arith.minimumf %max3A_387, %min3A_389 : vector<16xf32>
    %mul3A_391 = arith.constant 5.000000e-01 : f32
    %mul3A_392 = vector.broadcast %mul3A_391 : f32 to vector<16xf32>
    %mul3A_393 = arith.mulf %mul3A_360, %mul3A_392 : vector<16xf32>
    %add3A_394 = arith.addf %add3A_356, %mul3A_393 : vector<16xf32>
    %max3A_395 = arith.constant 0.000000e+00 : f32
    %max3A_396 = vector.broadcast %max3A_395 : f32 to vector<16xf32>
    %max3A_397 = arith.maximumf %add3A_394, %max3A_396 : vector<16xf32>
    %min3A_398 = arith.constant 5.120000e+02 : f32
    %min3A_399 = vector.broadcast %min3A_398 : f32 to vector<16xf32>
    %min3A_400 = arith.minimumf %max3A_397, %min3A_399 : vector<16xf32>
    %sub3A_401 = arith.subf %min3A_390, %min3A_370 : vector<16xf32>
    %sub3A_402 = arith.subf %min3A_400, %min3A_380 : vector<16xf32>
    %mul3A_403 = arith.mulf %sub3A_401, %sub3A_402 : vector<16xf32>
    %add3A_404 = arith.constant 48 : i32
    %add3A_405 = vector.broadcast %add3A_404 : i32 to vector<16xi32>
    %add3A_406 = arith.addi %add3A_405, %iota3A : vector<16xi32>
    %lt3A_407 = arith.constant 142 : i32
    %lt3A_408 = vector.broadcast %lt3A_407 : i32 to vector<16xi32>
    %lt3A_409 = arith.cmpi slt, %add3A_406, %lt3A_408 : vector<16xi32>
    %swap3A_410 = arith.constant 48 : index
    %swap3A_411 = tpu.vector_load %arg11[%swap3A_410] {strides = array<i32>} : memref<144xf32, #tpu.memory_space<vmem>>, vector<16xf32>,
    tpu.vector_store %arg11[%swap3A_410], %min3A_370 {strides = array<i32>} : memref<144xf32, #tpu.memory_space<vmem>>, vector<16xf32>,
    %swap3A_412 = arith.constant 48 : index
    %swap3A_413 = tpu.vector_load %arg12[%swap3A_412] {strides = array<i32>} : memref<144xf32, #tpu.memory_space<vmem>>, vector<16xf32>,
    tpu.vector_store %arg12[%swap3A_412], %min3A_380 {strides = array<i32>} : memref<144xf32, #tpu.memory_space<vmem>>, vector<16xf32>,
    %swap3A_414 = arith.constant 48 : index
    %swap3A_415 = tpu.vector_load %arg13[%swap3A_414] {strides = array<i32>} : memref<144xf32, #tpu.memory_space<vmem>>, vector<16xf32>,
    tpu.vector_store %arg13[%swap3A_414], %min3A_390 {strides = array<i32>} : memref<144xf32, #tpu.memory_space<vmem>>, vector<16xf32>,
    %swap3A_416 = arith.constant 48 : index
    %swap3A_417 = tpu.vector_load %arg14[%swap3A_416] {strides = array<i32>} : memref<144xf32, #tpu.memory_space<vmem>>, vector<16xf32>,
    tpu.vector_store %arg14[%swap3A_416], %min3A_400 {strides = array<i32>} : memref<144xf32, #tpu.memory_space<vmem>>, vector<16xf32>,
    %swap3A_418 = arith.constant 48 : index
    %swap3A_419 = tpu.vector_load %arg15[%swap3A_418] {strides = array<i32>} : memref<144xf32, #tpu.memory_space<vmem>>, vector<16xf32>,
    tpu.vector_store %arg15[%swap3A_418], %mul3A_403 {strides = array<i32>} : memref<144xf32, #tpu.memory_space<vmem>>, vector<16xf32>,
    %jit3A_420 = arith.constant -1.000000e+30 : f32
    %broadcast_in_dim3A_421 = vector.broadcast %jit3A_420 : f32 to vector<16xf32>
    %select_n3A_422 = arith.select %lt3A_409, %gather3A_324, %broadcast_in_dim3A_421 : vector<16xi1>, vector<16xf32>
    %swap3A_423 = arith.constant 48 : index
    %swap3A_424 = tpu.vector_load %arg16[%swap3A_423] {strides = array<i32>} : memref<144xf32, #tpu.memory_space<vmem>>, vector<16xf32>,
    tpu.vector_store %arg16[%swap3A_423], %select_n3A_422 {strides = array<i32>} : memref<144xf32, #tpu.memory_space<vmem>>, vector<16xf32>,
    %swap3A_425 = arith.constant 48 : index
    %swap3A_426 = tpu.vector_load %arg17[%swap3A_425] {strides = array<i32>} : memref<144xf32, #tpu.memory_space<vmem>>, vector<16xf32>,
    tpu.vector_store %arg17[%swap3A_425], %gather3A_327 {strides = array<i32>} : memref<144xf32, #tpu.memory_space<vmem>>, vector<16xf32>,
    %swap3A_427 = arith.constant 48 : index
    %swap3A_428 = tpu.vector_load %arg18[%swap3A_427] {strides = array<i32>} : memref<144xf32, #tpu.memory_space<vmem>>, vector<16xf32>,
    tpu.vector_store %arg18[%swap3A_427], %gather3A_330 {strides = array<i32>} : memref<144xf32, #tpu.memory_space<vmem>>, vector<16xf32>,
    %swap3A_429 = arith.constant 48 : index
    %swap3A_430 = tpu.vector_load %arg19[%swap3A_429] {strides = array<i32>} : memref<144xf32, #tpu.memory_space<vmem>>, vector<16xf32>,
    tpu.vector_store %arg19[%swap3A_429], %gather3A_333 {strides = array<i32>} : memref<144xf32, #tpu.memory_space<vmem>>, vector<16xf32>,
    %swap3A_431 = arith.constant 48 : index
    %swap3A_432 = tpu.vector_load %arg20[%swap3A_431] {strides = array<i32>} : memref<144xf32, #tpu.memory_space<vmem>>, vector<16xf32>,
    tpu.vector_store %arg20[%swap3A_431], %gather3A_336 {strides = array<i32>} : memref<144xf32, #tpu.memory_space<vmem>>, vector<16xf32>,
    %get3A_433 = arith.constant 64 : index
    %get3A_434 = tpu.vector_load %arg9[%get3A_433] {strides = array<i32>} : memref<144xi32, #tpu.memory_space<vmem>>, vector<16xi32>,
    %gather3A_435 = tpu.vector_load_idx %arg7[%get3A_434] : memref<9216xf32, #tpu.memory_space<vmem>>[vector<16xi32>], vector<16xf32>,
    %broadcast_in_dim3A_436 = arith.constant 0 : i32
    %broadcast_in_dim3A_437 = vector.broadcast %broadcast_in_dim3A_436 : i32 to vector<16xi32>
    %gather3A_438 = tpu.vector_load_idx %arg8[%broadcast_in_dim3A_437, %get3A_434] : memref<4x9216xf32, #tpu.memory_space<vmem>>[vector<16xi32>, vector<16xi32>], vector<16xf32>,
    %broadcast_in_dim3A_439 = arith.constant 1 : i32
    %broadcast_in_dim3A_440 = vector.broadcast %broadcast_in_dim3A_439 : i32 to vector<16xi32>
    %gather3A_441 = tpu.vector_load_idx %arg8[%broadcast_in_dim3A_440, %get3A_434] : memref<4x9216xf32, #tpu.memory_space<vmem>>[vector<16xi32>, vector<16xi32>], vector<16xf32>,
    %broadcast_in_dim3A_442 = arith.constant 2 : i32
    %broadcast_in_dim3A_443 = vector.broadcast %broadcast_in_dim3A_442 : i32 to vector<16xi32>
    %gather3A_444 = tpu.vector_load_idx %arg8[%broadcast_in_dim3A_443, %get3A_434] : memref<4x9216xf32, #tpu.memory_space<vmem>>[vector<16xi32>, vector<16xi32>], vector<16xf32>,
    %broadcast_in_dim3A_445 = arith.constant 3 : i32
    %broadcast_in_dim3A_446 = vector.broadcast %broadcast_in_dim3A_445 : i32 to vector<16xi32>
    %gather3A_447 = tpu.vector_load_idx %arg8[%broadcast_in_dim3A_446, %get3A_434] : memref<4x9216xf32, #tpu.memory_space<vmem>>[vector<16xi32>, vector<16xi32>], vector<16xf32>,
    %get3A_448 = arith.constant 0 : i32
    %get3A_449 = arith.index_cast %get3A_448 : i32 to index
    %get3A_450 = arith.constant 64 : index
    %get3A_451 = tpu.vector_load %arg10[%get3A_449, %get3A_450] {strides = array<i32>} : memref<4x144xf32, #tpu.memory_space<vmem>>, vector<16xf32>,
    %get3A_452 = arith.constant 1 : i32
    %get3A_453 = arith.index_cast %get3A_452 : i32 to index
    %get3A_454 = arith.constant 64 : index
    %get3A_455 = tpu.vector_load %arg10[%get3A_453, %get3A_454] {strides = array<i32>} : memref<4x144xf32, #tpu.memory_space<vmem>>, vector<16xf32>,
    %get3A_456 = arith.constant 2 : i32
    %get3A_457 = arith.index_cast %get3A_456 : i32 to index
    %get3A_458 = arith.constant 64 : index
    %get3A_459 = tpu.vector_load %arg10[%get3A_457, %get3A_458] {strides = array<i32>} : memref<4x144xf32, #tpu.memory_space<vmem>>, vector<16xf32>,
    %get3A_460 = arith.constant 3 : i32
    %get3A_461 = arith.index_cast %get3A_460 : i32 to index
    %get3A_462 = arith.constant 64 : index
    %get3A_463 = tpu.vector_load %arg10[%get3A_461, %get3A_462] {strides = array<i32>} : memref<4x144xf32, #tpu.memory_space<vmem>>, vector<16xf32>,
    %mul3A_464 = arith.mulf %gather3A_438, %get3A_459 : vector<16xf32>
    %add3A_465 = arith.addf %mul3A_464, %get3A_451 : vector<16xf32>
    %mul3A_466 = arith.mulf %gather3A_441, %get3A_463 : vector<16xf32>
    %add3A_467 = arith.addf %mul3A_466, %get3A_455 : vector<16xf32>
    %exp3A_468 = math.exp %gather3A_444 : vector<16xf32>
    %mul3A_469 = arith.mulf %exp3A_468, %get3A_459 : vector<16xf32>
    %exp3A_470 = math.exp %gather3A_447 : vector<16xf32>
    %mul3A_471 = arith.mulf %exp3A_470, %get3A_463 : vector<16xf32>
    %mul3A_472 = arith.constant 5.000000e-01 : f32
    %mul3A_473 = vector.broadcast %mul3A_472 : f32 to vector<16xf32>
    %mul3A_474 = arith.mulf %mul3A_469, %mul3A_473 : vector<16xf32>
    %sub3A_475 = arith.subf %add3A_465, %mul3A_474 : vector<16xf32>
    %max3A_476 = arith.constant 0.000000e+00 : f32
    %max3A_477 = vector.broadcast %max3A_476 : f32 to vector<16xf32>
    %max3A_478 = arith.maximumf %sub3A_475, %max3A_477 : vector<16xf32>
    %min3A_479 = arith.constant 5.120000e+02 : f32
    %min3A_480 = vector.broadcast %min3A_479 : f32 to vector<16xf32>
    %min3A_481 = arith.minimumf %max3A_478, %min3A_480 : vector<16xf32>
    %mul3A_482 = arith.constant 5.000000e-01 : f32
    %mul3A_483 = vector.broadcast %mul3A_482 : f32 to vector<16xf32>
    %mul3A_484 = arith.mulf %mul3A_471, %mul3A_483 : vector<16xf32>
    %sub3A_485 = arith.subf %add3A_467, %mul3A_484 : vector<16xf32>
    %max3A_486 = arith.constant 0.000000e+00 : f32
    %max3A_487 = vector.broadcast %max3A_486 : f32 to vector<16xf32>
    %max3A_488 = arith.maximumf %sub3A_485, %max3A_487 : vector<16xf32>
    %min3A_489 = arith.constant 5.120000e+02 : f32
    %min3A_490 = vector.broadcast %min3A_489 : f32 to vector<16xf32>
    %min3A_491 = arith.minimumf %max3A_488, %min3A_490 : vector<16xf32>
    %mul3A_492 = arith.constant 5.000000e-01 : f32
    %mul3A_493 = vector.broadcast %mul3A_492 : f32 to vector<16xf32>
    %mul3A_494 = arith.mulf %mul3A_469, %mul3A_493 : vector<16xf32>
    %add3A_495 = arith.addf %add3A_465, %mul3A_494 : vector<16xf32>
    %max3A_496 = arith.constant 0.000000e+00 : f32
    %max3A_497 = vector.broadcast %max3A_496 : f32 to vector<16xf32>
    %max3A_498 = arith.maximumf %add3A_495, %max3A_497 : vector<16xf32>
    %min3A_499 = arith.constant 5.120000e+02 : f32
    %min3A_500 = vector.broadcast %min3A_499 : f32 to vector<16xf32>
    %min3A_501 = arith.minimumf %max3A_498, %min3A_500 : vector<16xf32>
    %mul3A_502 = arith.constant 5.000000e-01 : f32
    %mul3A_503 = vector.broadcast %mul3A_502 : f32 to vector<16xf32>
    %mul3A_504 = arith.mulf %mul3A_471, %mul3A_503 : vector<16xf32>
    %add3A_505 = arith.addf %add3A_467, %mul3A_504 : vector<16xf32>
    %max3A_506 = arith.constant 0.000000e+00 : f32
    %max3A_507 = vector.broadcast %max3A_506 : f32 to vector<16xf32>
    %max3A_508 = arith.maximumf %add3A_505, %max3A_507 : vector<16xf32>
    %min3A_509 = arith.constant 5.120000e+02 : f32
    %min3A_510 = vector.broadcast %min3A_509 : f32 to vector<16xf32>
    %min3A_511 = arith.minimumf %max3A_508, %min3A_510 : vector<16xf32>
    %sub3A_512 = arith.subf %min3A_501, %min3A_481 : vector<16xf32>
    %sub3A_513 = arith.subf %min3A_511, %min3A_491 : vector<16xf32>
    %mul3A_514 = arith.mulf %sub3A_512, %sub3A_513 : vector<16xf32>
    %add3A_515 = arith.constant 64 : i32
    %add3A_516 = vector.broadcast %add3A_515 : i32 to vector<16xi32>
    %add3A_517 = arith.addi %add3A_516, %iota3A : vector<16xi32>
    %lt3A_518 = arith.constant 142 : i32
    %lt3A_519 = vector.broadcast %lt3A_518 : i32 to vector<16xi32>
    %lt3A_520 = arith.cmpi slt, %add3A_517, %lt3A_519 : vector<16xi32>
    %swap3A_521 = arith.constant 64 : index
    %swap3A_522 = tpu.vector_load %arg11[%swap3A_521] {strides = array<i32>} : memref<144xf32, #tpu.memory_space<vmem>>, vector<16xf32>,
    tpu.vector_store %arg11[%swap3A_521], %min3A_481 {strides = array<i32>} : memref<144xf32, #tpu.memory_space<vmem>>, vector<16xf32>,
    %swap3A_523 = arith.constant 64 : index
    %swap3A_524 = tpu.vector_load %arg12[%swap3A_523] {strides = array<i32>} : memref<144xf32, #tpu.memory_space<vmem>>, vector<16xf32>,
    tpu.vector_store %arg12[%swap3A_523], %min3A_491 {strides = array<i32>} : memref<144xf32, #tpu.memory_space<vmem>>, vector<16xf32>,
    %swap3A_525 = arith.constant 64 : index
    %swap3A_526 = tpu.vector_load %arg13[%swap3A_525] {strides = array<i32>} : memref<144xf32, #tpu.memory_space<vmem>>, vector<16xf32>,
    tpu.vector_store %arg13[%swap3A_525], %min3A_501 {strides = array<i32>} : memref<144xf32, #tpu.memory_space<vmem>>, vector<16xf32>,
    %swap3A_527 = arith.constant 64 : index
    %swap3A_528 = tpu.vector_load %arg14[%swap3A_527] {strides = array<i32>} : memref<144xf32, #tpu.memory_space<vmem>>, vector<16xf32>,
    tpu.vector_store %arg14[%swap3A_527], %min3A_511 {strides = array<i32>} : memref<144xf32, #tpu.memory_space<vmem>>, vector<16xf32>,
    %swap3A_529 = arith.constant 64 : index
    %swap3A_530 = tpu.vector_load %arg15[%swap3A_529] {strides = array<i32>} : memref<144xf32, #tpu.memory_space<vmem>>, vector<16xf32>,
    tpu.vector_store %arg15[%swap3A_529], %mul3A_514 {strides = array<i32>} : memref<144xf32, #tpu.memory_space<vmem>>, vector<16xf32>,
    %jit3A_531 = arith.constant -1.000000e+30 : f32
    %broadcast_in_dim3A_532 = vector.broadcast %jit3A_531 : f32 to vector<16xf32>
    %select_n3A_533 = arith.select %lt3A_520, %gather3A_435, %broadcast_in_dim3A_532 : vector<16xi1>, vector<16xf32>
    %swap3A_534 = arith.constant 64 : index
    %swap3A_535 = tpu.vector_load %arg16[%swap3A_534] {strides = array<i32>} : memref<144xf32, #tpu.memory_space<vmem>>, vector<16xf32>,
    tpu.vector_store %arg16[%swap3A_534], %select_n3A_533 {strides = array<i32>} : memref<144xf32, #tpu.memory_space<vmem>>, vector<16xf32>,
    %swap3A_536 = arith.constant 64 : index
    %swap3A_537 = tpu.vector_load %arg17[%swap3A_536] {strides = array<i32>} : memref<144xf32, #tpu.memory_space<vmem>>, vector<16xf32>,
    tpu.vector_store %arg17[%swap3A_536], %gather3A_438 {strides = array<i32>} : memref<144xf32, #tpu.memory_space<vmem>>, vector<16xf32>,
    %swap3A_538 = arith.constant 64 : index
    %swap3A_539 = tpu.vector_load %arg18[%swap3A_538] {strides = array<i32>} : memref<144xf32, #tpu.memory_space<vmem>>, vector<16xf32>,
    tpu.vector_store %arg18[%swap3A_538], %gather3A_441 {strides = array<i32>} : memref<144xf32, #tpu.memory_space<vmem>>, vector<16xf32>,
    %swap3A_540 = arith.constant 64 : index
    %swap3A_541 = tpu.vector_load %arg19[%swap3A_540] {strides = array<i32>} : memref<144xf32, #tpu.memory_space<vmem>>, vector<16xf32>,
    tpu.vector_store %arg19[%swap3A_540], %gather3A_444 {strides = array<i32>} : memref<144xf32, #tpu.memory_space<vmem>>, vector<16xf32>,
    %swap3A_542 = arith.constant 64 : index
    %swap3A_543 = tpu.vector_load %arg20[%swap3A_542] {strides = array<i32>} : memref<144xf32, #tpu.memory_space<vmem>>, vector<16xf32>,
    tpu.vector_store %arg20[%swap3A_542], %gather3A_447 {strides = array<i32>} : memref<144xf32, #tpu.memory_space<vmem>>, vector<16xf32>,
    %get3A_544 = arith.constant 80 : index
    %get3A_545 = tpu.vector_load %arg9[%get3A_544] {strides = array<i32>} : memref<144xi32, #tpu.memory_space<vmem>>, vector<16xi32>,
    %gather3A_546 = tpu.vector_load_idx %arg7[%get3A_545] : memref<9216xf32, #tpu.memory_space<vmem>>[vector<16xi32>], vector<16xf32>,
    %broadcast_in_dim3A_547 = arith.constant 0 : i32
    %broadcast_in_dim3A_548 = vector.broadcast %broadcast_in_dim3A_547 : i32 to vector<16xi32>
    %gather3A_549 = tpu.vector_load_idx %arg8[%broadcast_in_dim3A_548, %get3A_545] : memref<4x9216xf32, #tpu.memory_space<vmem>>[vector<16xi32>, vector<16xi32>], vector<16xf32>,
    %broadcast_in_dim3A_550 = arith.constant 1 : i32
    %broadcast_in_dim3A_551 = vector.broadcast %broadcast_in_dim3A_550 : i32 to vector<16xi32>
    %gather3A_552 = tpu.vector_load_idx %arg8[%broadcast_in_dim3A_551, %get3A_545] : memref<4x9216xf32, #tpu.memory_space<vmem>>[vector<16xi32>, vector<16xi32>], vector<16xf32>,
    %broadcast_in_dim3A_553 = arith.constant 2 : i32
    %broadcast_in_dim3A_554 = vector.broadcast %broadcast_in_dim3A_553 : i32 to vector<16xi32>
    %gather3A_555 = tpu.vector_load_idx %arg8[%broadcast_in_dim3A_554, %get3A_545] : memref<4x9216xf32, #tpu.memory_space<vmem>>[vector<16xi32>, vector<16xi32>], vector<16xf32>,
    %broadcast_in_dim3A_556 = arith.constant 3 : i32
    %broadcast_in_dim3A_557 = vector.broadcast %broadcast_in_dim3A_556 : i32 to vector<16xi32>
    %gather3A_558 = tpu.vector_load_idx %arg8[%broadcast_in_dim3A_557, %get3A_545] : memref<4x9216xf32, #tpu.memory_space<vmem>>[vector<16xi32>, vector<16xi32>], vector<16xf32>,
    %get3A_559 = arith.constant 0 : i32
    %get3A_560 = arith.index_cast %get3A_559 : i32 to index
    %get3A_561 = arith.constant 80 : index
    %get3A_562 = tpu.vector_load %arg10[%get3A_560, %get3A_561] {strides = array<i32>} : memref<4x144xf32, #tpu.memory_space<vmem>>, vector<16xf32>,
    %get3A_563 = arith.constant 1 : i32
    %get3A_564 = arith.index_cast %get3A_563 : i32 to index
    %get3A_565 = arith.constant 80 : index
    %get3A_566 = tpu.vector_load %arg10[%get3A_564, %get3A_565] {strides = array<i32>} : memref<4x144xf32, #tpu.memory_space<vmem>>, vector<16xf32>,
    %get3A_567 = arith.constant 2 : i32
    %get3A_568 = arith.index_cast %get3A_567 : i32 to index
    %get3A_569 = arith.constant 80 : index
    %get3A_570 = tpu.vector_load %arg10[%get3A_568, %get3A_569] {strides = array<i32>} : memref<4x144xf32, #tpu.memory_space<vmem>>, vector<16xf32>,
    %get3A_571 = arith.constant 3 : i32
    %get3A_572 = arith.index_cast %get3A_571 : i32 to index
    %get3A_573 = arith.constant 80 : index
    %get3A_574 = tpu.vector_load %arg10[%get3A_572, %get3A_573] {strides = array<i32>} : memref<4x144xf32, #tpu.memory_space<vmem>>, vector<16xf32>,
    %mul3A_575 = arith.mulf %gather3A_549, %get3A_570 : vector<16xf32>
    %add3A_576 = arith.addf %mul3A_575, %get3A_562 : vector<16xf32>
    %mul3A_577 = arith.mulf %gather3A_552, %get3A_574 : vector<16xf32>
    %add3A_578 = arith.addf %mul3A_577, %get3A_566 : vector<16xf32>
    %exp3A_579 = math.exp %gather3A_555 : vector<16xf32>
    %mul3A_580 = arith.mulf %exp3A_579, %get3A_570 : vector<16xf32>
    %exp3A_581 = math.exp %gather3A_558 : vector<16xf32>
    %mul3A_582 = arith.mulf %exp3A_581, %get3A_574 : vector<16xf32>
    %mul3A_583 = arith.constant 5.000000e-01 : f32
    %mul3A_584 = vector.broadcast %mul3A_583 : f32 to vector<16xf32>
    %mul3A_585 = arith.mulf %mul3A_580, %mul3A_584 : vector<16xf32>
    %sub3A_586 = arith.subf %add3A_576, %mul3A_585 : vector<16xf32>
    %max3A_587 = arith.constant 0.000000e+00 : f32
    %max3A_588 = vector.broadcast %max3A_587 : f32 to vector<16xf32>
    %max3A_589 = arith.maximumf %sub3A_586, %max3A_588 : vector<16xf32>
    %min3A_590 = arith.constant 5.120000e+02 : f32
    %min3A_591 = vector.broadcast %min3A_590 : f32 to vector<16xf32>
    %min3A_592 = arith.minimumf %max3A_589, %min3A_591 : vector<16xf32>
    %mul3A_593 = arith.constant 5.000000e-01 : f32
    %mul3A_594 = vector.broadcast %mul3A_593 : f32 to vector<16xf32>
    %mul3A_595 = arith.mulf %mul3A_582, %mul3A_594 : vector<16xf32>
    %sub3A_596 = arith.subf %add3A_578, %mul3A_595 : vector<16xf32>
    %max3A_597 = arith.constant 0.000000e+00 : f32
    %max3A_598 = vector.broadcast %max3A_597 : f32 to vector<16xf32>
    %max3A_599 = arith.maximumf %sub3A_596, %max3A_598 : vector<16xf32>
    %min3A_600 = arith.constant 5.120000e+02 : f32
    %min3A_601 = vector.broadcast %min3A_600 : f32 to vector<16xf32>
    %min3A_602 = arith.minimumf %max3A_599, %min3A_601 : vector<16xf32>
    %mul3A_603 = arith.constant 5.000000e-01 : f32
    %mul3A_604 = vector.broadcast %mul3A_603 : f32 to vector<16xf32>
    %mul3A_605 = arith.mulf %mul3A_580, %mul3A_604 : vector<16xf32>
    %add3A_606 = arith.addf %add3A_576, %mul3A_605 : vector<16xf32>
    %max3A_607 = arith.constant 0.000000e+00 : f32
    %max3A_608 = vector.broadcast %max3A_607 : f32 to vector<16xf32>
    %max3A_609 = arith.maximumf %add3A_606, %max3A_608 : vector<16xf32>
    %min3A_610 = arith.constant 5.120000e+02 : f32
    %min3A_611 = vector.broadcast %min3A_610 : f32 to vector<16xf32>
    %min3A_612 = arith.minimumf %max3A_609, %min3A_611 : vector<16xf32>
    %mul3A_613 = arith.constant 5.000000e-01 : f32
    %mul3A_614 = vector.broadcast %mul3A_613 : f32 to vector<16xf32>
    %mul3A_615 = arith.mulf %mul3A_582, %mul3A_614 : vector<16xf32>
    %add3A_616 = arith.addf %add3A_578, %mul3A_615 : vector<16xf32>
    %max3A_617 = arith.constant 0.000000e+00 : f32
    %max3A_618 = vector.broadcast %max3A_617 : f32 to vector<16xf32>
    %max3A_619 = arith.maximumf %add3A_616, %max3A_618 : vector<16xf32>
    %min3A_620 = arith.constant 5.120000e+02 : f32
    %min3A_621 = vector.broadcast %min3A_620 : f32 to vector<16xf32>
    %min3A_622 = arith.minimumf %max3A_619, %min3A_621 : vector<16xf32>
    %sub3A_623 = arith.subf %min3A_612, %min3A_592 : vector<16xf32>
    %sub3A_624 = arith.subf %min3A_622, %min3A_602 : vector<16xf32>
    %mul3A_625 = arith.mulf %sub3A_623, %sub3A_624 : vector<16xf32>
    %add3A_626 = arith.constant 80 : i32
    %add3A_627 = vector.broadcast %add3A_626 : i32 to vector<16xi32>
    %add3A_628 = arith.addi %add3A_627, %iota3A : vector<16xi32>
    %lt3A_629 = arith.constant 142 : i32
    %lt3A_630 = vector.broadcast %lt3A_629 : i32 to vector<16xi32>
    %lt3A_631 = arith.cmpi slt, %add3A_628, %lt3A_630 : vector<16xi32>
    %swap3A_632 = arith.constant 80 : index
    %swap3A_633 = tpu.vector_load %arg11[%swap3A_632] {strides = array<i32>} : memref<144xf32, #tpu.memory_space<vmem>>, vector<16xf32>,
    tpu.vector_store %arg11[%swap3A_632], %min3A_592 {strides = array<i32>} : memref<144xf32, #tpu.memory_space<vmem>>, vector<16xf32>,
    %swap3A_634 = arith.constant 80 : index
    %swap3A_635 = tpu.vector_load %arg12[%swap3A_634] {strides = array<i32>} : memref<144xf32, #tpu.memory_space<vmem>>, vector<16xf32>,
    tpu.vector_store %arg12[%swap3A_634], %min3A_602 {strides = array<i32>} : memref<144xf32, #tpu.memory_space<vmem>>, vector<16xf32>,
    %swap3A_636 = arith.constant 80 : index
    %swap3A_637 = tpu.vector_load %arg13[%swap3A_636] {strides = array<i32>} : memref<144xf32, #tpu.memory_space<vmem>>, vector<16xf32>,
    tpu.vector_store %arg13[%swap3A_636], %min3A_612 {strides = array<i32>} : memref<144xf32, #tpu.memory_space<vmem>>, vector<16xf32>,
    %swap3A_638 = arith.constant 80 : index
    %swap3A_639 = tpu.vector_load %arg14[%swap3A_638] {strides = array<i32>} : memref<144xf32, #tpu.memory_space<vmem>>, vector<16xf32>,
    tpu.vector_store %arg14[%swap3A_638], %min3A_622 {strides = array<i32>} : memref<144xf32, #tpu.memory_space<vmem>>, vector<16xf32>,
    %swap3A_640 = arith.constant 80 : index
    %swap3A_641 = tpu.vector_load %arg15[%swap3A_640] {strides = array<i32>} : memref<144xf32, #tpu.memory_space<vmem>>, vector<16xf32>,
    tpu.vector_store %arg15[%swap3A_640], %mul3A_625 {strides = array<i32>} : memref<144xf32, #tpu.memory_space<vmem>>, vector<16xf32>,
    %jit3A_642 = arith.constant -1.000000e+30 : f32
    %broadcast_in_dim3A_643 = vector.broadcast %jit3A_642 : f32 to vector<16xf32>
    %select_n3A_644 = arith.select %lt3A_631, %gather3A_546, %broadcast_in_dim3A_643 : vector<16xi1>, vector<16xf32>
    %swap3A_645 = arith.constant 80 : index
    %swap3A_646 = tpu.vector_load %arg16[%swap3A_645] {strides = array<i32>} : memref<144xf32, #tpu.memory_space<vmem>>, vector<16xf32>,
    tpu.vector_store %arg16[%swap3A_645], %select_n3A_644 {strides = array<i32>} : memref<144xf32, #tpu.memory_space<vmem>>, vector<16xf32>,
    %swap3A_647 = arith.constant 80 : index
    %swap3A_648 = tpu.vector_load %arg17[%swap3A_647] {strides = array<i32>} : memref<144xf32, #tpu.memory_space<vmem>>, vector<16xf32>,
    tpu.vector_store %arg17[%swap3A_647], %gather3A_549 {strides = array<i32>} : memref<144xf32, #tpu.memory_space<vmem>>, vector<16xf32>,
    %swap3A_649 = arith.constant 80 : index
    %swap3A_650 = tpu.vector_load %arg18[%swap3A_649] {strides = array<i32>} : memref<144xf32, #tpu.memory_space<vmem>>, vector<16xf32>,
    tpu.vector_store %arg18[%swap3A_649], %gather3A_552 {strides = array<i32>} : memref<144xf32, #tpu.memory_space<vmem>>, vector<16xf32>,
    %swap3A_651 = arith.constant 80 : index
    %swap3A_652 = tpu.vector_load %arg19[%swap3A_651] {strides = array<i32>} : memref<144xf32, #tpu.memory_space<vmem>>, vector<16xf32>,
    tpu.vector_store %arg19[%swap3A_651], %gather3A_555 {strides = array<i32>} : memref<144xf32, #tpu.memory_space<vmem>>, vector<16xf32>,
    %swap3A_653 = arith.constant 80 : index
    %swap3A_654 = tpu.vector_load %arg20[%swap3A_653] {strides = array<i32>} : memref<144xf32, #tpu.memory_space<vmem>>, vector<16xf32>,
    tpu.vector_store %arg20[%swap3A_653], %gather3A_558 {strides = array<i32>} : memref<144xf32, #tpu.memory_space<vmem>>, vector<16xf32>,
    %get3A_655 = arith.constant 96 : index
    %get3A_656 = tpu.vector_load %arg9[%get3A_655] {strides = array<i32>} : memref<144xi32, #tpu.memory_space<vmem>>, vector<16xi32>,
    %gather3A_657 = tpu.vector_load_idx %arg7[%get3A_656] : memref<9216xf32, #tpu.memory_space<vmem>>[vector<16xi32>], vector<16xf32>,
    %broadcast_in_dim3A_658 = arith.constant 0 : i32
    %broadcast_in_dim3A_659 = vector.broadcast %broadcast_in_dim3A_658 : i32 to vector<16xi32>
    %gather3A_660 = tpu.vector_load_idx %arg8[%broadcast_in_dim3A_659, %get3A_656] : memref<4x9216xf32, #tpu.memory_space<vmem>>[vector<16xi32>, vector<16xi32>], vector<16xf32>,
    %broadcast_in_dim3A_661 = arith.constant 1 : i32
    %broadcast_in_dim3A_662 = vector.broadcast %broadcast_in_dim3A_661 : i32 to vector<16xi32>
    %gather3A_663 = tpu.vector_load_idx %arg8[%broadcast_in_dim3A_662, %get3A_656] : memref<4x9216xf32, #tpu.memory_space<vmem>>[vector<16xi32>, vector<16xi32>], vector<16xf32>,
    %broadcast_in_dim3A_664 = arith.constant 2 : i32
    %broadcast_in_dim3A_665 = vector.broadcast %broadcast_in_dim3A_664 : i32 to vector<16xi32>
    %gather3A_666 = tpu.vector_load_idx %arg8[%broadcast_in_dim3A_665, %get3A_656] : memref<4x9216xf32, #tpu.memory_space<vmem>>[vector<16xi32>, vector<16xi32>], vector<16xf32>,
    %broadcast_in_dim3A_667 = arith.constant 3 : i32
    %broadcast_in_dim3A_668 = vector.broadcast %broadcast_in_dim3A_667 : i32 to vector<16xi32>
    %gather3A_669 = tpu.vector_load_idx %arg8[%broadcast_in_dim3A_668, %get3A_656] : memref<4x9216xf32, #tpu.memory_space<vmem>>[vector<16xi32>, vector<16xi32>], vector<16xf32>,
    %get3A_670 = arith.constant 0 : i32
    %get3A_671 = arith.index_cast %get3A_670 : i32 to index
    %get3A_672 = arith.constant 96 : index
    %get3A_673 = tpu.vector_load %arg10[%get3A_671, %get3A_672] {strides = array<i32>} : memref<4x144xf32, #tpu.memory_space<vmem>>, vector<16xf32>,
    %get3A_674 = arith.constant 1 : i32
    %get3A_675 = arith.index_cast %get3A_674 : i32 to index
    %get3A_676 = arith.constant 96 : index
    %get3A_677 = tpu.vector_load %arg10[%get3A_675, %get3A_676] {strides = array<i32>} : memref<4x144xf32, #tpu.memory_space<vmem>>, vector<16xf32>,
    %get3A_678 = arith.constant 2 : i32
    %get3A_679 = arith.index_cast %get3A_678 : i32 to index
    %get3A_680 = arith.constant 96 : index
    %get3A_681 = tpu.vector_load %arg10[%get3A_679, %get3A_680] {strides = array<i32>} : memref<4x144xf32, #tpu.memory_space<vmem>>, vector<16xf32>,
    %get3A_682 = arith.constant 3 : i32
    %get3A_683 = arith.index_cast %get3A_682 : i32 to index
    %get3A_684 = arith.constant 96 : index
    %get3A_685 = tpu.vector_load %arg10[%get3A_683, %get3A_684] {strides = array<i32>} : memref<4x144xf32, #tpu.memory_space<vmem>>, vector<16xf32>,
    %mul3A_686 = arith.mulf %gather3A_660, %get3A_681 : vector<16xf32>
    %add3A_687 = arith.addf %mul3A_686, %get3A_673 : vector<16xf32>
    %mul3A_688 = arith.mulf %gather3A_663, %get3A_685 : vector<16xf32>
    %add3A_689 = arith.addf %mul3A_688, %get3A_677 : vector<16xf32>
    %exp3A_690 = math.exp %gather3A_666 : vector<16xf32>
    %mul3A_691 = arith.mulf %exp3A_690, %get3A_681 : vector<16xf32>
    %exp3A_692 = math.exp %gather3A_669 : vector<16xf32>
    %mul3A_693 = arith.mulf %exp3A_692, %get3A_685 : vector<16xf32>
    %mul3A_694 = arith.constant 5.000000e-01 : f32
    %mul3A_695 = vector.broadcast %mul3A_694 : f32 to vector<16xf32>
    %mul3A_696 = arith.mulf %mul3A_691, %mul3A_695 : vector<16xf32>
    %sub3A_697 = arith.subf %add3A_687, %mul3A_696 : vector<16xf32>
    %max3A_698 = arith.constant 0.000000e+00 : f32
    %max3A_699 = vector.broadcast %max3A_698 : f32 to vector<16xf32>
    %max3A_700 = arith.maximumf %sub3A_697, %max3A_699 : vector<16xf32>
    %min3A_701 = arith.constant 5.120000e+02 : f32
    %min3A_702 = vector.broadcast %min3A_701 : f32 to vector<16xf32>
    %min3A_703 = arith.minimumf %max3A_700, %min3A_702 : vector<16xf32>
    %mul3A_704 = arith.constant 5.000000e-01 : f32
    %mul3A_705 = vector.broadcast %mul3A_704 : f32 to vector<16xf32>
    %mul3A_706 = arith.mulf %mul3A_693, %mul3A_705 : vector<16xf32>
    %sub3A_707 = arith.subf %add3A_689, %mul3A_706 : vector<16xf32>
    %max3A_708 = arith.constant 0.000000e+00 : f32
    %max3A_709 = vector.broadcast %max3A_708 : f32 to vector<16xf32>
    %max3A_710 = arith.maximumf %sub3A_707, %max3A_709 : vector<16xf32>
    %min3A_711 = arith.constant 5.120000e+02 : f32
    %min3A_712 = vector.broadcast %min3A_711 : f32 to vector<16xf32>
    %min3A_713 = arith.minimumf %max3A_710, %min3A_712 : vector<16xf32>
    %mul3A_714 = arith.constant 5.000000e-01 : f32
    %mul3A_715 = vector.broadcast %mul3A_714 : f32 to vector<16xf32>
    %mul3A_716 = arith.mulf %mul3A_691, %mul3A_715 : vector<16xf32>
    %add3A_717 = arith.addf %add3A_687, %mul3A_716 : vector<16xf32>
    %max3A_718 = arith.constant 0.000000e+00 : f32
    %max3A_719 = vector.broadcast %max3A_718 : f32 to vector<16xf32>
    %max3A_720 = arith.maximumf %add3A_717, %max3A_719 : vector<16xf32>
    %min3A_721 = arith.constant 5.120000e+02 : f32
    %min3A_722 = vector.broadcast %min3A_721 : f32 to vector<16xf32>
    %min3A_723 = arith.minimumf %max3A_720, %min3A_722 : vector<16xf32>
    %mul3A_724 = arith.constant 5.000000e-01 : f32
    %mul3A_725 = vector.broadcast %mul3A_724 : f32 to vector<16xf32>
    %mul3A_726 = arith.mulf %mul3A_693, %mul3A_725 : vector<16xf32>
    %add3A_727 = arith.addf %add3A_689, %mul3A_726 : vector<16xf32>
    %max3A_728 = arith.constant 0.000000e+00 : f32
    %max3A_729 = vector.broadcast %max3A_728 : f32 to vector<16xf32>
    %max3A_730 = arith.maximumf %add3A_727, %max3A_729 : vector<16xf32>
    %min3A_731 = arith.constant 5.120000e+02 : f32
    %min3A_732 = vector.broadcast %min3A_731 : f32 to vector<16xf32>
    %min3A_733 = arith.minimumf %max3A_730, %min3A_732 : vector<16xf32>
    %sub3A_734 = arith.subf %min3A_723, %min3A_703 : vector<16xf32>
    %sub3A_735 = arith.subf %min3A_733, %min3A_713 : vector<16xf32>
    %mul3A_736 = arith.mulf %sub3A_734, %sub3A_735 : vector<16xf32>
    %add3A_737 = arith.constant 96 : i32
    %add3A_738 = vector.broadcast %add3A_737 : i32 to vector<16xi32>
    %add3A_739 = arith.addi %add3A_738, %iota3A : vector<16xi32>
    %lt3A_740 = arith.constant 142 : i32
    %lt3A_741 = vector.broadcast %lt3A_740 : i32 to vector<16xi32>
    %lt3A_742 = arith.cmpi slt, %add3A_739, %lt3A_741 : vector<16xi32>
    %swap3A_743 = arith.constant 96 : index
    %swap3A_744 = tpu.vector_load %arg11[%swap3A_743] {strides = array<i32>} : memref<144xf32, #tpu.memory_space<vmem>>, vector<16xf32>,
    tpu.vector_store %arg11[%swap3A_743], %min3A_703 {strides = array<i32>} : memref<144xf32, #tpu.memory_space<vmem>>, vector<16xf32>,
    %swap3A_745 = arith.constant 96 : index
    %swap3A_746 = tpu.vector_load %arg12[%swap3A_745] {strides = array<i32>} : memref<144xf32, #tpu.memory_space<vmem>>, vector<16xf32>,
    tpu.vector_store %arg12[%swap3A_745], %min3A_713 {strides = array<i32>} : memref<144xf32, #tpu.memory_space<vmem>>, vector<16xf32>,
    %swap3A_747 = arith.constant 96 : index
    %swap3A_748 = tpu.vector_load %arg13[%swap3A_747] {strides = array<i32>} : memref<144xf32, #tpu.memory_space<vmem>>, vector<16xf32>,
    tpu.vector_store %arg13[%swap3A_747], %min3A_723 {strides = array<i32>} : memref<144xf32, #tpu.memory_space<vmem>>, vector<16xf32>,
    %swap3A_749 = arith.constant 96 : index
    %swap3A_750 = tpu.vector_load %arg14[%swap3A_749] {strides = array<i32>} : memref<144xf32, #tpu.memory_space<vmem>>, vector<16xf32>,
    tpu.vector_store %arg14[%swap3A_749], %min3A_733 {strides = array<i32>} : memref<144xf32, #tpu.memory_space<vmem>>, vector<16xf32>,
    %swap3A_751 = arith.constant 96 : index
    %swap3A_752 = tpu.vector_load %arg15[%swap3A_751] {strides = array<i32>} : memref<144xf32, #tpu.memory_space<vmem>>, vector<16xf32>,
    tpu.vector_store %arg15[%swap3A_751], %mul3A_736 {strides = array<i32>} : memref<144xf32, #tpu.memory_space<vmem>>, vector<16xf32>,
    %jit3A_753 = arith.constant -1.000000e+30 : f32
    %broadcast_in_dim3A_754 = vector.broadcast %jit3A_753 : f32 to vector<16xf32>
    %select_n3A_755 = arith.select %lt3A_742, %gather3A_657, %broadcast_in_dim3A_754 : vector<16xi1>, vector<16xf32>
    %swap3A_756 = arith.constant 96 : index
    %swap3A_757 = tpu.vector_load %arg16[%swap3A_756] {strides = array<i32>} : memref<144xf32, #tpu.memory_space<vmem>>, vector<16xf32>,
    tpu.vector_store %arg16[%swap3A_756], %select_n3A_755 {strides = array<i32>} : memref<144xf32, #tpu.memory_space<vmem>>, vector<16xf32>,
    %swap3A_758 = arith.constant 96 : index
    %swap3A_759 = tpu.vector_load %arg17[%swap3A_758] {strides = array<i32>} : memref<144xf32, #tpu.memory_space<vmem>>, vector<16xf32>,
    tpu.vector_store %arg17[%swap3A_758], %gather3A_660 {strides = array<i32>} : memref<144xf32, #tpu.memory_space<vmem>>, vector<16xf32>,
    %swap3A_760 = arith.constant 96 : index
    %swap3A_761 = tpu.vector_load %arg18[%swap3A_760] {strides = array<i32>} : memref<144xf32, #tpu.memory_space<vmem>>, vector<16xf32>,
    tpu.vector_store %arg18[%swap3A_760], %gather3A_663 {strides = array<i32>} : memref<144xf32, #tpu.memory_space<vmem>>, vector<16xf32>,
    %swap3A_762 = arith.constant 96 : index
    %swap3A_763 = tpu.vector_load %arg19[%swap3A_762] {strides = array<i32>} : memref<144xf32, #tpu.memory_space<vmem>>, vector<16xf32>,
    tpu.vector_store %arg19[%swap3A_762], %gather3A_666 {strides = array<i32>} : memref<144xf32, #tpu.memory_space<vmem>>, vector<16xf32>,
    %swap3A_764 = arith.constant 96 : index
    %swap3A_765 = tpu.vector_load %arg20[%swap3A_764] {strides = array<i32>} : memref<144xf32, #tpu.memory_space<vmem>>, vector<16xf32>,
    tpu.vector_store %arg20[%swap3A_764], %gather3A_669 {strides = array<i32>} : memref<144xf32, #tpu.memory_space<vmem>>, vector<16xf32>,
    %get3A_766 = arith.constant 112 : index
    %get3A_767 = tpu.vector_load %arg9[%get3A_766] {strides = array<i32>} : memref<144xi32, #tpu.memory_space<vmem>>, vector<16xi32>,
    %gather3A_768 = tpu.vector_load_idx %arg7[%get3A_767] : memref<9216xf32, #tpu.memory_space<vmem>>[vector<16xi32>], vector<16xf32>,
    %broadcast_in_dim3A_769 = arith.constant 0 : i32
    %broadcast_in_dim3A_770 = vector.broadcast %broadcast_in_dim3A_769 : i32 to vector<16xi32>
    %gather3A_771 = tpu.vector_load_idx %arg8[%broadcast_in_dim3A_770, %get3A_767] : memref<4x9216xf32, #tpu.memory_space<vmem>>[vector<16xi32>, vector<16xi32>], vector<16xf32>,
    %broadcast_in_dim3A_772 = arith.constant 1 : i32
    %broadcast_in_dim3A_773 = vector.broadcast %broadcast_in_dim3A_772 : i32 to vector<16xi32>
    %gather3A_774 = tpu.vector_load_idx %arg8[%broadcast_in_dim3A_773, %get3A_767] : memref<4x9216xf32, #tpu.memory_space<vmem>>[vector<16xi32>, vector<16xi32>], vector<16xf32>,
    %broadcast_in_dim3A_775 = arith.constant 2 : i32
    %broadcast_in_dim3A_776 = vector.broadcast %broadcast_in_dim3A_775 : i32 to vector<16xi32>
    %gather3A_777 = tpu.vector_load_idx %arg8[%broadcast_in_dim3A_776, %get3A_767] : memref<4x9216xf32, #tpu.memory_space<vmem>>[vector<16xi32>, vector<16xi32>], vector<16xf32>,
    %broadcast_in_dim3A_778 = arith.constant 3 : i32
    %broadcast_in_dim3A_779 = vector.broadcast %broadcast_in_dim3A_778 : i32 to vector<16xi32>
    %gather3A_780 = tpu.vector_load_idx %arg8[%broadcast_in_dim3A_779, %get3A_767] : memref<4x9216xf32, #tpu.memory_space<vmem>>[vector<16xi32>, vector<16xi32>], vector<16xf32>,
    %get3A_781 = arith.constant 0 : i32
    %get3A_782 = arith.index_cast %get3A_781 : i32 to index
    %get3A_783 = arith.constant 112 : index
    %get3A_784 = tpu.vector_load %arg10[%get3A_782, %get3A_783] {strides = array<i32>} : memref<4x144xf32, #tpu.memory_space<vmem>>, vector<16xf32>,
    %get3A_785 = arith.constant 1 : i32
    %get3A_786 = arith.index_cast %get3A_785 : i32 to index
    %get3A_787 = arith.constant 112 : index
    %get3A_788 = tpu.vector_load %arg10[%get3A_786, %get3A_787] {strides = array<i32>} : memref<4x144xf32, #tpu.memory_space<vmem>>, vector<16xf32>,
    %get3A_789 = arith.constant 2 : i32
    %get3A_790 = arith.index_cast %get3A_789 : i32 to index
    %get3A_791 = arith.constant 112 : index
    %get3A_792 = tpu.vector_load %arg10[%get3A_790, %get3A_791] {strides = array<i32>} : memref<4x144xf32, #tpu.memory_space<vmem>>, vector<16xf32>,
    %get3A_793 = arith.constant 3 : i32
    %get3A_794 = arith.index_cast %get3A_793 : i32 to index
    %get3A_795 = arith.constant 112 : index
    %get3A_796 = tpu.vector_load %arg10[%get3A_794, %get3A_795] {strides = array<i32>} : memref<4x144xf32, #tpu.memory_space<vmem>>, vector<16xf32>,
    %mul3A_797 = arith.mulf %gather3A_771, %get3A_792 : vector<16xf32>
    %add3A_798 = arith.addf %mul3A_797, %get3A_784 : vector<16xf32>
    %mul3A_799 = arith.mulf %gather3A_774, %get3A_796 : vector<16xf32>
    %add3A_800 = arith.addf %mul3A_799, %get3A_788 : vector<16xf32>
    %exp3A_801 = math.exp %gather3A_777 : vector<16xf32>
    %mul3A_802 = arith.mulf %exp3A_801, %get3A_792 : vector<16xf32>
    %exp3A_803 = math.exp %gather3A_780 : vector<16xf32>
    %mul3A_804 = arith.mulf %exp3A_803, %get3A_796 : vector<16xf32>
    %mul3A_805 = arith.constant 5.000000e-01 : f32
    %mul3A_806 = vector.broadcast %mul3A_805 : f32 to vector<16xf32>
    %mul3A_807 = arith.mulf %mul3A_802, %mul3A_806 : vector<16xf32>
    %sub3A_808 = arith.subf %add3A_798, %mul3A_807 : vector<16xf32>
    %max3A_809 = arith.constant 0.000000e+00 : f32
    %max3A_810 = vector.broadcast %max3A_809 : f32 to vector<16xf32>
    %max3A_811 = arith.maximumf %sub3A_808, %max3A_810 : vector<16xf32>
    %min3A_812 = arith.constant 5.120000e+02 : f32
    %min3A_813 = vector.broadcast %min3A_812 : f32 to vector<16xf32>
    %min3A_814 = arith.minimumf %max3A_811, %min3A_813 : vector<16xf32>
    %mul3A_815 = arith.constant 5.000000e-01 : f32
    %mul3A_816 = vector.broadcast %mul3A_815 : f32 to vector<16xf32>
    %mul3A_817 = arith.mulf %mul3A_804, %mul3A_816 : vector<16xf32>
    %sub3A_818 = arith.subf %add3A_800, %mul3A_817 : vector<16xf32>
    %max3A_819 = arith.constant 0.000000e+00 : f32
    %max3A_820 = vector.broadcast %max3A_819 : f32 to vector<16xf32>
    %max3A_821 = arith.maximumf %sub3A_818, %max3A_820 : vector<16xf32>
    %min3A_822 = arith.constant 5.120000e+02 : f32
    %min3A_823 = vector.broadcast %min3A_822 : f32 to vector<16xf32>
    %min3A_824 = arith.minimumf %max3A_821, %min3A_823 : vector<16xf32>
    %mul3A_825 = arith.constant 5.000000e-01 : f32
    %mul3A_826 = vector.broadcast %mul3A_825 : f32 to vector<16xf32>
    %mul3A_827 = arith.mulf %mul3A_802, %mul3A_826 : vector<16xf32>
    %add3A_828 = arith.addf %add3A_798, %mul3A_827 : vector<16xf32>
    %max3A_829 = arith.constant 0.000000e+00 : f32
    %max3A_830 = vector.broadcast %max3A_829 : f32 to vector<16xf32>
    %max3A_831 = arith.maximumf %add3A_828, %max3A_830 : vector<16xf32>
    %min3A_832 = arith.constant 5.120000e+02 : f32
    %min3A_833 = vector.broadcast %min3A_832 : f32 to vector<16xf32>
    %min3A_834 = arith.minimumf %max3A_831, %min3A_833 : vector<16xf32>
    %mul3A_835 = arith.constant 5.000000e-01 : f32
    %mul3A_836 = vector.broadcast %mul3A_835 : f32 to vector<16xf32>
    %mul3A_837 = arith.mulf %mul3A_804, %mul3A_836 : vector<16xf32>
    %add3A_838 = arith.addf %add3A_800, %mul3A_837 : vector<16xf32>
    %max3A_839 = arith.constant 0.000000e+00 : f32
    %max3A_840 = vector.broadcast %max3A_839 : f32 to vector<16xf32>
    %max3A_841 = arith.maximumf %add3A_838, %max3A_840 : vector<16xf32>
    %min3A_842 = arith.constant 5.120000e+02 : f32
    %min3A_843 = vector.broadcast %min3A_842 : f32 to vector<16xf32>
    %min3A_844 = arith.minimumf %max3A_841, %min3A_843 : vector<16xf32>
    %sub3A_845 = arith.subf %min3A_834, %min3A_814 : vector<16xf32>
    %sub3A_846 = arith.subf %min3A_844, %min3A_824 : vector<16xf32>
    %mul3A_847 = arith.mulf %sub3A_845, %sub3A_846 : vector<16xf32>
    %add3A_848 = arith.constant 112 : i32
    %add3A_849 = vector.broadcast %add3A_848 : i32 to vector<16xi32>
    %add3A_850 = arith.addi %add3A_849, %iota3A : vector<16xi32>
    %lt3A_851 = arith.constant 142 : i32
    %lt3A_852 = vector.broadcast %lt3A_851 : i32 to vector<16xi32>
    %lt3A_853 = arith.cmpi slt, %add3A_850, %lt3A_852 : vector<16xi32>
    %swap3A_854 = arith.constant 112 : index
    %swap3A_855 = tpu.vector_load %arg11[%swap3A_854] {strides = array<i32>} : memref<144xf32, #tpu.memory_space<vmem>>, vector<16xf32>,
    tpu.vector_store %arg11[%swap3A_854], %min3A_814 {strides = array<i32>} : memref<144xf32, #tpu.memory_space<vmem>>, vector<16xf32>,
    %swap3A_856 = arith.constant 112 : index
    %swap3A_857 = tpu.vector_load %arg12[%swap3A_856] {strides = array<i32>} : memref<144xf32, #tpu.memory_space<vmem>>, vector<16xf32>,
    tpu.vector_store %arg12[%swap3A_856], %min3A_824 {strides = array<i32>} : memref<144xf32, #tpu.memory_space<vmem>>, vector<16xf32>,
    %swap3A_858 = arith.constant 112 : index
    %swap3A_859 = tpu.vector_load %arg13[%swap3A_858] {strides = array<i32>} : memref<144xf32, #tpu.memory_space<vmem>>, vector<16xf32>,
    tpu.vector_store %arg13[%swap3A_858], %min3A_834 {strides = array<i32>} : memref<144xf32, #tpu.memory_space<vmem>>, vector<16xf32>,
    %swap3A_860 = arith.constant 112 : index
    %swap3A_861 = tpu.vector_load %arg14[%swap3A_860] {strides = array<i32>} : memref<144xf32, #tpu.memory_space<vmem>>, vector<16xf32>,
    tpu.vector_store %arg14[%swap3A_860], %min3A_844 {strides = array<i32>} : memref<144xf32, #tpu.memory_space<vmem>>, vector<16xf32>,
    %swap3A_862 = arith.constant 112 : index
    %swap3A_863 = tpu.vector_load %arg15[%swap3A_862] {strides = array<i32>} : memref<144xf32, #tpu.memory_space<vmem>>, vector<16xf32>,
    tpu.vector_store %arg15[%swap3A_862], %mul3A_847 {strides = array<i32>} : memref<144xf32, #tpu.memory_space<vmem>>, vector<16xf32>,
    %jit3A_864 = arith.constant -1.000000e+30 : f32
    %broadcast_in_dim3A_865 = vector.broadcast %jit3A_864 : f32 to vector<16xf32>
    %select_n3A_866 = arith.select %lt3A_853, %gather3A_768, %broadcast_in_dim3A_865 : vector<16xi1>, vector<16xf32>
    %swap3A_867 = arith.constant 112 : index
    %swap3A_868 = tpu.vector_load %arg16[%swap3A_867] {strides = array<i32>} : memref<144xf32, #tpu.memory_space<vmem>>, vector<16xf32>,
    tpu.vector_store %arg16[%swap3A_867], %select_n3A_866 {strides = array<i32>} : memref<144xf32, #tpu.memory_space<vmem>>, vector<16xf32>,
    %swap3A_869 = arith.constant 112 : index
    %swap3A_870 = tpu.vector_load %arg17[%swap3A_869] {strides = array<i32>} : memref<144xf32, #tpu.memory_space<vmem>>, vector<16xf32>,
    tpu.vector_store %arg17[%swap3A_869], %gather3A_771 {strides = array<i32>} : memref<144xf32, #tpu.memory_space<vmem>>, vector<16xf32>,
    %swap3A_871 = arith.constant 112 : index
    %swap3A_872 = tpu.vector_load %arg18[%swap3A_871] {strides = array<i32>} : memref<144xf32, #tpu.memory_space<vmem>>, vector<16xf32>,
    tpu.vector_store %arg18[%swap3A_871], %gather3A_774 {strides = array<i32>} : memref<144xf32, #tpu.memory_space<vmem>>, vector<16xf32>,
    %swap3A_873 = arith.constant 112 : index
    %swap3A_874 = tpu.vector_load %arg19[%swap3A_873] {strides = array<i32>} : memref<144xf32, #tpu.memory_space<vmem>>, vector<16xf32>,
    tpu.vector_store %arg19[%swap3A_873], %gather3A_777 {strides = array<i32>} : memref<144xf32, #tpu.memory_space<vmem>>, vector<16xf32>,
    %swap3A_875 = arith.constant 112 : index
    %swap3A_876 = tpu.vector_load %arg20[%swap3A_875] {strides = array<i32>} : memref<144xf32, #tpu.memory_space<vmem>>, vector<16xf32>,
    tpu.vector_store %arg20[%swap3A_875], %gather3A_780 {strides = array<i32>} : memref<144xf32, #tpu.memory_space<vmem>>, vector<16xf32>,
    %get3A_877 = arith.constant 128 : index
    %get3A_878 = tpu.vector_load %arg9[%get3A_877] {strides = array<i32>} : memref<144xi32, #tpu.memory_space<vmem>>, vector<16xi32>,
    %gather3A_879 = tpu.vector_load_idx %arg7[%get3A_878] : memref<9216xf32, #tpu.memory_space<vmem>>[vector<16xi32>], vector<16xf32>,
    %broadcast_in_dim3A_880 = arith.constant 0 : i32
    %broadcast_in_dim3A_881 = vector.broadcast %broadcast_in_dim3A_880 : i32 to vector<16xi32>
    %gather3A_882 = tpu.vector_load_idx %arg8[%broadcast_in_dim3A_881, %get3A_878] : memref<4x9216xf32, #tpu.memory_space<vmem>>[vector<16xi32>, vector<16xi32>], vector<16xf32>,
    %broadcast_in_dim3A_883 = arith.constant 1 : i32
    %broadcast_in_dim3A_884 = vector.broadcast %broadcast_in_dim3A_883 : i32 to vector<16xi32>
    %gather3A_885 = tpu.vector_load_idx %arg8[%broadcast_in_dim3A_884, %get3A_878] : memref<4x9216xf32, #tpu.memory_space<vmem>>[vector<16xi32>, vector<16xi32>], vector<16xf32>,
    %broadcast_in_dim3A_886 = arith.constant 2 : i32
    %broadcast_in_dim3A_887 = vector.broadcast %broadcast_in_dim3A_886 : i32 to vector<16xi32>
    %gather3A_888 = tpu.vector_load_idx %arg8[%broadcast_in_dim3A_887, %get3A_878] : memref<4x9216xf32, #tpu.memory_space<vmem>>[vector<16xi32>, vector<16xi32>], vector<16xf32>,
    %broadcast_in_dim3A_889 = arith.constant 3 : i32
    %broadcast_in_dim3A_890 = vector.broadcast %broadcast_in_dim3A_889 : i32 to vector<16xi32>
    %gather3A_891 = tpu.vector_load_idx %arg8[%broadcast_in_dim3A_890, %get3A_878] : memref<4x9216xf32, #tpu.memory_space<vmem>>[vector<16xi32>, vector<16xi32>], vector<16xf32>,
    %get3A_892 = arith.constant 0 : i32
    %get3A_893 = arith.index_cast %get3A_892 : i32 to index
    %get3A_894 = arith.constant 128 : index
    %get3A_895 = tpu.vector_load %arg10[%get3A_893, %get3A_894] {strides = array<i32>} : memref<4x144xf32, #tpu.memory_space<vmem>>, vector<16xf32>,
    %get3A_896 = arith.constant 1 : i32
    %get3A_897 = arith.index_cast %get3A_896 : i32 to index
    %get3A_898 = arith.constant 128 : index
    %get3A_899 = tpu.vector_load %arg10[%get3A_897, %get3A_898] {strides = array<i32>} : memref<4x144xf32, #tpu.memory_space<vmem>>, vector<16xf32>,
    %get3A_900 = arith.constant 2 : i32
    %get3A_901 = arith.index_cast %get3A_900 : i32 to index
    %get3A_902 = arith.constant 128 : index
    %get3A_903 = tpu.vector_load %arg10[%get3A_901, %get3A_902] {strides = array<i32>} : memref<4x144xf32, #tpu.memory_space<vmem>>, vector<16xf32>,
    %get3A_904 = arith.constant 3 : i32
    %get3A_905 = arith.index_cast %get3A_904 : i32 to index
    %get3A_906 = arith.constant 128 : index
    %get3A_907 = tpu.vector_load %arg10[%get3A_905, %get3A_906] {strides = array<i32>} : memref<4x144xf32, #tpu.memory_space<vmem>>, vector<16xf32>,
    %mul3A_908 = arith.mulf %gather3A_882, %get3A_903 : vector<16xf32>
    %add3A_909 = arith.addf %mul3A_908, %get3A_895 : vector<16xf32>
    %mul3A_910 = arith.mulf %gather3A_885, %get3A_907 : vector<16xf32>
    %add3A_911 = arith.addf %mul3A_910, %get3A_899 : vector<16xf32>
    %exp3A_912 = math.exp %gather3A_888 : vector<16xf32>
    %mul3A_913 = arith.mulf %exp3A_912, %get3A_903 : vector<16xf32>
    %exp3A_914 = math.exp %gather3A_891 : vector<16xf32>
    %mul3A_915 = arith.mulf %exp3A_914, %get3A_907 : vector<16xf32>
    %mul3A_916 = arith.constant 5.000000e-01 : f32
    %mul3A_917 = vector.broadcast %mul3A_916 : f32 to vector<16xf32>
    %mul3A_918 = arith.mulf %mul3A_913, %mul3A_917 : vector<16xf32>
    %sub3A_919 = arith.subf %add3A_909, %mul3A_918 : vector<16xf32>
    %max3A_920 = arith.constant 0.000000e+00 : f32
    %max3A_921 = vector.broadcast %max3A_920 : f32 to vector<16xf32>
    %max3A_922 = arith.maximumf %sub3A_919, %max3A_921 : vector<16xf32>
    %min3A_923 = arith.constant 5.120000e+02 : f32
    %min3A_924 = vector.broadcast %min3A_923 : f32 to vector<16xf32>
    %min3A_925 = arith.minimumf %max3A_922, %min3A_924 : vector<16xf32>
    %mul3A_926 = arith.constant 5.000000e-01 : f32
    %mul3A_927 = vector.broadcast %mul3A_926 : f32 to vector<16xf32>
    %mul3A_928 = arith.mulf %mul3A_915, %mul3A_927 : vector<16xf32>
    %sub3A_929 = arith.subf %add3A_911, %mul3A_928 : vector<16xf32>
    %max3A_930 = arith.constant 0.000000e+00 : f32
    %max3A_931 = vector.broadcast %max3A_930 : f32 to vector<16xf32>
    %max3A_932 = arith.maximumf %sub3A_929, %max3A_931 : vector<16xf32>
    %min3A_933 = arith.constant 5.120000e+02 : f32
    %min3A_934 = vector.broadcast %min3A_933 : f32 to vector<16xf32>
    %min3A_935 = arith.minimumf %max3A_932, %min3A_934 : vector<16xf32>
    %mul3A_936 = arith.constant 5.000000e-01 : f32
    %mul3A_937 = vector.broadcast %mul3A_936 : f32 to vector<16xf32>
    %mul3A_938 = arith.mulf %mul3A_913, %mul3A_937 : vector<16xf32>
    %add3A_939 = arith.addf %add3A_909, %mul3A_938 : vector<16xf32>
    %max3A_940 = arith.constant 0.000000e+00 : f32
    %max3A_941 = vector.broadcast %max3A_940 : f32 to vector<16xf32>
    %max3A_942 = arith.maximumf %add3A_939, %max3A_941 : vector<16xf32>
    %min3A_943 = arith.constant 5.120000e+02 : f32
    %min3A_944 = vector.broadcast %min3A_943 : f32 to vector<16xf32>
    %min3A_945 = arith.minimumf %max3A_942, %min3A_944 : vector<16xf32>
    %mul3A_946 = arith.constant 5.000000e-01 : f32
    %mul3A_947 = vector.broadcast %mul3A_946 : f32 to vector<16xf32>
    %mul3A_948 = arith.mulf %mul3A_915, %mul3A_947 : vector<16xf32>
    %add3A_949 = arith.addf %add3A_911, %mul3A_948 : vector<16xf32>
    %max3A_950 = arith.constant 0.000000e+00 : f32
    %max3A_951 = vector.broadcast %max3A_950 : f32 to vector<16xf32>
    %max3A_952 = arith.maximumf %add3A_949, %max3A_951 : vector<16xf32>
    %min3A_953 = arith.constant 5.120000e+02 : f32
    %min3A_954 = vector.broadcast %min3A_953 : f32 to vector<16xf32>
    %min3A_955 = arith.minimumf %max3A_952, %min3A_954 : vector<16xf32>
    %sub3A_956 = arith.subf %min3A_945, %min3A_925 : vector<16xf32>
    %sub3A_957 = arith.subf %min3A_955, %min3A_935 : vector<16xf32>
    %mul3A_958 = arith.mulf %sub3A_956, %sub3A_957 : vector<16xf32>
    %add3A_959 = arith.constant 128 : i32
    %add3A_960 = vector.broadcast %add3A_959 : i32 to vector<16xi32>
    %add3A_961 = arith.addi %add3A_960, %iota3A : vector<16xi32>
    %lt3A_962 = arith.constant 142 : i32
    %lt3A_963 = vector.broadcast %lt3A_962 : i32 to vector<16xi32>
    %lt3A_964 = arith.cmpi slt, %add3A_961, %lt3A_963 : vector<16xi32>
    %swap3A_965 = arith.constant 128 : index
    %swap3A_966 = tpu.vector_load %arg11[%swap3A_965] {strides = array<i32>} : memref<144xf32, #tpu.memory_space<vmem>>, vector<16xf32>,
    tpu.vector_store %arg11[%swap3A_965], %min3A_925 {strides = array<i32>} : memref<144xf32, #tpu.memory_space<vmem>>, vector<16xf32>,
    %swap3A_967 = arith.constant 128 : index
    %swap3A_968 = tpu.vector_load %arg12[%swap3A_967] {strides = array<i32>} : memref<144xf32, #tpu.memory_space<vmem>>, vector<16xf32>,
    tpu.vector_store %arg12[%swap3A_967], %min3A_935 {strides = array<i32>} : memref<144xf32, #tpu.memory_space<vmem>>, vector<16xf32>,
    %swap3A_969 = arith.constant 128 : index
    %swap3A_970 = tpu.vector_load %arg13[%swap3A_969] {strides = array<i32>} : memref<144xf32, #tpu.memory_space<vmem>>, vector<16xf32>,
    tpu.vector_store %arg13[%swap3A_969], %min3A_945 {strides = array<i32>} : memref<144xf32, #tpu.memory_space<vmem>>, vector<16xf32>,
    %swap3A_971 = arith.constant 128 : index
    %swap3A_972 = tpu.vector_load %arg14[%swap3A_971] {strides = array<i32>} : memref<144xf32, #tpu.memory_space<vmem>>, vector<16xf32>,
    tpu.vector_store %arg14[%swap3A_971], %min3A_955 {strides = array<i32>} : memref<144xf32, #tpu.memory_space<vmem>>, vector<16xf32>,
    %swap3A_973 = arith.constant 128 : index
    %swap3A_974 = tpu.vector_load %arg15[%swap3A_973] {strides = array<i32>} : memref<144xf32, #tpu.memory_space<vmem>>, vector<16xf32>,
    tpu.vector_store %arg15[%swap3A_973], %mul3A_958 {strides = array<i32>} : memref<144xf32, #tpu.memory_space<vmem>>, vector<16xf32>,
    %jit3A_975 = arith.constant -1.000000e+30 : f32
    %broadcast_in_dim3A_976 = vector.broadcast %jit3A_975 : f32 to vector<16xf32>
    %select_n3A_977 = arith.select %lt3A_964, %gather3A_879, %broadcast_in_dim3A_976 : vector<16xi1>, vector<16xf32>
    %swap3A_978 = arith.constant 128 : index
    %swap3A_979 = tpu.vector_load %arg16[%swap3A_978] {strides = array<i32>} : memref<144xf32, #tpu.memory_space<vmem>>, vector<16xf32>,
    tpu.vector_store %arg16[%swap3A_978], %select_n3A_977 {strides = array<i32>} : memref<144xf32, #tpu.memory_space<vmem>>, vector<16xf32>,
    %swap3A_980 = arith.constant 128 : index
    %swap3A_981 = tpu.vector_load %arg17[%swap3A_980] {strides = array<i32>} : memref<144xf32, #tpu.memory_space<vmem>>, vector<16xf32>,
    tpu.vector_store %arg17[%swap3A_980], %gather3A_882 {strides = array<i32>} : memref<144xf32, #tpu.memory_space<vmem>>, vector<16xf32>,
    %swap3A_982 = arith.constant 128 : index
    %swap3A_983 = tpu.vector_load %arg18[%swap3A_982] {strides = array<i32>} : memref<144xf32, #tpu.memory_space<vmem>>, vector<16xf32>,
    tpu.vector_store %arg18[%swap3A_982], %gather3A_885 {strides = array<i32>} : memref<144xf32, #tpu.memory_space<vmem>>, vector<16xf32>,
    %swap3A_984 = arith.constant 128 : index
    %swap3A_985 = tpu.vector_load %arg19[%swap3A_984] {strides = array<i32>} : memref<144xf32, #tpu.memory_space<vmem>>, vector<16xf32>,
    tpu.vector_store %arg19[%swap3A_984], %gather3A_888 {strides = array<i32>} : memref<144xf32, #tpu.memory_space<vmem>>, vector<16xf32>,
    %swap3A_986 = arith.constant 128 : index
    %swap3A_987 = tpu.vector_load %arg20[%swap3A_986] {strides = array<i32>} : memref<144xf32, #tpu.memory_space<vmem>>, vector<16xf32>,
    tpu.vector_store %arg20[%swap3A_986], %gather3A_891 {strides = array<i32>} : memref<144xf32, #tpu.memory_space<vmem>>, vector<16xf32>,
    %scan3A = arith.constant 0 : i32
    %scan3A_988 = arith.constant 0 : i32
    %scan3A_989 = arith.constant 256 : i32
    %scan3A_990 = arith.addi %scan3A_988, %scan3A_989 : i32
    %scan3A_991 = arith.constant 1 : i32
    scf.for %scan3A_995 = %scan3A_988 to %scan3A_990 step %scan3A_991  : i32 {
      %get3A_996 = arith.constant 0 : index
      %get3A_997 = tpu.vector_load %arg16[%get3A_996] {strides = array<i32>} : memref<144xf32, #tpu.memory_space<vmem>>, vector<16xf32>,
      %get3A_998 = arith.constant 16 : index
      %get3A_999 = tpu.vector_load %arg16[%get3A_998] {strides = array<i32>} : memref<144xf32, #tpu.memory_space<vmem>>, vector<16xf32>,
      %gt3A = arith.cmpf ogt, %get3A_999, %get3A_997 : vector<16xf32>
      %select_n3A_1000 = arith.select %gt3A, %get3A_999, %get3A_997 : vector<16xi1>, vector<16xf32>
      %add3A_1001 = arith.constant 16 : i32
      %add3A_1002 = vector.broadcast %add3A_1001 : i32 to vector<16xi32>
      %add3A_1003 = arith.addi %add3A_1002, %iota3A : vector<16xi32>
      %select_n3A_1004 = arith.select %gt3A, %add3A_1003, %iota3A : vector<16xi1>, vector<16xi32>
      %get3A_1005 = arith.constant 32 : index
      %get3A_1006 = tpu.vector_load %arg16[%get3A_1005] {strides = array<i32>} : memref<144xf32, #tpu.memory_space<vmem>>, vector<16xf32>,
      %gt3A_1007 = arith.cmpf ogt, %get3A_1006, %select_n3A_1000 : vector<16xf32>
      %select_n3A_1008 = arith.select %gt3A_1007, %get3A_1006, %select_n3A_1000 : vector<16xi1>, vector<16xf32>
      %add3A_1009 = arith.constant 32 : i32
      %add3A_1010 = vector.broadcast %add3A_1009 : i32 to vector<16xi32>
      %add3A_1011 = arith.addi %add3A_1010, %iota3A : vector<16xi32>
      %select_n3A_1012 = arith.select %gt3A_1007, %add3A_1011, %select_n3A_1004 : vector<16xi1>, vector<16xi32>
      %get3A_1013 = arith.constant 48 : index
      %get3A_1014 = tpu.vector_load %arg16[%get3A_1013] {strides = array<i32>} : memref<144xf32, #tpu.memory_space<vmem>>, vector<16xf32>,
      %gt3A_1015 = arith.cmpf ogt, %get3A_1014, %select_n3A_1008 : vector<16xf32>
      %select_n3A_1016 = arith.select %gt3A_1015, %get3A_1014, %select_n3A_1008 : vector<16xi1>, vector<16xf32>
      %add3A_1017 = arith.constant 48 : i32
      %add3A_1018 = vector.broadcast %add3A_1017 : i32 to vector<16xi32>
      %add3A_1019 = arith.addi %add3A_1018, %iota3A : vector<16xi32>
      %select_n3A_1020 = arith.select %gt3A_1015, %add3A_1019, %select_n3A_1012 : vector<16xi1>, vector<16xi32>
      %get3A_1021 = arith.constant 64 : index
      %get3A_1022 = tpu.vector_load %arg16[%get3A_1021] {strides = array<i32>} : memref<144xf32, #tpu.memory_space<vmem>>, vector<16xf32>,
      %gt3A_1023 = arith.cmpf ogt, %get3A_1022, %select_n3A_1016 : vector<16xf32>
      %select_n3A_1024 = arith.select %gt3A_1023, %get3A_1022, %select_n3A_1016 : vector<16xi1>, vector<16xf32>
      %add3A_1025 = arith.constant 64 : i32
      %add3A_1026 = vector.broadcast %add3A_1025 : i32 to vector<16xi32>
      %add3A_1027 = arith.addi %add3A_1026, %iota3A : vector<16xi32>
      %select_n3A_1028 = arith.select %gt3A_1023, %add3A_1027, %select_n3A_1020 : vector<16xi1>, vector<16xi32>
      %get3A_1029 = arith.constant 80 : index
      %get3A_1030 = tpu.vector_load %arg16[%get3A_1029] {strides = array<i32>} : memref<144xf32, #tpu.memory_space<vmem>>, vector<16xf32>,
      %gt3A_1031 = arith.cmpf ogt, %get3A_1030, %select_n3A_1024 : vector<16xf32>
      %select_n3A_1032 = arith.select %gt3A_1031, %get3A_1030, %select_n3A_1024 : vector<16xi1>, vector<16xf32>
      %add3A_1033 = arith.constant 80 : i32
      %add3A_1034 = vector.broadcast %add3A_1033 : i32 to vector<16xi32>
      %add3A_1035 = arith.addi %add3A_1034, %iota3A : vector<16xi32>
      %select_n3A_1036 = arith.select %gt3A_1031, %add3A_1035, %select_n3A_1028 : vector<16xi1>, vector<16xi32>
      %get3A_1037 = arith.constant 96 : index
      %get3A_1038 = tpu.vector_load %arg16[%get3A_1037] {strides = array<i32>} : memref<144xf32, #tpu.memory_space<vmem>>, vector<16xf32>,
      %gt3A_1039 = arith.cmpf ogt, %get3A_1038, %select_n3A_1032 : vector<16xf32>
      %select_n3A_1040 = arith.select %gt3A_1039, %get3A_1038, %select_n3A_1032 : vector<16xi1>, vector<16xf32>
      %add3A_1041 = arith.constant 96 : i32
      %add3A_1042 = vector.broadcast %add3A_1041 : i32 to vector<16xi32>
      %add3A_1043 = arith.addi %add3A_1042, %iota3A : vector<16xi32>
      %select_n3A_1044 = arith.select %gt3A_1039, %add3A_1043, %select_n3A_1036 : vector<16xi1>, vector<16xi32>
      %get3A_1045 = arith.constant 112 : index
      %get3A_1046 = tpu.vector_load %arg16[%get3A_1045] {strides = array<i32>} : memref<144xf32, #tpu.memory_space<vmem>>, vector<16xf32>,
      %gt3A_1047 = arith.cmpf ogt, %get3A_1046, %select_n3A_1040 : vector<16xf32>
      %select_n3A_1048 = arith.select %gt3A_1047, %get3A_1046, %select_n3A_1040 : vector<16xi1>, vector<16xf32>
      %add3A_1049 = arith.constant 112 : i32
      %add3A_1050 = vector.broadcast %add3A_1049 : i32 to vector<16xi32>
      %add3A_1051 = arith.addi %add3A_1050, %iota3A : vector<16xi32>
      %select_n3A_1052 = arith.select %gt3A_1047, %add3A_1051, %select_n3A_1044 : vector<16xi1>, vector<16xi32>
      %get3A_1053 = arith.constant 128 : index
      %get3A_1054 = tpu.vector_load %arg16[%get3A_1053] {strides = array<i32>} : memref<144xf32, #tpu.memory_space<vmem>>, vector<16xf32>,
      %gt3A_1055 = arith.cmpf ogt, %get3A_1054, %select_n3A_1048 : vector<16xf32>
      %select_n3A_1056 = arith.select %gt3A_1055, %get3A_1054, %select_n3A_1048 : vector<16xi1>, vector<16xf32>
      %add3A_1057 = arith.constant 128 : i32
      %add3A_1058 = vector.broadcast %add3A_1057 : i32 to vector<16xi32>
      %add3A_1059 = arith.addi %add3A_1058, %iota3A : vector<16xi32>
      %select_n3A_1060 = arith.select %gt3A_1055, %add3A_1059, %select_n3A_1052 : vector<16xi1>, vector<16xi32>
      %reduce_max3A = arith.constant true
      %reduce_max3A_1061 = vector.broadcast %reduce_max3A : i1 to vector<16xi1>
      %reduce_max3A_1062 = tpu.scan <max>, %select_n3A_1056 masked %reduce_max3A_1061 : vector<16xf32>, vector<16xi1> -> vector<16xf32>
      %reduce_max3A_1063 = vector.extract %reduce_max3A_1062[15] : f32 from vector<16xf32>
      %eq3A_1064 = vector.broadcast %reduce_max3A_1063 : f32 to vector<16xf32>
      %eq3A_1065 = arith.cmpf oeq, %select_n3A_1056, %eq3A_1064 : vector<16xf32>
      %jit3A_1066 = arith.constant 1073741824 : i32
      %broadcast_in_dim3A_1067 = vector.broadcast %jit3A_1066 : i32 to vector<16xi32>
      %select_n3A_1068 = arith.select %eq3A_1065, %select_n3A_1060, %broadcast_in_dim3A_1067 : vector<16xi1>, vector<16xi32>
      %reduce_min3A = arith.constant true
      %reduce_min3A_1069 = vector.broadcast %reduce_min3A : i1 to vector<16xi1>
      %reduce_min3A_1070 = arith.constant -2147483648 : i32
      %reduce_min3A_1071 = vector.broadcast %reduce_min3A_1070 : i32 to vector<16xi32>
      %reduce_min3A_1072 = arith.xori %select_n3A_1068, %reduce_min3A_1071 : vector<16xi32>
      %reduce_min3A_1073 = tpu.scan <min>, %reduce_min3A_1072 masked %reduce_min3A_1069 : vector<16xi32>, vector<16xi1> -> vector<16xi32>
      %reduce_min3A_1074 = arith.xori %reduce_min3A_1073, %reduce_min3A_1071 : vector<16xi32>
      %reduce_min3A_1075 = vector.extract %reduce_min3A_1074[15] : i32 from vector<16xi32>
      %broadcast_in_dim3A_1076 = vector.broadcast %reduce_min3A_1075 : i32 to vector<16xi32>
      %mul3A_1077 = arith.constant 144 : i32
      %mul3A_1078 = arith.muli %arg1, %mul3A_1077 : i32
      %add3A_1079 = arith.addi %mul3A_1078, %reduce_min3A_1075 : i32
      %convert_element_type3A_1080 = arith.sitofp %add3A_1079 : i32 to f32
      %gather3A_1081 = tpu.vector_load_idx %arg11[%broadcast_in_dim3A_1076] : memref<144xf32, #tpu.memory_space<vmem>>[vector<16xi32>], vector<16xf32>,
      %gather3A_1082 = tpu.vector_load_idx %arg12[%broadcast_in_dim3A_1076] : memref<144xf32, #tpu.memory_space<vmem>>[vector<16xi32>], vector<16xf32>,
      %gather3A_1083 = tpu.vector_load_idx %arg13[%broadcast_in_dim3A_1076] : memref<144xf32, #tpu.memory_space<vmem>>[vector<16xi32>], vector<16xf32>,
      %gather3A_1084 = tpu.vector_load_idx %arg14[%broadcast_in_dim3A_1076] : memref<144xf32, #tpu.memory_space<vmem>>[vector<16xi32>], vector<16xf32>,
      %gather3A_1085 = tpu.vector_load_idx %arg15[%broadcast_in_dim3A_1076] : memref<144xf32, #tpu.memory_space<vmem>>[vector<16xi32>], vector<16xf32>,
      %gather3A_1086 = tpu.vector_load_idx %arg17[%broadcast_in_dim3A_1076] : memref<144xf32, #tpu.memory_space<vmem>>[vector<16xi32>], vector<16xf32>,
      %gather3A_1087 = tpu.vector_load_idx %arg18[%broadcast_in_dim3A_1076] : memref<144xf32, #tpu.memory_space<vmem>>[vector<16xi32>], vector<16xf32>,
      %gather3A_1088 = tpu.vector_load_idx %arg19[%broadcast_in_dim3A_1076] : memref<144xf32, #tpu.memory_space<vmem>>[vector<16xi32>], vector<16xf32>,
      %gather3A_1089 = tpu.vector_load_idx %arg20[%broadcast_in_dim3A_1076] : memref<144xf32, #tpu.memory_space<vmem>>[vector<16xi32>], vector<16xf32>,
      %broadcast_in_dim3A_1090 = arith.constant 0.000000e+00 : f32
      %broadcast_in_dim3A_1091 = vector.broadcast %broadcast_in_dim3A_1090 : f32 to vector<16xf32>
      %eq3A_1092 = arith.constant 0 : i32
      %eq3A_1093 = vector.broadcast %eq3A_1092 : i32 to vector<16xi32>
      %eq3A_1094 = arith.cmpi eq, %iota3A, %eq3A_1093 : vector<16xi32>
      %broadcast_in_dim3A_1095 = vector.broadcast %reduce_max3A_1063 : f32 to vector<16xf32>
      %select_n3A_1096 = arith.select %eq3A_1094, %broadcast_in_dim3A_1095, %broadcast_in_dim3A_1091 : vector<16xi1>, vector<16xf32>
      %eq3A_1097 = arith.constant 1 : i32
      %eq3A_1098 = vector.broadcast %eq3A_1097 : i32 to vector<16xi32>
      %eq3A_1099 = arith.cmpi eq, %iota3A, %eq3A_1098 : vector<16xi32>
      %broadcast_in_dim3A_1100 = vector.broadcast %convert_element_type3A_1080 : f32 to vector<16xf32>
      %select_n3A_1101 = arith.select %eq3A_1099, %broadcast_in_dim3A_1100, %select_n3A_1096 : vector<16xi1>, vector<16xf32>
      %eq3A_1102 = arith.constant 2 : i32
      %eq3A_1103 = vector.broadcast %eq3A_1102 : i32 to vector<16xi32>
      %eq3A_1104 = arith.cmpi eq, %iota3A, %eq3A_1103 : vector<16xi32>
      %select_n3A_1105 = arith.select %eq3A_1104, %gather3A_1081, %select_n3A_1101 : vector<16xi1>, vector<16xf32>
      %eq3A_1106 = arith.constant 3 : i32
      %eq3A_1107 = vector.broadcast %eq3A_1106 : i32 to vector<16xi32>
      %eq3A_1108 = arith.cmpi eq, %iota3A, %eq3A_1107 : vector<16xi32>
      %select_n3A_1109 = arith.select %eq3A_1108, %gather3A_1082, %select_n3A_1105 : vector<16xi1>, vector<16xf32>
      %eq3A_1110 = arith.constant 4 : i32
      %eq3A_1111 = vector.broadcast %eq3A_1110 : i32 to vector<16xi32>
      %eq3A_1112 = arith.cmpi eq, %iota3A, %eq3A_1111 : vector<16xi32>
      %select_n3A_1113 = arith.select %eq3A_1112, %gather3A_1083, %select_n3A_1109 : vector<16xi1>, vector<16xf32>
      %eq3A_1114 = arith.constant 5 : i32
      %eq3A_1115 = vector.broadcast %eq3A_1114 : i32 to vector<16xi32>
      %eq3A_1116 = arith.cmpi eq, %iota3A, %eq3A_1115 : vector<16xi32>
      %select_n3A_1117 = arith.select %eq3A_1116, %gather3A_1084, %select_n3A_1113 : vector<16xi1>, vector<16xf32>
      %eq3A_1118 = arith.constant 6 : i32
      %eq3A_1119 = vector.broadcast %eq3A_1118 : i32 to vector<16xi32>
      %eq3A_1120 = arith.cmpi eq, %iota3A, %eq3A_1119 : vector<16xi32>
      %select_n3A_1121 = arith.select %eq3A_1120, %gather3A_1085, %select_n3A_1117 : vector<16xi1>, vector<16xf32>
      %eq3A_1122 = arith.constant 7 : i32
      %eq3A_1123 = vector.broadcast %eq3A_1122 : i32 to vector<16xi32>
      %eq3A_1124 = arith.cmpi eq, %iota3A, %eq3A_1123 : vector<16xi32>
      %select_n3A_1125 = arith.select %eq3A_1124, %gather3A_1086, %select_n3A_1121 : vector<16xi1>, vector<16xf32>
      %eq3A_1126 = arith.constant 8 : i32
      %eq3A_1127 = vector.broadcast %eq3A_1126 : i32 to vector<16xi32>
      %eq3A_1128 = arith.cmpi eq, %iota3A, %eq3A_1127 : vector<16xi32>
      %select_n3A_1129 = arith.select %eq3A_1128, %gather3A_1087, %select_n3A_1125 : vector<16xi1>, vector<16xf32>
      %eq3A_1130 = arith.constant 9 : i32
      %eq3A_1131 = vector.broadcast %eq3A_1130 : i32 to vector<16xi32>
      %eq3A_1132 = arith.cmpi eq, %iota3A, %eq3A_1131 : vector<16xi32>
      %select_n3A_1133 = arith.select %eq3A_1132, %gather3A_1088, %select_n3A_1129 : vector<16xi1>, vector<16xf32>
      %eq3A_1134 = arith.constant 10 : i32
      %eq3A_1135 = vector.broadcast %eq3A_1134 : i32 to vector<16xi32>
      %eq3A_1136 = arith.cmpi eq, %iota3A, %eq3A_1135 : vector<16xi32>
      %select_n3A_1137 = arith.select %eq3A_1136, %gather3A_1089, %select_n3A_1133 : vector<16xi1>, vector<16xf32>
      %swap3A_1138 = arith.constant 0 : index
      %swap3A_1139 = tpu.vector_load %arg21[%swap3A_1138] {strides = array<i32>} : memref<16xf32, #tpu.memory_space<vmem>>, vector<16xf32>,
      tpu.vector_store %arg21[%swap3A_1138], %select_n3A_1137 {strides = array<i32>} : memref<16xf32, #tpu.memory_space<vmem>>, vector<16xf32>,
      "tpu.region"() ({
        %run_scoped3A = tpu.sem_alloc : memref<!tpu.dma_semaphore, #tpu.memory_space<semaphore_mem>>
        %dma_start3A = arith.constant 0 : i32
        %dma_start3A_1615 = tpu.memref_slice %arg24[%arg1, %dma_start3A] : memref<16x16xf32, #tpu.memory_space<vmem_shared>> -> memref<1x16xf32, #tpu.memory_space<vmem_shared>>
        %dma_start3A_1616 = tpu.memref_squeeze %dma_start3A_1615 : memref<1x16xf32, #tpu.memory_space<vmem_shared>> -> memref<16xf32, #tpu.memory_space<vmem_shared>>
        %dma_start3A_1617 = arith.constant 0 : i32
        %dma_start3A_1618 = tpu.memref_slice %arg24[%arg1, %dma_start3A_1617] : memref<16x16xf32, #tpu.memory_space<vmem_shared>> -> memref<1x16xf32, #tpu.memory_space<vmem_shared>>
        %dma_start3A_1619 = tpu.memref_squeeze %dma_start3A_1618 : memref<1x16xf32, #tpu.memory_space<vmem_shared>> -> memref<16xf32, #tpu.memory_space<vmem_shared>>
        tpu.enqueue_dma source(%arg21 : memref<16xf32, #tpu.memory_space<vmem>>) target(%dma_start3A_1619 : memref<16xf32, #tpu.memory_space<vmem_shared>>) target_semaphore(%run_scoped3A : memref<!tpu.dma_semaphore, #tpu.memory_space<semaphore_mem>>)
        %dma_wait3A = arith.constant 0 : i32
        %dma_wait3A_1620 = tpu.memref_slice %arg24[%arg1, %dma_wait3A] : memref<16x16xf32, #tpu.memory_space<vmem_shared>> -> memref<1x16xf32, #tpu.memory_space<vmem_shared>>
        %dma_wait3A_1621 = tpu.memref_squeeze %dma_wait3A_1620 : memref<1x16xf32, #tpu.memory_space<vmem_shared>> -> memref<16xf32, #tpu.memory_space<vmem_shared>>
        %dma_wait3A_1622 = arith.constant 0 : i32
        %dma_wait3A_1623 = tpu.memref_slice %arg24[%arg1, %dma_wait3A_1622] : memref<16x16xf32, #tpu.memory_space<vmem_shared>> -> memref<1x16xf32, #tpu.memory_space<vmem_shared>>
        %dma_wait3A_1624 = tpu.memref_squeeze %dma_wait3A_1623 : memref<1x16xf32, #tpu.memory_space<vmem_shared>> -> memref<16xf32, #tpu.memory_space<vmem_shared>>
        tpu.wait_dma2 semaphore(%run_scoped3A : memref<!tpu.dma_semaphore, #tpu.memory_space<semaphore_mem>>) src(%arg21 : memref<16xf32, #tpu.memory_space<vmem>>) dst(%dma_wait3A_1624 : memref<16xf32, #tpu.memory_space<vmem_shared>>)
        tpu.yield
      }) : () -> ()
      %barrier3A = arith.constant 0 : index
      tpu.barrier barrier_id(%barrier3A)
      "tpu.region"() ({
        %run_scoped3A = tpu.sem_alloc : memref<!tpu.dma_semaphore, #tpu.memory_space<semaphore_mem>>
        tpu.enqueue_dma source(%arg24 : memref<16x16xf32, #tpu.memory_space<vmem_shared>>) target(%arg22 : memref<16x16xf32, #tpu.memory_space<vmem>>) target_semaphore(%run_scoped3A : memref<!tpu.dma_semaphore, #tpu.memory_space<semaphore_mem>>)
        tpu.wait_dma2 semaphore(%run_scoped3A : memref<!tpu.dma_semaphore, #tpu.memory_space<semaphore_mem>>) src(%arg24 : memref<16x16xf32, #tpu.memory_space<vmem_shared>>) dst(%arg22 : memref<16x16xf32, #tpu.memory_space<vmem>>)
        tpu.yield
      }) : () -> ()
      %barrier3A_1140 = arith.constant 0 : index
      tpu.barrier barrier_id(%barrier3A_1140)
      %broadcast_in_dim3A_1141 = arith.constant 0 : i32
      %broadcast_in_dim3A_1142 = vector.broadcast %broadcast_in_dim3A_1141 : i32 to vector<16xi32>
      %gather3A_1143 = tpu.vector_load_idx %arg22[%iota3A, %broadcast_in_dim3A_1142] : memref<16x16xf32, #tpu.memory_space<vmem>>[vector<16xi32>, vector<16xi32>], vector<16xf32>,
      %reduce_max3A_1144 = arith.constant true
      %reduce_max3A_1145 = vector.broadcast %reduce_max3A_1144 : i1 to vector<16xi1>
      %reduce_max3A_1146 = tpu.scan <max>, %gather3A_1143 masked %reduce_max3A_1145 : vector<16xf32>, vector<16xi1> -> vector<16xf32>
      %reduce_max3A_1147 = vector.extract %reduce_max3A_1146[15] : f32 from vector<16xf32>
      %eq3A_1148 = vector.broadcast %reduce_max3A_1147 : f32 to vector<16xf32>
      %eq3A_1149 = arith.cmpf oeq, %gather3A_1143, %eq3A_1148 : vector<16xf32>
      %jit3A_1150 = arith.constant 1073741824 : i32
      %broadcast_in_dim3A_1151 = vector.broadcast %jit3A_1150 : i32 to vector<16xi32>
      %select_n3A_1152 = arith.select %eq3A_1149, %iota3A, %broadcast_in_dim3A_1151 : vector<16xi1>, vector<16xi32>
      %reduce_min3A_1153 = arith.constant true
      %reduce_min3A_1154 = vector.broadcast %reduce_min3A_1153 : i1 to vector<16xi1>
      %reduce_min3A_1155 = arith.constant -2147483648 : i32
      %reduce_min3A_1156 = vector.broadcast %reduce_min3A_1155 : i32 to vector<16xi32>
      %reduce_min3A_1157 = arith.xori %select_n3A_1152, %reduce_min3A_1156 : vector<16xi32>
      %reduce_min3A_1158 = tpu.scan <min>, %reduce_min3A_1157 masked %reduce_min3A_1154 : vector<16xi32>, vector<16xi1> -> vector<16xi32>
      %reduce_min3A_1159 = arith.xori %reduce_min3A_1158, %reduce_min3A_1156 : vector<16xi32>
      %reduce_min3A_1160 = vector.extract %reduce_min3A_1159[15] : i32 from vector<16xi32>
      %broadcast_in_dim3A_1161 = vector.broadcast %reduce_min3A_1160 : i32 to vector<16xi32>
      %broadcast_in_dim3A_1162 = arith.constant 1 : i32
      %broadcast_in_dim3A_1163 = vector.broadcast %broadcast_in_dim3A_1162 : i32 to vector<16xi32>
      %gather3A_1164 = tpu.vector_load_idx %arg22[%broadcast_in_dim3A_1161, %broadcast_in_dim3A_1163] : memref<16x16xf32, #tpu.memory_space<vmem>>[vector<16xi32>, vector<16xi32>], vector<16xf32>,
      %broadcast_in_dim3A_1165 = arith.constant 2 : i32
      %broadcast_in_dim3A_1166 = vector.broadcast %broadcast_in_dim3A_1165 : i32 to vector<16xi32>
      %gather3A_1167 = tpu.vector_load_idx %arg22[%broadcast_in_dim3A_1161, %broadcast_in_dim3A_1166] : memref<16x16xf32, #tpu.memory_space<vmem>>[vector<16xi32>, vector<16xi32>], vector<16xf32>,
      %broadcast_in_dim3A_1168 = arith.constant 3 : i32
      %broadcast_in_dim3A_1169 = vector.broadcast %broadcast_in_dim3A_1168 : i32 to vector<16xi32>
      %gather3A_1170 = tpu.vector_load_idx %arg22[%broadcast_in_dim3A_1161, %broadcast_in_dim3A_1169] : memref<16x16xf32, #tpu.memory_space<vmem>>[vector<16xi32>, vector<16xi32>], vector<16xf32>,
      %broadcast_in_dim3A_1171 = arith.constant 4 : i32
      %broadcast_in_dim3A_1172 = vector.broadcast %broadcast_in_dim3A_1171 : i32 to vector<16xi32>
      %gather3A_1173 = tpu.vector_load_idx %arg22[%broadcast_in_dim3A_1161, %broadcast_in_dim3A_1172] : memref<16x16xf32, #tpu.memory_space<vmem>>[vector<16xi32>, vector<16xi32>], vector<16xf32>,
      %broadcast_in_dim3A_1174 = arith.constant 5 : i32
      %broadcast_in_dim3A_1175 = vector.broadcast %broadcast_in_dim3A_1174 : i32 to vector<16xi32>
      %gather3A_1176 = tpu.vector_load_idx %arg22[%broadcast_in_dim3A_1161, %broadcast_in_dim3A_1175] : memref<16x16xf32, #tpu.memory_space<vmem>>[vector<16xi32>, vector<16xi32>], vector<16xf32>,
      %broadcast_in_dim3A_1177 = arith.constant 6 : i32
      %broadcast_in_dim3A_1178 = vector.broadcast %broadcast_in_dim3A_1177 : i32 to vector<16xi32>
      %gather3A_1179 = tpu.vector_load_idx %arg22[%broadcast_in_dim3A_1161, %broadcast_in_dim3A_1178] : memref<16x16xf32, #tpu.memory_space<vmem>>[vector<16xi32>, vector<16xi32>], vector<16xf32>,
      %get3A_1180 = arith.constant 0 : index
      %get3A_1181 = tpu.vector_load %arg11[%get3A_1180] {strides = array<i32>} : memref<144xf32, #tpu.memory_space<vmem>>, vector<16xf32>,
      %get3A_1182 = arith.constant 0 : index
      %get3A_1183 = tpu.vector_load %arg12[%get3A_1182] {strides = array<i32>} : memref<144xf32, #tpu.memory_space<vmem>>, vector<16xf32>,
      %get3A_1184 = arith.constant 0 : index
      %get3A_1185 = tpu.vector_load %arg13[%get3A_1184] {strides = array<i32>} : memref<144xf32, #tpu.memory_space<vmem>>, vector<16xf32>,
      %get3A_1186 = arith.constant 0 : index
      %get3A_1187 = tpu.vector_load %arg14[%get3A_1186] {strides = array<i32>} : memref<144xf32, #tpu.memory_space<vmem>>, vector<16xf32>,
      %max3A_1188 = arith.maximumf %get3A_1181, %gather3A_1167 : vector<16xf32>
      %max3A_1189 = arith.maximumf %get3A_1183, %gather3A_1170 : vector<16xf32>
      %min3A_1190 = arith.minimumf %get3A_1185, %gather3A_1173 : vector<16xf32>
      %min3A_1191 = arith.minimumf %get3A_1187, %gather3A_1176 : vector<16xf32>
      %sub3A_1192 = arith.subf %min3A_1190, %max3A_1188 : vector<16xf32>
      %max3A_1193 = arith.constant 0.000000e+00 : f32
      %max3A_1194 = vector.broadcast %max3A_1193 : f32 to vector<16xf32>
      %max3A_1195 = arith.maximumf %sub3A_1192, %max3A_1194 : vector<16xf32>
      %sub3A_1196 = arith.subf %min3A_1191, %max3A_1189 : vector<16xf32>
      %max3A_1197 = arith.constant 0.000000e+00 : f32
      %max3A_1198 = vector.broadcast %max3A_1197 : f32 to vector<16xf32>
      %max3A_1199 = arith.maximumf %sub3A_1196, %max3A_1198 : vector<16xf32>
      %mul3A_1200 = arith.mulf %max3A_1195, %max3A_1199 : vector<16xf32>
      %get3A_1201 = arith.constant 0 : index
      %get3A_1202 = tpu.vector_load %arg15[%get3A_1201] {strides = array<i32>} : memref<144xf32, #tpu.memory_space<vmem>>, vector<16xf32>,
      %add3A_1203 = arith.addf %gather3A_1179, %get3A_1202 : vector<16xf32>
      %sub3A_1204 = arith.subf %add3A_1203, %mul3A_1200 : vector<16xf32>
      %add3A_1205 = arith.constant 9.99999971E-10 : f32
      %add3A_1206 = vector.broadcast %add3A_1205 : f32 to vector<16xf32>
      %add3A_1207 = arith.addf %sub3A_1204, %add3A_1206 : vector<16xf32>
      %div3A = arith.divf %mul3A_1200, %add3A_1207 : vector<16xf32>
      %mul3A_1208 = arith.constant 144 : i32
      %mul3A_1209 = arith.muli %arg1, %mul3A_1208 : i32
      %add3A_1210 = arith.constant 0 : i32
      %add3A_1211 = arith.addi %mul3A_1209, %add3A_1210 : i32
      %add3A_1212 = vector.broadcast %add3A_1211 : i32 to vector<16xi32>
      %add3A_1213 = arith.addi %add3A_1212, %iota3A : vector<16xi32>
      %convert_element_type3A_1214 = arith.sitofp %add3A_1213 : vector<16xi32> to vector<16xf32>
      %gt3A_1215 = arith.constant 5.000000e-01 : f32
      %gt3A_1216 = vector.broadcast %gt3A_1215 : f32 to vector<16xf32>
      %gt3A_1217 = arith.cmpf ogt, %div3A, %gt3A_1216 : vector<16xf32>
      %eq3A_1218 = arith.cmpf oeq, %convert_element_type3A_1214, %gather3A_1164 : vector<16xf32>
      %or3A = arith.ori %gt3A_1217, %eq3A_1218 : vector<16xi1>
      %get3A_1219 = arith.constant 0 : index
      %get3A_1220 = tpu.vector_load %arg16[%get3A_1219] {strides = array<i32>} : memref<144xf32, #tpu.memory_space<vmem>>, vector<16xf32>,
      %jit3A_1221 = arith.constant -1.000000e+30 : f32
      %broadcast_in_dim3A_1222 = vector.broadcast %jit3A_1221 : f32 to vector<16xf32>
      %select_n3A_1223 = arith.select %or3A, %broadcast_in_dim3A_1222, %get3A_1220 : vector<16xi1>, vector<16xf32>
      %swap3A_1224 = arith.constant 0 : index
      %swap3A_1225 = tpu.vector_load %arg16[%swap3A_1224] {strides = array<i32>} : memref<144xf32, #tpu.memory_space<vmem>>, vector<16xf32>,
      tpu.vector_store %arg16[%swap3A_1224], %select_n3A_1223 {strides = array<i32>} : memref<144xf32, #tpu.memory_space<vmem>>, vector<16xf32>,
      %get3A_1226 = arith.constant 16 : index
      %get3A_1227 = tpu.vector_load %arg11[%get3A_1226] {strides = array<i32>} : memref<144xf32, #tpu.memory_space<vmem>>, vector<16xf32>,
      %get3A_1228 = arith.constant 16 : index
      %get3A_1229 = tpu.vector_load %arg12[%get3A_1228] {strides = array<i32>} : memref<144xf32, #tpu.memory_space<vmem>>, vector<16xf32>,
      %get3A_1230 = arith.constant 16 : index
      %get3A_1231 = tpu.vector_load %arg13[%get3A_1230] {strides = array<i32>} : memref<144xf32, #tpu.memory_space<vmem>>, vector<16xf32>,
      %get3A_1232 = arith.constant 16 : index
      %get3A_1233 = tpu.vector_load %arg14[%get3A_1232] {strides = array<i32>} : memref<144xf32, #tpu.memory_space<vmem>>, vector<16xf32>,
      %max3A_1234 = arith.maximumf %get3A_1227, %gather3A_1167 : vector<16xf32>
      %max3A_1235 = arith.maximumf %get3A_1229, %gather3A_1170 : vector<16xf32>
      %min3A_1236 = arith.minimumf %get3A_1231, %gather3A_1173 : vector<16xf32>
      %min3A_1237 = arith.minimumf %get3A_1233, %gather3A_1176 : vector<16xf32>
      %sub3A_1238 = arith.subf %min3A_1236, %max3A_1234 : vector<16xf32>
      %max3A_1239 = arith.constant 0.000000e+00 : f32
      %max3A_1240 = vector.broadcast %max3A_1239 : f32 to vector<16xf32>
      %max3A_1241 = arith.maximumf %sub3A_1238, %max3A_1240 : vector<16xf32>
      %sub3A_1242 = arith.subf %min3A_1237, %max3A_1235 : vector<16xf32>
      %max3A_1243 = arith.constant 0.000000e+00 : f32
      %max3A_1244 = vector.broadcast %max3A_1243 : f32 to vector<16xf32>
      %max3A_1245 = arith.maximumf %sub3A_1242, %max3A_1244 : vector<16xf32>
      %mul3A_1246 = arith.mulf %max3A_1241, %max3A_1245 : vector<16xf32>
      %get3A_1247 = arith.constant 16 : index
      %get3A_1248 = tpu.vector_load %arg15[%get3A_1247] {strides = array<i32>} : memref<144xf32, #tpu.memory_space<vmem>>, vector<16xf32>,
      %add3A_1249 = arith.addf %gather3A_1179, %get3A_1248 : vector<16xf32>
      %sub3A_1250 = arith.subf %add3A_1249, %mul3A_1246 : vector<16xf32>
      %add3A_1251 = arith.constant 9.99999971E-10 : f32
      %add3A_1252 = vector.broadcast %add3A_1251 : f32 to vector<16xf32>
      %add3A_1253 = arith.addf %sub3A_1250, %add3A_1252 : vector<16xf32>
      %div3A_1254 = arith.divf %mul3A_1246, %add3A_1253 : vector<16xf32>
      %mul3A_1255 = arith.constant 144 : i32
      %mul3A_1256 = arith.muli %arg1, %mul3A_1255 : i32
      %add3A_1257 = arith.constant 16 : i32
      %add3A_1258 = arith.addi %mul3A_1256, %add3A_1257 : i32
      %add3A_1259 = vector.broadcast %add3A_1258 : i32 to vector<16xi32>
      %add3A_1260 = arith.addi %add3A_1259, %iota3A : vector<16xi32>
      %convert_element_type3A_1261 = arith.sitofp %add3A_1260 : vector<16xi32> to vector<16xf32>
      %gt3A_1262 = arith.constant 5.000000e-01 : f32
      %gt3A_1263 = vector.broadcast %gt3A_1262 : f32 to vector<16xf32>
      %gt3A_1264 = arith.cmpf ogt, %div3A_1254, %gt3A_1263 : vector<16xf32>
      %eq3A_1265 = arith.cmpf oeq, %convert_element_type3A_1261, %gather3A_1164 : vector<16xf32>
      %or3A_1266 = arith.ori %gt3A_1264, %eq3A_1265 : vector<16xi1>
      %get3A_1267 = arith.constant 16 : index
      %get3A_1268 = tpu.vector_load %arg16[%get3A_1267] {strides = array<i32>} : memref<144xf32, #tpu.memory_space<vmem>>, vector<16xf32>,
      %jit3A_1269 = arith.constant -1.000000e+30 : f32
      %broadcast_in_dim3A_1270 = vector.broadcast %jit3A_1269 : f32 to vector<16xf32>
      %select_n3A_1271 = arith.select %or3A_1266, %broadcast_in_dim3A_1270, %get3A_1268 : vector<16xi1>, vector<16xf32>
      %swap3A_1272 = arith.constant 16 : index
      %swap3A_1273 = tpu.vector_load %arg16[%swap3A_1272] {strides = array<i32>} : memref<144xf32, #tpu.memory_space<vmem>>, vector<16xf32>,
      tpu.vector_store %arg16[%swap3A_1272], %select_n3A_1271 {strides = array<i32>} : memref<144xf32, #tpu.memory_space<vmem>>, vector<16xf32>,
      %get3A_1274 = arith.constant 32 : index
      %get3A_1275 = tpu.vector_load %arg11[%get3A_1274] {strides = array<i32>} : memref<144xf32, #tpu.memory_space<vmem>>, vector<16xf32>,
      %get3A_1276 = arith.constant 32 : index
      %get3A_1277 = tpu.vector_load %arg12[%get3A_1276] {strides = array<i32>} : memref<144xf32, #tpu.memory_space<vmem>>, vector<16xf32>,
      %get3A_1278 = arith.constant 32 : index
      %get3A_1279 = tpu.vector_load %arg13[%get3A_1278] {strides = array<i32>} : memref<144xf32, #tpu.memory_space<vmem>>, vector<16xf32>,
      %get3A_1280 = arith.constant 32 : index
      %get3A_1281 = tpu.vector_load %arg14[%get3A_1280] {strides = array<i32>} : memref<144xf32, #tpu.memory_space<vmem>>, vector<16xf32>,
      %max3A_1282 = arith.maximumf %get3A_1275, %gather3A_1167 : vector<16xf32>
      %max3A_1283 = arith.maximumf %get3A_1277, %gather3A_1170 : vector<16xf32>
      %min3A_1284 = arith.minimumf %get3A_1279, %gather3A_1173 : vector<16xf32>
      %min3A_1285 = arith.minimumf %get3A_1281, %gather3A_1176 : vector<16xf32>
      %sub3A_1286 = arith.subf %min3A_1284, %max3A_1282 : vector<16xf32>
      %max3A_1287 = arith.constant 0.000000e+00 : f32
      %max3A_1288 = vector.broadcast %max3A_1287 : f32 to vector<16xf32>
      %max3A_1289 = arith.maximumf %sub3A_1286, %max3A_1288 : vector<16xf32>
      %sub3A_1290 = arith.subf %min3A_1285, %max3A_1283 : vector<16xf32>
      %max3A_1291 = arith.constant 0.000000e+00 : f32
      %max3A_1292 = vector.broadcast %max3A_1291 : f32 to vector<16xf32>
      %max3A_1293 = arith.maximumf %sub3A_1290, %max3A_1292 : vector<16xf32>
      %mul3A_1294 = arith.mulf %max3A_1289, %max3A_1293 : vector<16xf32>
      %get3A_1295 = arith.constant 32 : index
      %get3A_1296 = tpu.vector_load %arg15[%get3A_1295] {strides = array<i32>} : memref<144xf32, #tpu.memory_space<vmem>>, vector<16xf32>,
      %add3A_1297 = arith.addf %gather3A_1179, %get3A_1296 : vector<16xf32>
      %sub3A_1298 = arith.subf %add3A_1297, %mul3A_1294 : vector<16xf32>
      %add3A_1299 = arith.constant 9.99999971E-10 : f32
      %add3A_1300 = vector.broadcast %add3A_1299 : f32 to vector<16xf32>
      %add3A_1301 = arith.addf %sub3A_1298, %add3A_1300 : vector<16xf32>
      %div3A_1302 = arith.divf %mul3A_1294, %add3A_1301 : vector<16xf32>
      %mul3A_1303 = arith.constant 144 : i32
      %mul3A_1304 = arith.muli %arg1, %mul3A_1303 : i32
      %add3A_1305 = arith.constant 32 : i32
      %add3A_1306 = arith.addi %mul3A_1304, %add3A_1305 : i32
      %add3A_1307 = vector.broadcast %add3A_1306 : i32 to vector<16xi32>
      %add3A_1308 = arith.addi %add3A_1307, %iota3A : vector<16xi32>
      %convert_element_type3A_1309 = arith.sitofp %add3A_1308 : vector<16xi32> to vector<16xf32>
      %gt3A_1310 = arith.constant 5.000000e-01 : f32
      %gt3A_1311 = vector.broadcast %gt3A_1310 : f32 to vector<16xf32>
      %gt3A_1312 = arith.cmpf ogt, %div3A_1302, %gt3A_1311 : vector<16xf32>
      %eq3A_1313 = arith.cmpf oeq, %convert_element_type3A_1309, %gather3A_1164 : vector<16xf32>
      %or3A_1314 = arith.ori %gt3A_1312, %eq3A_1313 : vector<16xi1>
      %get3A_1315 = arith.constant 32 : index
      %get3A_1316 = tpu.vector_load %arg16[%get3A_1315] {strides = array<i32>} : memref<144xf32, #tpu.memory_space<vmem>>, vector<16xf32>,
      %jit3A_1317 = arith.constant -1.000000e+30 : f32
      %broadcast_in_dim3A_1318 = vector.broadcast %jit3A_1317 : f32 to vector<16xf32>
      %select_n3A_1319 = arith.select %or3A_1314, %broadcast_in_dim3A_1318, %get3A_1316 : vector<16xi1>, vector<16xf32>
      %swap3A_1320 = arith.constant 32 : index
      %swap3A_1321 = tpu.vector_load %arg16[%swap3A_1320] {strides = array<i32>} : memref<144xf32, #tpu.memory_space<vmem>>, vector<16xf32>,
      tpu.vector_store %arg16[%swap3A_1320], %select_n3A_1319 {strides = array<i32>} : memref<144xf32, #tpu.memory_space<vmem>>, vector<16xf32>,
      %get3A_1322 = arith.constant 48 : index
      %get3A_1323 = tpu.vector_load %arg11[%get3A_1322] {strides = array<i32>} : memref<144xf32, #tpu.memory_space<vmem>>, vector<16xf32>,
      %get3A_1324 = arith.constant 48 : index
      %get3A_1325 = tpu.vector_load %arg12[%get3A_1324] {strides = array<i32>} : memref<144xf32, #tpu.memory_space<vmem>>, vector<16xf32>,
      %get3A_1326 = arith.constant 48 : index
      %get3A_1327 = tpu.vector_load %arg13[%get3A_1326] {strides = array<i32>} : memref<144xf32, #tpu.memory_space<vmem>>, vector<16xf32>,
      %get3A_1328 = arith.constant 48 : index
      %get3A_1329 = tpu.vector_load %arg14[%get3A_1328] {strides = array<i32>} : memref<144xf32, #tpu.memory_space<vmem>>, vector<16xf32>,
      %max3A_1330 = arith.maximumf %get3A_1323, %gather3A_1167 : vector<16xf32>
      %max3A_1331 = arith.maximumf %get3A_1325, %gather3A_1170 : vector<16xf32>
      %min3A_1332 = arith.minimumf %get3A_1327, %gather3A_1173 : vector<16xf32>
      %min3A_1333 = arith.minimumf %get3A_1329, %gather3A_1176 : vector<16xf32>
      %sub3A_1334 = arith.subf %min3A_1332, %max3A_1330 : vector<16xf32>
      %max3A_1335 = arith.constant 0.000000e+00 : f32
      %max3A_1336 = vector.broadcast %max3A_1335 : f32 to vector<16xf32>
      %max3A_1337 = arith.maximumf %sub3A_1334, %max3A_1336 : vector<16xf32>
      %sub3A_1338 = arith.subf %min3A_1333, %max3A_1331 : vector<16xf32>
      %max3A_1339 = arith.constant 0.000000e+00 : f32
      %max3A_1340 = vector.broadcast %max3A_1339 : f32 to vector<16xf32>
      %max3A_1341 = arith.maximumf %sub3A_1338, %max3A_1340 : vector<16xf32>
      %mul3A_1342 = arith.mulf %max3A_1337, %max3A_1341 : vector<16xf32>
      %get3A_1343 = arith.constant 48 : index
      %get3A_1344 = tpu.vector_load %arg15[%get3A_1343] {strides = array<i32>} : memref<144xf32, #tpu.memory_space<vmem>>, vector<16xf32>,
      %add3A_1345 = arith.addf %gather3A_1179, %get3A_1344 : vector<16xf32>
      %sub3A_1346 = arith.subf %add3A_1345, %mul3A_1342 : vector<16xf32>
      %add3A_1347 = arith.constant 9.99999971E-10 : f32
      %add3A_1348 = vector.broadcast %add3A_1347 : f32 to vector<16xf32>
      %add3A_1349 = arith.addf %sub3A_1346, %add3A_1348 : vector<16xf32>
      %div3A_1350 = arith.divf %mul3A_1342, %add3A_1349 : vector<16xf32>
      %mul3A_1351 = arith.constant 144 : i32
      %mul3A_1352 = arith.muli %arg1, %mul3A_1351 : i32
      %add3A_1353 = arith.constant 48 : i32
      %add3A_1354 = arith.addi %mul3A_1352, %add3A_1353 : i32
      %add3A_1355 = vector.broadcast %add3A_1354 : i32 to vector<16xi32>
      %add3A_1356 = arith.addi %add3A_1355, %iota3A : vector<16xi32>
      %convert_element_type3A_1357 = arith.sitofp %add3A_1356 : vector<16xi32> to vector<16xf32>
      %gt3A_1358 = arith.constant 5.000000e-01 : f32
      %gt3A_1359 = vector.broadcast %gt3A_1358 : f32 to vector<16xf32>
      %gt3A_1360 = arith.cmpf ogt, %div3A_1350, %gt3A_1359 : vector<16xf32>
      %eq3A_1361 = arith.cmpf oeq, %convert_element_type3A_1357, %gather3A_1164 : vector<16xf32>
      %or3A_1362 = arith.ori %gt3A_1360, %eq3A_1361 : vector<16xi1>
      %get3A_1363 = arith.constant 48 : index
      %get3A_1364 = tpu.vector_load %arg16[%get3A_1363] {strides = array<i32>} : memref<144xf32, #tpu.memory_space<vmem>>, vector<16xf32>,
      %jit3A_1365 = arith.constant -1.000000e+30 : f32
      %broadcast_in_dim3A_1366 = vector.broadcast %jit3A_1365 : f32 to vector<16xf32>
      %select_n3A_1367 = arith.select %or3A_1362, %broadcast_in_dim3A_1366, %get3A_1364 : vector<16xi1>, vector<16xf32>
      %swap3A_1368 = arith.constant 48 : index
      %swap3A_1369 = tpu.vector_load %arg16[%swap3A_1368] {strides = array<i32>} : memref<144xf32, #tpu.memory_space<vmem>>, vector<16xf32>,
      tpu.vector_store %arg16[%swap3A_1368], %select_n3A_1367 {strides = array<i32>} : memref<144xf32, #tpu.memory_space<vmem>>, vector<16xf32>,
      %get3A_1370 = arith.constant 64 : index
      %get3A_1371 = tpu.vector_load %arg11[%get3A_1370] {strides = array<i32>} : memref<144xf32, #tpu.memory_space<vmem>>, vector<16xf32>,
      %get3A_1372 = arith.constant 64 : index
      %get3A_1373 = tpu.vector_load %arg12[%get3A_1372] {strides = array<i32>} : memref<144xf32, #tpu.memory_space<vmem>>, vector<16xf32>,
      %get3A_1374 = arith.constant 64 : index
      %get3A_1375 = tpu.vector_load %arg13[%get3A_1374] {strides = array<i32>} : memref<144xf32, #tpu.memory_space<vmem>>, vector<16xf32>,
      %get3A_1376 = arith.constant 64 : index
      %get3A_1377 = tpu.vector_load %arg14[%get3A_1376] {strides = array<i32>} : memref<144xf32, #tpu.memory_space<vmem>>, vector<16xf32>,
      %max3A_1378 = arith.maximumf %get3A_1371, %gather3A_1167 : vector<16xf32>
      %max3A_1379 = arith.maximumf %get3A_1373, %gather3A_1170 : vector<16xf32>
      %min3A_1380 = arith.minimumf %get3A_1375, %gather3A_1173 : vector<16xf32>
      %min3A_1381 = arith.minimumf %get3A_1377, %gather3A_1176 : vector<16xf32>
      %sub3A_1382 = arith.subf %min3A_1380, %max3A_1378 : vector<16xf32>
      %max3A_1383 = arith.constant 0.000000e+00 : f32
      %max3A_1384 = vector.broadcast %max3A_1383 : f32 to vector<16xf32>
      %max3A_1385 = arith.maximumf %sub3A_1382, %max3A_1384 : vector<16xf32>
      %sub3A_1386 = arith.subf %min3A_1381, %max3A_1379 : vector<16xf32>
      %max3A_1387 = arith.constant 0.000000e+00 : f32
      %max3A_1388 = vector.broadcast %max3A_1387 : f32 to vector<16xf32>
      %max3A_1389 = arith.maximumf %sub3A_1386, %max3A_1388 : vector<16xf32>
      %mul3A_1390 = arith.mulf %max3A_1385, %max3A_1389 : vector<16xf32>
      %get3A_1391 = arith.constant 64 : index
      %get3A_1392 = tpu.vector_load %arg15[%get3A_1391] {strides = array<i32>} : memref<144xf32, #tpu.memory_space<vmem>>, vector<16xf32>,
      %add3A_1393 = arith.addf %gather3A_1179, %get3A_1392 : vector<16xf32>
      %sub3A_1394 = arith.subf %add3A_1393, %mul3A_1390 : vector<16xf32>
      %add3A_1395 = arith.constant 9.99999971E-10 : f32
      %add3A_1396 = vector.broadcast %add3A_1395 : f32 to vector<16xf32>
      %add3A_1397 = arith.addf %sub3A_1394, %add3A_1396 : vector<16xf32>
      %div3A_1398 = arith.divf %mul3A_1390, %add3A_1397 : vector<16xf32>
      %mul3A_1399 = arith.constant 144 : i32
      %mul3A_1400 = arith.muli %arg1, %mul3A_1399 : i32
      %add3A_1401 = arith.constant 64 : i32
      %add3A_1402 = arith.addi %mul3A_1400, %add3A_1401 : i32
      %add3A_1403 = vector.broadcast %add3A_1402 : i32 to vector<16xi32>
      %add3A_1404 = arith.addi %add3A_1403, %iota3A : vector<16xi32>
      %convert_element_type3A_1405 = arith.sitofp %add3A_1404 : vector<16xi32> to vector<16xf32>
      %gt3A_1406 = arith.constant 5.000000e-01 : f32
      %gt3A_1407 = vector.broadcast %gt3A_1406 : f32 to vector<16xf32>
      %gt3A_1408 = arith.cmpf ogt, %div3A_1398, %gt3A_1407 : vector<16xf32>
      %eq3A_1409 = arith.cmpf oeq, %convert_element_type3A_1405, %gather3A_1164 : vector<16xf32>
      %or3A_1410 = arith.ori %gt3A_1408, %eq3A_1409 : vector<16xi1>
      %get3A_1411 = arith.constant 64 : index
      %get3A_1412 = tpu.vector_load %arg16[%get3A_1411] {strides = array<i32>} : memref<144xf32, #tpu.memory_space<vmem>>, vector<16xf32>,
      %jit3A_1413 = arith.constant -1.000000e+30 : f32
      %broadcast_in_dim3A_1414 = vector.broadcast %jit3A_1413 : f32 to vector<16xf32>
      %select_n3A_1415 = arith.select %or3A_1410, %broadcast_in_dim3A_1414, %get3A_1412 : vector<16xi1>, vector<16xf32>
      %swap3A_1416 = arith.constant 64 : index
      %swap3A_1417 = tpu.vector_load %arg16[%swap3A_1416] {strides = array<i32>} : memref<144xf32, #tpu.memory_space<vmem>>, vector<16xf32>,
      tpu.vector_store %arg16[%swap3A_1416], %select_n3A_1415 {strides = array<i32>} : memref<144xf32, #tpu.memory_space<vmem>>, vector<16xf32>,
      %get3A_1418 = arith.constant 80 : index
      %get3A_1419 = tpu.vector_load %arg11[%get3A_1418] {strides = array<i32>} : memref<144xf32, #tpu.memory_space<vmem>>, vector<16xf32>,
      %get3A_1420 = arith.constant 80 : index
      %get3A_1421 = tpu.vector_load %arg12[%get3A_1420] {strides = array<i32>} : memref<144xf32, #tpu.memory_space<vmem>>, vector<16xf32>,
      %get3A_1422 = arith.constant 80 : index
      %get3A_1423 = tpu.vector_load %arg13[%get3A_1422] {strides = array<i32>} : memref<144xf32, #tpu.memory_space<vmem>>, vector<16xf32>,
      %get3A_1424 = arith.constant 80 : index
      %get3A_1425 = tpu.vector_load %arg14[%get3A_1424] {strides = array<i32>} : memref<144xf32, #tpu.memory_space<vmem>>, vector<16xf32>,
      %max3A_1426 = arith.maximumf %get3A_1419, %gather3A_1167 : vector<16xf32>
      %max3A_1427 = arith.maximumf %get3A_1421, %gather3A_1170 : vector<16xf32>
      %min3A_1428 = arith.minimumf %get3A_1423, %gather3A_1173 : vector<16xf32>
      %min3A_1429 = arith.minimumf %get3A_1425, %gather3A_1176 : vector<16xf32>
      %sub3A_1430 = arith.subf %min3A_1428, %max3A_1426 : vector<16xf32>
      %max3A_1431 = arith.constant 0.000000e+00 : f32
      %max3A_1432 = vector.broadcast %max3A_1431 : f32 to vector<16xf32>
      %max3A_1433 = arith.maximumf %sub3A_1430, %max3A_1432 : vector<16xf32>
      %sub3A_1434 = arith.subf %min3A_1429, %max3A_1427 : vector<16xf32>
      %max3A_1435 = arith.constant 0.000000e+00 : f32
      %max3A_1436 = vector.broadcast %max3A_1435 : f32 to vector<16xf32>
      %max3A_1437 = arith.maximumf %sub3A_1434, %max3A_1436 : vector<16xf32>
      %mul3A_1438 = arith.mulf %max3A_1433, %max3A_1437 : vector<16xf32>
      %get3A_1439 = arith.constant 80 : index
      %get3A_1440 = tpu.vector_load %arg15[%get3A_1439] {strides = array<i32>} : memref<144xf32, #tpu.memory_space<vmem>>, vector<16xf32>,
      %add3A_1441 = arith.addf %gather3A_1179, %get3A_1440 : vector<16xf32>
      %sub3A_1442 = arith.subf %add3A_1441, %mul3A_1438 : vector<16xf32>
      %add3A_1443 = arith.constant 9.99999971E-10 : f32
      %add3A_1444 = vector.broadcast %add3A_1443 : f32 to vector<16xf32>
      %add3A_1445 = arith.addf %sub3A_1442, %add3A_1444 : vector<16xf32>
      %div3A_1446 = arith.divf %mul3A_1438, %add3A_1445 : vector<16xf32>
      %mul3A_1447 = arith.constant 144 : i32
      %mul3A_1448 = arith.muli %arg1, %mul3A_1447 : i32
      %add3A_1449 = arith.constant 80 : i32
      %add3A_1450 = arith.addi %mul3A_1448, %add3A_1449 : i32
      %add3A_1451 = vector.broadcast %add3A_1450 : i32 to vector<16xi32>
      %add3A_1452 = arith.addi %add3A_1451, %iota3A : vector<16xi32>
      %convert_element_type3A_1453 = arith.sitofp %add3A_1452 : vector<16xi32> to vector<16xf32>
      %gt3A_1454 = arith.constant 5.000000e-01 : f32
      %gt3A_1455 = vector.broadcast %gt3A_1454 : f32 to vector<16xf32>
      %gt3A_1456 = arith.cmpf ogt, %div3A_1446, %gt3A_1455 : vector<16xf32>
      %eq3A_1457 = arith.cmpf oeq, %convert_element_type3A_1453, %gather3A_1164 : vector<16xf32>
      %or3A_1458 = arith.ori %gt3A_1456, %eq3A_1457 : vector<16xi1>
      %get3A_1459 = arith.constant 80 : index
      %get3A_1460 = tpu.vector_load %arg16[%get3A_1459] {strides = array<i32>} : memref<144xf32, #tpu.memory_space<vmem>>, vector<16xf32>,
      %jit3A_1461 = arith.constant -1.000000e+30 : f32
      %broadcast_in_dim3A_1462 = vector.broadcast %jit3A_1461 : f32 to vector<16xf32>
      %select_n3A_1463 = arith.select %or3A_1458, %broadcast_in_dim3A_1462, %get3A_1460 : vector<16xi1>, vector<16xf32>
      %swap3A_1464 = arith.constant 80 : index
      %swap3A_1465 = tpu.vector_load %arg16[%swap3A_1464] {strides = array<i32>} : memref<144xf32, #tpu.memory_space<vmem>>, vector<16xf32>,
      tpu.vector_store %arg16[%swap3A_1464], %select_n3A_1463 {strides = array<i32>} : memref<144xf32, #tpu.memory_space<vmem>>, vector<16xf32>,
      %get3A_1466 = arith.constant 96 : index
      %get3A_1467 = tpu.vector_load %arg11[%get3A_1466] {strides = array<i32>} : memref<144xf32, #tpu.memory_space<vmem>>, vector<16xf32>,
      %get3A_1468 = arith.constant 96 : index
      %get3A_1469 = tpu.vector_load %arg12[%get3A_1468] {strides = array<i32>} : memref<144xf32, #tpu.memory_space<vmem>>, vector<16xf32>,
      %get3A_1470 = arith.constant 96 : index
      %get3A_1471 = tpu.vector_load %arg13[%get3A_1470] {strides = array<i32>} : memref<144xf32, #tpu.memory_space<vmem>>, vector<16xf32>,
      %get3A_1472 = arith.constant 96 : index
      %get3A_1473 = tpu.vector_load %arg14[%get3A_1472] {strides = array<i32>} : memref<144xf32, #tpu.memory_space<vmem>>, vector<16xf32>,
      %max3A_1474 = arith.maximumf %get3A_1467, %gather3A_1167 : vector<16xf32>
      %max3A_1475 = arith.maximumf %get3A_1469, %gather3A_1170 : vector<16xf32>
      %min3A_1476 = arith.minimumf %get3A_1471, %gather3A_1173 : vector<16xf32>
      %min3A_1477 = arith.minimumf %get3A_1473, %gather3A_1176 : vector<16xf32>
      %sub3A_1478 = arith.subf %min3A_1476, %max3A_1474 : vector<16xf32>
      %max3A_1479 = arith.constant 0.000000e+00 : f32
      %max3A_1480 = vector.broadcast %max3A_1479 : f32 to vector<16xf32>
      %max3A_1481 = arith.maximumf %sub3A_1478, %max3A_1480 : vector<16xf32>
      %sub3A_1482 = arith.subf %min3A_1477, %max3A_1475 : vector<16xf32>
      %max3A_1483 = arith.constant 0.000000e+00 : f32
      %max3A_1484 = vector.broadcast %max3A_1483 : f32 to vector<16xf32>
      %max3A_1485 = arith.maximumf %sub3A_1482, %max3A_1484 : vector<16xf32>
      %mul3A_1486 = arith.mulf %max3A_1481, %max3A_1485 : vector<16xf32>
      %get3A_1487 = arith.constant 96 : index
      %get3A_1488 = tpu.vector_load %arg15[%get3A_1487] {strides = array<i32>} : memref<144xf32, #tpu.memory_space<vmem>>, vector<16xf32>,
      %add3A_1489 = arith.addf %gather3A_1179, %get3A_1488 : vector<16xf32>
      %sub3A_1490 = arith.subf %add3A_1489, %mul3A_1486 : vector<16xf32>
      %add3A_1491 = arith.constant 9.99999971E-10 : f32
      %add3A_1492 = vector.broadcast %add3A_1491 : f32 to vector<16xf32>
      %add3A_1493 = arith.addf %sub3A_1490, %add3A_1492 : vector<16xf32>
      %div3A_1494 = arith.divf %mul3A_1486, %add3A_1493 : vector<16xf32>
      %mul3A_1495 = arith.constant 144 : i32
      %mul3A_1496 = arith.muli %arg1, %mul3A_1495 : i32
      %add3A_1497 = arith.constant 96 : i32
      %add3A_1498 = arith.addi %mul3A_1496, %add3A_1497 : i32
      %add3A_1499 = vector.broadcast %add3A_1498 : i32 to vector<16xi32>
      %add3A_1500 = arith.addi %add3A_1499, %iota3A : vector<16xi32>
      %convert_element_type3A_1501 = arith.sitofp %add3A_1500 : vector<16xi32> to vector<16xf32>
      %gt3A_1502 = arith.constant 5.000000e-01 : f32
      %gt3A_1503 = vector.broadcast %gt3A_1502 : f32 to vector<16xf32>
      %gt3A_1504 = arith.cmpf ogt, %div3A_1494, %gt3A_1503 : vector<16xf32>
      %eq3A_1505 = arith.cmpf oeq, %convert_element_type3A_1501, %gather3A_1164 : vector<16xf32>
      %or3A_1506 = arith.ori %gt3A_1504, %eq3A_1505 : vector<16xi1>
      %get3A_1507 = arith.constant 96 : index
      %get3A_1508 = tpu.vector_load %arg16[%get3A_1507] {strides = array<i32>} : memref<144xf32, #tpu.memory_space<vmem>>, vector<16xf32>,
      %jit3A_1509 = arith.constant -1.000000e+30 : f32
      %broadcast_in_dim3A_1510 = vector.broadcast %jit3A_1509 : f32 to vector<16xf32>
      %select_n3A_1511 = arith.select %or3A_1506, %broadcast_in_dim3A_1510, %get3A_1508 : vector<16xi1>, vector<16xf32>
      %swap3A_1512 = arith.constant 96 : index
      %swap3A_1513 = tpu.vector_load %arg16[%swap3A_1512] {strides = array<i32>} : memref<144xf32, #tpu.memory_space<vmem>>, vector<16xf32>,
      tpu.vector_store %arg16[%swap3A_1512], %select_n3A_1511 {strides = array<i32>} : memref<144xf32, #tpu.memory_space<vmem>>, vector<16xf32>,
      %get3A_1514 = arith.constant 112 : index
      %get3A_1515 = tpu.vector_load %arg11[%get3A_1514] {strides = array<i32>} : memref<144xf32, #tpu.memory_space<vmem>>, vector<16xf32>,
      %get3A_1516 = arith.constant 112 : index
      %get3A_1517 = tpu.vector_load %arg12[%get3A_1516] {strides = array<i32>} : memref<144xf32, #tpu.memory_space<vmem>>, vector<16xf32>,
      %get3A_1518 = arith.constant 112 : index
      %get3A_1519 = tpu.vector_load %arg13[%get3A_1518] {strides = array<i32>} : memref<144xf32, #tpu.memory_space<vmem>>, vector<16xf32>,
      %get3A_1520 = arith.constant 112 : index
      %get3A_1521 = tpu.vector_load %arg14[%get3A_1520] {strides = array<i32>} : memref<144xf32, #tpu.memory_space<vmem>>, vector<16xf32>,
      %max3A_1522 = arith.maximumf %get3A_1515, %gather3A_1167 : vector<16xf32>
      %max3A_1523 = arith.maximumf %get3A_1517, %gather3A_1170 : vector<16xf32>
      %min3A_1524 = arith.minimumf %get3A_1519, %gather3A_1173 : vector<16xf32>
      %min3A_1525 = arith.minimumf %get3A_1521, %gather3A_1176 : vector<16xf32>
      %sub3A_1526 = arith.subf %min3A_1524, %max3A_1522 : vector<16xf32>
      %max3A_1527 = arith.constant 0.000000e+00 : f32
      %max3A_1528 = vector.broadcast %max3A_1527 : f32 to vector<16xf32>
      %max3A_1529 = arith.maximumf %sub3A_1526, %max3A_1528 : vector<16xf32>
      %sub3A_1530 = arith.subf %min3A_1525, %max3A_1523 : vector<16xf32>
      %max3A_1531 = arith.constant 0.000000e+00 : f32
      %max3A_1532 = vector.broadcast %max3A_1531 : f32 to vector<16xf32>
      %max3A_1533 = arith.maximumf %sub3A_1530, %max3A_1532 : vector<16xf32>
      %mul3A_1534 = arith.mulf %max3A_1529, %max3A_1533 : vector<16xf32>
      %get3A_1535 = arith.constant 112 : index
      %get3A_1536 = tpu.vector_load %arg15[%get3A_1535] {strides = array<i32>} : memref<144xf32, #tpu.memory_space<vmem>>, vector<16xf32>,
      %add3A_1537 = arith.addf %gather3A_1179, %get3A_1536 : vector<16xf32>
      %sub3A_1538 = arith.subf %add3A_1537, %mul3A_1534 : vector<16xf32>
      %add3A_1539 = arith.constant 9.99999971E-10 : f32
      %add3A_1540 = vector.broadcast %add3A_1539 : f32 to vector<16xf32>
      %add3A_1541 = arith.addf %sub3A_1538, %add3A_1540 : vector<16xf32>
      %div3A_1542 = arith.divf %mul3A_1534, %add3A_1541 : vector<16xf32>
      %mul3A_1543 = arith.constant 144 : i32
      %mul3A_1544 = arith.muli %arg1, %mul3A_1543 : i32
      %add3A_1545 = arith.constant 112 : i32
      %add3A_1546 = arith.addi %mul3A_1544, %add3A_1545 : i32
      %add3A_1547 = vector.broadcast %add3A_1546 : i32 to vector<16xi32>
      %add3A_1548 = arith.addi %add3A_1547, %iota3A : vector<16xi32>
      %convert_element_type3A_1549 = arith.sitofp %add3A_1548 : vector<16xi32> to vector<16xf32>
      %gt3A_1550 = arith.constant 5.000000e-01 : f32
      %gt3A_1551 = vector.broadcast %gt3A_1550 : f32 to vector<16xf32>
      %gt3A_1552 = arith.cmpf ogt, %div3A_1542, %gt3A_1551 : vector<16xf32>
      %eq3A_1553 = arith.cmpf oeq, %convert_element_type3A_1549, %gather3A_1164 : vector<16xf32>
      %or3A_1554 = arith.ori %gt3A_1552, %eq3A_1553 : vector<16xi1>
      %get3A_1555 = arith.constant 112 : index
      %get3A_1556 = tpu.vector_load %arg16[%get3A_1555] {strides = array<i32>} : memref<144xf32, #tpu.memory_space<vmem>>, vector<16xf32>,
      %jit3A_1557 = arith.constant -1.000000e+30 : f32
      %broadcast_in_dim3A_1558 = vector.broadcast %jit3A_1557 : f32 to vector<16xf32>
      %select_n3A_1559 = arith.select %or3A_1554, %broadcast_in_dim3A_1558, %get3A_1556 : vector<16xi1>, vector<16xf32>
      %swap3A_1560 = arith.constant 112 : index
      %swap3A_1561 = tpu.vector_load %arg16[%swap3A_1560] {strides = array<i32>} : memref<144xf32, #tpu.memory_space<vmem>>, vector<16xf32>,
      tpu.vector_store %arg16[%swap3A_1560], %select_n3A_1559 {strides = array<i32>} : memref<144xf32, #tpu.memory_space<vmem>>, vector<16xf32>,
      %get3A_1562 = arith.constant 128 : index
      %get3A_1563 = tpu.vector_load %arg11[%get3A_1562] {strides = array<i32>} : memref<144xf32, #tpu.memory_space<vmem>>, vector<16xf32>,
      %get3A_1564 = arith.constant 128 : index
      %get3A_1565 = tpu.vector_load %arg12[%get3A_1564] {strides = array<i32>} : memref<144xf32, #tpu.memory_space<vmem>>, vector<16xf32>,
      %get3A_1566 = arith.constant 128 : index
      %get3A_1567 = tpu.vector_load %arg13[%get3A_1566] {strides = array<i32>} : memref<144xf32, #tpu.memory_space<vmem>>, vector<16xf32>,
      %get3A_1568 = arith.constant 128 : index
      %get3A_1569 = tpu.vector_load %arg14[%get3A_1568] {strides = array<i32>} : memref<144xf32, #tpu.memory_space<vmem>>, vector<16xf32>,
      %max3A_1570 = arith.maximumf %get3A_1563, %gather3A_1167 : vector<16xf32>
      %max3A_1571 = arith.maximumf %get3A_1565, %gather3A_1170 : vector<16xf32>
      %min3A_1572 = arith.minimumf %get3A_1567, %gather3A_1173 : vector<16xf32>
      %min3A_1573 = arith.minimumf %get3A_1569, %gather3A_1176 : vector<16xf32>
      %sub3A_1574 = arith.subf %min3A_1572, %max3A_1570 : vector<16xf32>
      %max3A_1575 = arith.constant 0.000000e+00 : f32
      %max3A_1576 = vector.broadcast %max3A_1575 : f32 to vector<16xf32>
      %max3A_1577 = arith.maximumf %sub3A_1574, %max3A_1576 : vector<16xf32>
      %sub3A_1578 = arith.subf %min3A_1573, %max3A_1571 : vector<16xf32>
      %max3A_1579 = arith.constant 0.000000e+00 : f32
      %max3A_1580 = vector.broadcast %max3A_1579 : f32 to vector<16xf32>
      %max3A_1581 = arith.maximumf %sub3A_1578, %max3A_1580 : vector<16xf32>
      %mul3A_1582 = arith.mulf %max3A_1577, %max3A_1581 : vector<16xf32>
      %get3A_1583 = arith.constant 128 : index
      %get3A_1584 = tpu.vector_load %arg15[%get3A_1583] {strides = array<i32>} : memref<144xf32, #tpu.memory_space<vmem>>, vector<16xf32>,
      %add3A_1585 = arith.addf %gather3A_1179, %get3A_1584 : vector<16xf32>
      %sub3A_1586 = arith.subf %add3A_1585, %mul3A_1582 : vector<16xf32>
      %add3A_1587 = arith.constant 9.99999971E-10 : f32
      %add3A_1588 = vector.broadcast %add3A_1587 : f32 to vector<16xf32>
      %add3A_1589 = arith.addf %sub3A_1586, %add3A_1588 : vector<16xf32>
      %div3A_1590 = arith.divf %mul3A_1582, %add3A_1589 : vector<16xf32>
      %mul3A_1591 = arith.constant 144 : i32
      %mul3A_1592 = arith.muli %arg1, %mul3A_1591 : i32
      %add3A_1593 = arith.constant 128 : i32
      %add3A_1594 = arith.addi %mul3A_1592, %add3A_1593 : i32
      %add3A_1595 = vector.broadcast %add3A_1594 : i32 to vector<16xi32>
      %add3A_1596 = arith.addi %add3A_1595, %iota3A : vector<16xi32>
      %convert_element_type3A_1597 = arith.sitofp %add3A_1596 : vector<16xi32> to vector<16xf32>
      %gt3A_1598 = arith.constant 5.000000e-01 : f32
      %gt3A_1599 = vector.broadcast %gt3A_1598 : f32 to vector<16xf32>
      %gt3A_1600 = arith.cmpf ogt, %div3A_1590, %gt3A_1599 : vector<16xf32>
      %eq3A_1601 = arith.cmpf oeq, %convert_element_type3A_1597, %gather3A_1164 : vector<16xf32>
      %or3A_1602 = arith.ori %gt3A_1600, %eq3A_1601 : vector<16xi1>
      %get3A_1603 = arith.constant 128 : index
      %get3A_1604 = tpu.vector_load %arg16[%get3A_1603] {strides = array<i32>} : memref<144xf32, #tpu.memory_space<vmem>>, vector<16xf32>,
      %jit3A_1605 = arith.constant -1.000000e+30 : f32
      %broadcast_in_dim3A_1606 = vector.broadcast %jit3A_1605 : f32 to vector<16xf32>
      %select_n3A_1607 = arith.select %or3A_1602, %broadcast_in_dim3A_1606, %get3A_1604 : vector<16xi1>, vector<16xf32>
      %swap3A_1608 = arith.constant 128 : index
      %swap3A_1609 = tpu.vector_load %arg16[%swap3A_1608] {strides = array<i32>} : memref<144xf32, #tpu.memory_space<vmem>>, vector<16xf32>,
      tpu.vector_store %arg16[%swap3A_1608], %select_n3A_1607 {strides = array<i32>} : memref<144xf32, #tpu.memory_space<vmem>>, vector<16xf32>,
      %eq3A_1610 = arith.constant 0 : i32
      %eq3A_1611 = arith.cmpi eq, %arg1, %eq3A_1610 : i32
      %convert_element_type3A_1612 = arith.extui %eq3A_1611 : i1 to i32
      %cond3A_1613 = arith.constant 0 : i32
      %cond3A_1614 = arith.cmpi ne, %convert_element_type3A_1612, %cond3A_1613 : i32
      scf.if %cond3A_1614 {
        %ge3A = arith.constant 4 : i32
        %ge3A_1615 = vector.broadcast %ge3A : i32 to vector<16xi32>
        %ge3A_1616 = arith.cmpi sge, %iota3A, %ge3A_1615 : vector<16xi32>
        %lt3A_1617 = arith.constant 8 : i32
        %lt3A_1618 = vector.broadcast %lt3A_1617 : i32 to vector<16xi32>
        %lt3A_1619 = arith.cmpi slt, %iota3A, %lt3A_1618 : vector<16xi32>
        %and3A = arith.andi %ge3A_1616, %lt3A_1619 : vector<16xi1>
        %add3A_1620 = arith.constant 3 : i32
        %add3A_1621 = vector.broadcast %add3A_1620 : i32 to vector<16xi32>
        %add3A_1622 = arith.addi %iota3A, %add3A_1621 : vector<16xi32>
        %jit3A_1623 = arith.constant 0 : i32
        %broadcast_in_dim3A_1624 = vector.broadcast %jit3A_1623 : i32 to vector<16xi32>
        %select_n3A_1625 = arith.select %and3A, %add3A_1622, %broadcast_in_dim3A_1624 : vector<16xi1>, vector<16xi32>
        %gather3A_1626 = tpu.vector_load_idx %arg22[%broadcast_in_dim3A_1161, %select_n3A_1625] : memref<16x16xf32, #tpu.memory_space<vmem>>[vector<16xi32>, vector<16xi32>], vector<16xf32>,
        %jit3A_1627 = arith.constant 0.000000e+00 : f32
        %broadcast_in_dim3A_1628 = vector.broadcast %jit3A_1627 : f32 to vector<16xf32>
        %select_n3A_1629 = arith.select %and3A, %gather3A_1626, %broadcast_in_dim3A_1628 : vector<16xi1>, vector<16xf32>
        %eq3A_1630 = arith.constant 0 : i32
        %eq3A_1631 = vector.broadcast %eq3A_1630 : i32 to vector<16xi32>
        %eq3A_1632 = arith.cmpi eq, %iota3A, %eq3A_1631 : vector<16xi32>
        %add3A_1633 = arith.addf %gather3A_1167, %gather3A_1173 : vector<16xf32>
        %mul3A_1634 = arith.constant 5.000000e-01 : f32
        %mul3A_1635 = vector.broadcast %mul3A_1634 : f32 to vector<16xf32>
        %mul3A_1636 = arith.mulf %add3A_1633, %mul3A_1635 : vector<16xf32>
        %select_n3A_1637 = arith.select %eq3A_1632, %mul3A_1636, %select_n3A_1629 : vector<16xi1>, vector<16xf32>
        %eq3A_1638 = arith.constant 1 : i32
        %eq3A_1639 = vector.broadcast %eq3A_1638 : i32 to vector<16xi32>
        %eq3A_1640 = arith.cmpi eq, %iota3A, %eq3A_1639 : vector<16xi32>
        %add3A_1641 = arith.addf %gather3A_1170, %gather3A_1176 : vector<16xf32>
        %mul3A_1642 = arith.constant 5.000000e-01 : f32
        %mul3A_1643 = vector.broadcast %mul3A_1642 : f32 to vector<16xf32>
        %mul3A_1644 = arith.mulf %add3A_1641, %mul3A_1643 : vector<16xf32>
        %select_n3A_1645 = arith.select %eq3A_1640, %mul3A_1644, %select_n3A_1637 : vector<16xi1>, vector<16xf32>
        %eq3A_1646 = arith.constant 2 : i32
        %eq3A_1647 = vector.broadcast %eq3A_1646 : i32 to vector<16xi32>
        %eq3A_1648 = arith.cmpi eq, %iota3A, %eq3A_1647 : vector<16xi32>
        %sub3A_1649 = arith.subf %gather3A_1173, %gather3A_1167 : vector<16xf32>
        %select_n3A_1650 = arith.select %eq3A_1648, %sub3A_1649, %select_n3A_1645 : vector<16xi1>, vector<16xf32>
        %eq3A_1651 = arith.constant 3 : i32
        %eq3A_1652 = vector.broadcast %eq3A_1651 : i32 to vector<16xi32>
        %eq3A_1653 = arith.cmpi eq, %iota3A, %eq3A_1652 : vector<16xi32>
        %sub3A_1654 = arith.subf %gather3A_1176, %gather3A_1170 : vector<16xf32>
        %select_n3A_1655 = arith.select %eq3A_1653, %sub3A_1654, %select_n3A_1650 : vector<16xi1>, vector<16xf32>
        %swap3A_1656 = arith.index_cast %scan3A_995 : i32 to index
        %swap3A_1657 = arith.constant 0 : index
        %swap3A_1658 = tpu.vector_load %arg23[%swap3A_1656, %swap3A_1657] {strides = array<i32>} : memref<256x16xf32, #tpu.memory_space<vmem>>, vector<16xf32>,
        tpu.vector_store %arg23[%swap3A_1656, %swap3A_1657], %select_n3A_1655 {strides = array<i32>} : memref<256x16xf32, #tpu.memory_space<vmem>>, vector<16xf32>,
      } else {
      }
    }
    %scan3A_992 = arith.constant 256 : i32
    %eq3A = arith.constant 0 : i32
    %eq3A_993 = arith.cmpi eq, %arg1, %eq3A : i32
    %convert_element_type3A = arith.extui %eq3A_993 : i1 to i32
    %cond3A = arith.constant 0 : i32
    %cond3A_994 = arith.cmpi ne, %convert_element_type3A, %cond3A : i32
    scf.if %cond3A_994 {
      "tpu.region"() ({
        %run_scoped3A = tpu.sem_alloc : memref<!tpu.dma_semaphore, #tpu.memory_space<semaphore_mem>>
        %dma_start3A = arith.constant 0 : i32
        %dma_start3A_995 = arith.constant 0 : i32
        %dma_start3A_996 = tpu.memref_slice %arg6[%arg0, %dma_start3A, %dma_start3A_995] : memref<2x256x16xf32, #tpu.memory_space<hbm>> -> memref<1x256x16xf32, #tpu.memory_space<hbm>>
        %dma_start3A_997 = tpu.memref_squeeze %dma_start3A_996 : memref<1x256x16xf32, #tpu.memory_space<hbm>> -> memref<256x16xf32, #tpu.memory_space<hbm>>
        %dma_start3A_998 = arith.constant 0 : i32
        %dma_start3A_999 = arith.constant 0 : i32
        %dma_start3A_1000 = tpu.memref_slice %arg6[%arg0, %dma_start3A_998, %dma_start3A_999] : memref<2x256x16xf32, #tpu.memory_space<hbm>> -> memref<1x256x16xf32, #tpu.memory_space<hbm>>
        %dma_start3A_1001 = tpu.memref_squeeze %dma_start3A_1000 : memref<1x256x16xf32, #tpu.memory_space<hbm>> -> memref<256x16xf32, #tpu.memory_space<hbm>>
        tpu.enqueue_dma source(%arg23 : memref<256x16xf32, #tpu.memory_space<vmem>>) target(%dma_start3A_1001 : memref<256x16xf32, #tpu.memory_space<hbm>>) target_semaphore(%run_scoped3A : memref<!tpu.dma_semaphore, #tpu.memory_space<semaphore_mem>>)
        %dma_wait3A = arith.constant 0 : i32
        %dma_wait3A_1002 = arith.constant 0 : i32
        %dma_wait3A_1003 = tpu.memref_slice %arg6[%arg0, %dma_wait3A, %dma_wait3A_1002] : memref<2x256x16xf32, #tpu.memory_space<hbm>> -> memref<1x256x16xf32, #tpu.memory_space<hbm>>
        %dma_wait3A_1004 = tpu.memref_squeeze %dma_wait3A_1003 : memref<1x256x16xf32, #tpu.memory_space<hbm>> -> memref<256x16xf32, #tpu.memory_space<hbm>>
        %dma_wait3A_1005 = arith.constant 0 : i32
        %dma_wait3A_1006 = arith.constant 0 : i32
        %dma_wait3A_1007 = tpu.memref_slice %arg6[%arg0, %dma_wait3A_1005, %dma_wait3A_1006] : memref<2x256x16xf32, #tpu.memory_space<hbm>> -> memref<1x256x16xf32, #tpu.memory_space<hbm>>
        %dma_wait3A_1008 = tpu.memref_squeeze %dma_wait3A_1007 : memref<1x256x16xf32, #tpu.memory_space<hbm>> -> memref<256x16xf32, #tpu.memory_space<hbm>>
        tpu.wait_dma2 semaphore(%run_scoped3A : memref<!tpu.dma_semaphore, #tpu.memory_space<semaphore_mem>>) src(%arg23 : memref<256x16xf32, #tpu.memory_space<vmem>>) dst(%dma_wait3A_1008 : memref<256x16xf32, #tpu.memory_space<hbm>>)
        tpu.yield
      }) : () -> ()
    } else {
    }
    return
  }
}

module attributes {stable_mosaic.version = 14 : i64} {
  func.func @_trunk_body(%arg0: i32, %arg1: memref<1x1090x512xf32, #tpu.memory_space<vmem>>, %arg2: memref<4608x512xf32, #tpu.memory_space<vmem>>, %arg3: memref<512xf32, #tpu.memory_space<vmem>>, %arg4: memref<512x128xf32, #tpu.memory_space<vmem>>, %arg5: memref<128xf32, #tpu.memory_space<vmem>>, %arg6: memref<1x1024x128xf32, #tpu.memory_space<vmem>>) attributes {dimension_semantics = [#tpu.dimension_semantics<arbitrary>], iteration_bounds = array<i64: 2>, scalar_prefetch = 0 : i64, scratch_operands = 0 : i64, tpu.core_type = #tpu.core_type<tc>, window_params = [{transform_indices = @transform_0, window_bounds = array<i64: 1, 1090, 512>}, {pipeline_mode = #tpu.pipeline_mode<synchronous>, transform_indices = @transform_1, window_bounds = array<i64: 4608, 512>}, {pipeline_mode = #tpu.pipeline_mode<synchronous>, transform_indices = @transform_2, window_bounds = array<i64: 512>}, {pipeline_mode = #tpu.pipeline_mode<synchronous>, transform_indices = @transform_3, window_bounds = array<i64: 512, 128>}, {pipeline_mode = #tpu.pipeline_mode<synchronous>, transform_indices = @transform_4, window_bounds = array<i64: 128>}, {transform_indices = @transform_5, window_bounds = array<i64: 1, 1024, 128>}]} {
    %iota3A = tpu.iota {dimensions = array<i32: 0>} : vector<256x1xi32>
    %add3A = arith.constant 0 : i32
    %add3A_0 = vector.broadcast %add3A : i32 to vector<256x1xi32>
    %add3A_1 = arith.addi %add3A_0, %iota3A : vector<256x1xi32>
    %jit3A = arith.constant 32 : i32
    %eq3A = arith.constant 0 : i32
    %eq3A_2 = arith.cmpi eq, %jit3A, %eq3A : i32
    %jit3A_3 = arith.constant 1 : i32
    %select_n3A = arith.select %eq3A_2, %jit3A_3, %jit3A : i32
    %rem3A = vector.broadcast %select_n3A : i32 to vector<256x1xi32>
    %rem3A_4 = arith.remsi %add3A_1, %rem3A : vector<256x1xi32>
    %ne3A = arith.constant 0 : i32
    %ne3A_5 = vector.broadcast %ne3A : i32 to vector<256x1xi32>
    %ne3A_6 = arith.cmpi ne, %rem3A_4, %ne3A_5 : vector<256x1xi32>
    %lt3A = arith.constant 0 : i32
    %lt3A_7 = vector.broadcast %lt3A : i32 to vector<256x1xi32>
    %lt3A_8 = arith.cmpi slt, %rem3A_4, %lt3A_7 : vector<256x1xi32>
    %lt3A_9 = arith.constant 0 : i32
    %lt3A_10 = arith.cmpi slt, %select_n3A, %lt3A_9 : i32
    %ne3A_11 = vector.broadcast %lt3A_10 : i1 to vector<256x1xi1>
    %ne3A_12 = vector.broadcast %ne3A_11 : vector<256x1xi1> to vector<256x1xi1>
    %ne3A_13 = arith.xori %lt3A_8, %ne3A_12 : vector<256x1xi1>
    %and3A = arith.andi %ne3A_13, %ne3A_6 : vector<256x1xi1>
    %add3A_14 = vector.broadcast %select_n3A : i32 to vector<256x1xi32>
    %add3A_15 = arith.addi %rem3A_4, %add3A_14 : vector<256x1xi32>
    %select_n3A_16 = arith.select %and3A, %add3A_15, %rem3A_4 : vector<256x1xi1>, vector<256x1xi32>
    %get3A = arith.constant 0 : index
    %get3A_17 = arith.constant 0 : index
    %get3A_18 = arith.constant 0 : index
    %get3A_19 = vector.load %arg1[%get3A, %get3A_17, %get3A_18] : memref<1x1090x512xf32, #tpu.memory_space<vmem>>, vector<1x256x512xf32>
    %get3A_20 = vector.shape_cast %get3A_19 : vector<1x256x512xf32> to vector<256x512xf32>
    %ne3A_21 = arith.constant 0 : i32
    %ne3A_22 = vector.broadcast %ne3A_21 : i32 to vector<256x1xi32>
    %ne3A_23 = arith.cmpi ne, %select_n3A_16, %ne3A_22 : vector<256x1xi32>
    %jit3A_24 = arith.constant 0.000000e+00 : f32
    %broadcast_in_dim3A = vector.shape_cast %ne3A_23 : vector<256x1xi1> to vector<256x1xi1>
    %broadcast_in_dim3A_25 = vector.broadcast %broadcast_in_dim3A : vector<256x1xi1> to vector<256x512xi1>
    %broadcast_in_dim3A_26 = vector.broadcast %jit3A_24 : f32 to vector<256x512xf32>
    %select_n3A_27 = arith.select %broadcast_in_dim3A_25, %get3A_20, %broadcast_in_dim3A_26 : vector<256x512xi1>, vector<256x512xf32>
    %get3A_28 = arith.constant 0 : index
    %get3A_29 = arith.constant 1 : index
    %get3A_30 = arith.constant 0 : index
    %get3A_31 = vector.load %arg1[%get3A_28, %get3A_29, %get3A_30] : memref<1x1090x512xf32, #tpu.memory_space<vmem>>, vector<1x256x512xf32>
    %get3A_32 = vector.shape_cast %get3A_31 : vector<1x256x512xf32> to vector<256x512xf32>
    %get3A_33 = arith.constant 0 : index
    %get3A_34 = arith.constant 2 : index
    %get3A_35 = arith.constant 0 : index
    %get3A_36 = vector.load %arg1[%get3A_33, %get3A_34, %get3A_35] : memref<1x1090x512xf32, #tpu.memory_space<vmem>>, vector<1x256x512xf32>
    %get3A_37 = vector.shape_cast %get3A_36 : vector<1x256x512xf32> to vector<256x512xf32>
    %ne3A_38 = arith.constant 31 : i32
    %ne3A_39 = vector.broadcast %ne3A_38 : i32 to vector<256x1xi32>
    %ne3A_40 = arith.cmpi ne, %select_n3A_16, %ne3A_39 : vector<256x1xi32>
    %jit3A_41 = arith.constant 0.000000e+00 : f32
    %broadcast_in_dim3A_42 = vector.shape_cast %ne3A_40 : vector<256x1xi1> to vector<256x1xi1>
    %broadcast_in_dim3A_43 = vector.broadcast %broadcast_in_dim3A_42 : vector<256x1xi1> to vector<256x512xi1>
    %broadcast_in_dim3A_44 = vector.broadcast %jit3A_41 : f32 to vector<256x512xf32>
    %select_n3A_45 = arith.select %broadcast_in_dim3A_43, %get3A_37, %broadcast_in_dim3A_44 : vector<256x512xi1>, vector<256x512xf32>
    %get3A_46 = arith.constant 0 : index
    %get3A_47 = arith.constant 32 : index
    %get3A_48 = arith.constant 0 : index
    %get3A_49 = vector.load %arg1[%get3A_46, %get3A_47, %get3A_48] : memref<1x1090x512xf32, #tpu.memory_space<vmem>>, vector<1x256x512xf32>
    %get3A_50 = vector.shape_cast %get3A_49 : vector<1x256x512xf32> to vector<256x512xf32>
    %ne3A_51 = arith.constant 0 : i32
    %ne3A_52 = vector.broadcast %ne3A_51 : i32 to vector<256x1xi32>
    %ne3A_53 = arith.cmpi ne, %select_n3A_16, %ne3A_52 : vector<256x1xi32>
    %jit3A_54 = arith.constant 0.000000e+00 : f32
    %broadcast_in_dim3A_55 = vector.shape_cast %ne3A_53 : vector<256x1xi1> to vector<256x1xi1>
    %broadcast_in_dim3A_56 = vector.broadcast %broadcast_in_dim3A_55 : vector<256x1xi1> to vector<256x512xi1>
    %broadcast_in_dim3A_57 = vector.broadcast %jit3A_54 : f32 to vector<256x512xf32>
    %select_n3A_58 = arith.select %broadcast_in_dim3A_56, %get3A_50, %broadcast_in_dim3A_57 : vector<256x512xi1>, vector<256x512xf32>
    %get3A_59 = arith.constant 0 : index
    %get3A_60 = arith.constant 33 : index
    %get3A_61 = arith.constant 0 : index
    %get3A_62 = vector.load %arg1[%get3A_59, %get3A_60, %get3A_61] : memref<1x1090x512xf32, #tpu.memory_space<vmem>>, vector<1x256x512xf32>
    %get3A_63 = vector.shape_cast %get3A_62 : vector<1x256x512xf32> to vector<256x512xf32>
    %get3A_64 = arith.constant 0 : index
    %get3A_65 = arith.constant 34 : index
    %get3A_66 = arith.constant 0 : index
    %get3A_67 = vector.load %arg1[%get3A_64, %get3A_65, %get3A_66] : memref<1x1090x512xf32, #tpu.memory_space<vmem>>, vector<1x256x512xf32>
    %get3A_68 = vector.shape_cast %get3A_67 : vector<1x256x512xf32> to vector<256x512xf32>
    %ne3A_69 = arith.constant 31 : i32
    %ne3A_70 = vector.broadcast %ne3A_69 : i32 to vector<256x1xi32>
    %ne3A_71 = arith.cmpi ne, %select_n3A_16, %ne3A_70 : vector<256x1xi32>
    %jit3A_72 = arith.constant 0.000000e+00 : f32
    %broadcast_in_dim3A_73 = vector.shape_cast %ne3A_71 : vector<256x1xi1> to vector<256x1xi1>
    %broadcast_in_dim3A_74 = vector.broadcast %broadcast_in_dim3A_73 : vector<256x1xi1> to vector<256x512xi1>
    %broadcast_in_dim3A_75 = vector.broadcast %jit3A_72 : f32 to vector<256x512xf32>
    %select_n3A_76 = arith.select %broadcast_in_dim3A_74, %get3A_68, %broadcast_in_dim3A_75 : vector<256x512xi1>, vector<256x512xf32>
    %get3A_77 = arith.constant 0 : index
    %get3A_78 = arith.constant 64 : index
    %get3A_79 = arith.constant 0 : index
    %get3A_80 = vector.load %arg1[%get3A_77, %get3A_78, %get3A_79] : memref<1x1090x512xf32, #tpu.memory_space<vmem>>, vector<1x256x512xf32>
    %get3A_81 = vector.shape_cast %get3A_80 : vector<1x256x512xf32> to vector<256x512xf32>
    %ne3A_82 = arith.constant 0 : i32
    %ne3A_83 = vector.broadcast %ne3A_82 : i32 to vector<256x1xi32>
    %ne3A_84 = arith.cmpi ne, %select_n3A_16, %ne3A_83 : vector<256x1xi32>
    %jit3A_85 = arith.constant 0.000000e+00 : f32
    %broadcast_in_dim3A_86 = vector.shape_cast %ne3A_84 : vector<256x1xi1> to vector<256x1xi1>
    %broadcast_in_dim3A_87 = vector.broadcast %broadcast_in_dim3A_86 : vector<256x1xi1> to vector<256x512xi1>
    %broadcast_in_dim3A_88 = vector.broadcast %jit3A_85 : f32 to vector<256x512xf32>
    %select_n3A_89 = arith.select %broadcast_in_dim3A_87, %get3A_81, %broadcast_in_dim3A_88 : vector<256x512xi1>, vector<256x512xf32>
    %get3A_90 = arith.constant 0 : index
    %get3A_91 = arith.constant 65 : index
    %get3A_92 = arith.constant 0 : index
    %get3A_93 = vector.load %arg1[%get3A_90, %get3A_91, %get3A_92] : memref<1x1090x512xf32, #tpu.memory_space<vmem>>, vector<1x256x512xf32>
    %get3A_94 = vector.shape_cast %get3A_93 : vector<1x256x512xf32> to vector<256x512xf32>
    %get3A_95 = arith.constant 0 : index
    %get3A_96 = arith.constant 66 : index
    %get3A_97 = arith.constant 0 : index
    %get3A_98 = vector.load %arg1[%get3A_95, %get3A_96, %get3A_97] : memref<1x1090x512xf32, #tpu.memory_space<vmem>>, vector<1x256x512xf32>
    %get3A_99 = vector.shape_cast %get3A_98 : vector<1x256x512xf32> to vector<256x512xf32>
    %ne3A_100 = arith.constant 31 : i32
    %ne3A_101 = vector.broadcast %ne3A_100 : i32 to vector<256x1xi32>
    %ne3A_102 = arith.cmpi ne, %select_n3A_16, %ne3A_101 : vector<256x1xi32>
    %jit3A_103 = arith.constant 0.000000e+00 : f32
    %broadcast_in_dim3A_104 = vector.shape_cast %ne3A_102 : vector<256x1xi1> to vector<256x1xi1>
    %broadcast_in_dim3A_105 = vector.broadcast %broadcast_in_dim3A_104 : vector<256x1xi1> to vector<256x512xi1>
    %broadcast_in_dim3A_106 = vector.broadcast %jit3A_103 : f32 to vector<256x512xf32>
    %select_n3A_107 = arith.select %broadcast_in_dim3A_105, %get3A_99, %broadcast_in_dim3A_106 : vector<256x512xi1>, vector<256x512xf32>
    %concatenate3A = tpu.concatenate %select_n3A_27, %get3A_32, %select_n3A_45, %select_n3A_58, %get3A_63, %select_n3A_76, %select_n3A_89, %get3A_94, %select_n3A_107 in 1 : vector<256x512xf32>, vector<256x512xf32>, vector<256x512xf32>, vector<256x512xf32>, vector<256x512xf32>, vector<256x512xf32>, vector<256x512xf32>, vector<256x512xf32>, vector<256x512xf32> -> vector<256x4608xf32>
    %get3A_108 = arith.constant 0 : index
    %get3A_109 = arith.constant 0 : index
    %get3A_110 = vector.load %arg2[%get3A_108, %get3A_109] : memref<4608x512xf32, #tpu.memory_space<vmem>>, vector<4608x512xf32>
    %dot_general3A = arith.constant dense<0.000000e+00> : vector<256x512xf32>
    %dot_general3A_111 = tpu.matmul %concatenate3A, %get3A_110, %dot_general3A {dimension_numbers = #tpu.dot_dimension_numbers<[1], [0], [0], [1], [0, 0, 1, 1], [], []>, transpose_lhs_hint = false} : vector<256x4608xf32>, vector<4608x512xf32>, vector<256x512xf32> -> vector<256x512xf32>
    %get3A_112 = arith.constant 0 : index
    %get3A_113 = vector.load %arg3[%get3A_112] : memref<512xf32, #tpu.memory_space<vmem>>, vector<512xf32>
    %broadcast_in_dim3A_114 = vector.shape_cast %get3A_113 : vector<512xf32> to vector<1x512xf32>
    %add3A_115 = vector.broadcast %broadcast_in_dim3A_114 : vector<1x512xf32> to vector<256x512xf32>
    %add3A_116 = arith.addf %dot_general3A_111, %add3A_115 : vector<256x512xf32>
    %max3A = arith.constant 0.000000e+00 : f32
    %max3A_117 = vector.broadcast %max3A : f32 to vector<256x512xf32>
    %max3A_118 = arith.maximumf %add3A_116, %max3A_117 : vector<256x512xf32>
    %get3A_119 = arith.constant 0 : index
    %get3A_120 = arith.constant 0 : index
    %get3A_121 = vector.load %arg4[%get3A_119, %get3A_120] : memref<512x128xf32, #tpu.memory_space<vmem>>, vector<512x128xf32>
    %dot_general3A_122 = arith.constant dense<0.000000e+00> : vector<256x128xf32>
    %dot_general3A_123 = tpu.matmul %max3A_118, %get3A_121, %dot_general3A_122 {dimension_numbers = #tpu.dot_dimension_numbers<[1], [0], [0], [1], [0, 0, 1, 1], [], []>, transpose_lhs_hint = false} : vector<256x512xf32>, vector<512x128xf32>, vector<256x128xf32> -> vector<256x128xf32>
    %get3A_124 = arith.constant 0 : index
    %get3A_125 = vector.load %arg5[%get3A_124] : memref<128xf32, #tpu.memory_space<vmem>>, vector<128xf32>
    %broadcast_in_dim3A_126 = vector.shape_cast %get3A_125 : vector<128xf32> to vector<1x128xf32>
    %add3A_127 = vector.broadcast %broadcast_in_dim3A_126 : vector<1x128xf32> to vector<256x128xf32>
    %add3A_128 = arith.addf %dot_general3A_123, %add3A_127 : vector<256x128xf32>
    %swap3A = arith.constant 0 : index
    %swap3A_129 = arith.constant 0 : index
    %swap3A_130 = arith.constant 0 : index
    %swap3A_131 = vector.load %arg6[%swap3A, %swap3A_129, %swap3A_130] : memref<1x1024x128xf32, #tpu.memory_space<vmem>>, vector<1x256x128xf32>
    %swap3A_132 = vector.shape_cast %swap3A_131 : vector<1x256x128xf32> to vector<256x128xf32>
    %swap3A_133 = vector.shape_cast %add3A_128 : vector<256x128xf32> to vector<1x256x128xf32>
    tpu.vector_store %arg6[%swap3A, %swap3A_129, %swap3A_130], %swap3A_133 {strides = array<i32>} : memref<1x1024x128xf32, #tpu.memory_space<vmem>>, vector<1x256x128xf32>,
    %iota3A_134 = tpu.iota {dimensions = array<i32: 0>} : vector<256x1xi32>
    %add3A_135 = arith.constant 256 : i32
    %add3A_136 = vector.broadcast %add3A_135 : i32 to vector<256x1xi32>
    %add3A_137 = arith.addi %add3A_136, %iota3A_134 : vector<256x1xi32>
    %jit3A_138 = arith.constant 32 : i32
    %eq3A_139 = arith.constant 0 : i32
    %eq3A_140 = arith.cmpi eq, %jit3A_138, %eq3A_139 : i32
    %jit3A_141 = arith.constant 1 : i32
    %select_n3A_142 = arith.select %eq3A_140, %jit3A_141, %jit3A_138 : i32
    %rem3A_143 = vector.broadcast %select_n3A_142 : i32 to vector<256x1xi32>
    %rem3A_144 = arith.remsi %add3A_137, %rem3A_143 : vector<256x1xi32>
    %ne3A_145 = arith.constant 0 : i32
    %ne3A_146 = vector.broadcast %ne3A_145 : i32 to vector<256x1xi32>
    %ne3A_147 = arith.cmpi ne, %rem3A_144, %ne3A_146 : vector<256x1xi32>
    %lt3A_148 = arith.constant 0 : i32
    %lt3A_149 = vector.broadcast %lt3A_148 : i32 to vector<256x1xi32>
    %lt3A_150 = arith.cmpi slt, %rem3A_144, %lt3A_149 : vector<256x1xi32>
    %lt3A_151 = arith.constant 0 : i32
    %lt3A_152 = arith.cmpi slt, %select_n3A_142, %lt3A_151 : i32
    %ne3A_153 = vector.broadcast %lt3A_152 : i1 to vector<256x1xi1>
    %ne3A_154 = vector.broadcast %ne3A_153 : vector<256x1xi1> to vector<256x1xi1>
    %ne3A_155 = arith.xori %lt3A_150, %ne3A_154 : vector<256x1xi1>
    %and3A_156 = arith.andi %ne3A_155, %ne3A_147 : vector<256x1xi1>
    %add3A_157 = vector.broadcast %select_n3A_142 : i32 to vector<256x1xi32>
    %add3A_158 = arith.addi %rem3A_144, %add3A_157 : vector<256x1xi32>
    %select_n3A_159 = arith.select %and3A_156, %add3A_158, %rem3A_144 : vector<256x1xi1>, vector<256x1xi32>
    %get3A_160 = arith.constant 0 : index
    %get3A_161 = arith.constant 256 : index
    %get3A_162 = arith.constant 0 : index
    %get3A_163 = vector.load %arg1[%get3A_160, %get3A_161, %get3A_162] : memref<1x1090x512xf32, #tpu.memory_space<vmem>>, vector<1x256x512xf32>
    %get3A_164 = vector.shape_cast %get3A_163 : vector<1x256x512xf32> to vector<256x512xf32>
    %ne3A_165 = arith.constant 0 : i32
    %ne3A_166 = vector.broadcast %ne3A_165 : i32 to vector<256x1xi32>
    %ne3A_167 = arith.cmpi ne, %select_n3A_159, %ne3A_166 : vector<256x1xi32>
    %jit3A_168 = arith.constant 0.000000e+00 : f32
    %broadcast_in_dim3A_169 = vector.shape_cast %ne3A_167 : vector<256x1xi1> to vector<256x1xi1>
    %broadcast_in_dim3A_170 = vector.broadcast %broadcast_in_dim3A_169 : vector<256x1xi1> to vector<256x512xi1>
    %broadcast_in_dim3A_171 = vector.broadcast %jit3A_168 : f32 to vector<256x512xf32>
    %select_n3A_172 = arith.select %broadcast_in_dim3A_170, %get3A_164, %broadcast_in_dim3A_171 : vector<256x512xi1>, vector<256x512xf32>
    %get3A_173 = arith.constant 0 : index
    %get3A_174 = arith.constant 257 : index
    %get3A_175 = arith.constant 0 : index
    %get3A_176 = vector.load %arg1[%get3A_173, %get3A_174, %get3A_175] : memref<1x1090x512xf32, #tpu.memory_space<vmem>>, vector<1x256x512xf32>
    %get3A_177 = vector.shape_cast %get3A_176 : vector<1x256x512xf32> to vector<256x512xf32>
    %get3A_178 = arith.constant 0 : index
    %get3A_179 = arith.constant 258 : index
    %get3A_180 = arith.constant 0 : index
    %get3A_181 = vector.load %arg1[%get3A_178, %get3A_179, %get3A_180] : memref<1x1090x512xf32, #tpu.memory_space<vmem>>, vector<1x256x512xf32>
    %get3A_182 = vector.shape_cast %get3A_181 : vector<1x256x512xf32> to vector<256x512xf32>
    %ne3A_183 = arith.constant 31 : i32
    %ne3A_184 = vector.broadcast %ne3A_183 : i32 to vector<256x1xi32>
    %ne3A_185 = arith.cmpi ne, %select_n3A_159, %ne3A_184 : vector<256x1xi32>
    %jit3A_186 = arith.constant 0.000000e+00 : f32
    %broadcast_in_dim3A_187 = vector.shape_cast %ne3A_185 : vector<256x1xi1> to vector<256x1xi1>
    %broadcast_in_dim3A_188 = vector.broadcast %broadcast_in_dim3A_187 : vector<256x1xi1> to vector<256x512xi1>
    %broadcast_in_dim3A_189 = vector.broadcast %jit3A_186 : f32 to vector<256x512xf32>
    %select_n3A_190 = arith.select %broadcast_in_dim3A_188, %get3A_182, %broadcast_in_dim3A_189 : vector<256x512xi1>, vector<256x512xf32>
    %get3A_191 = arith.constant 0 : index
    %get3A_192 = arith.constant 288 : index
    %get3A_193 = arith.constant 0 : index
    %get3A_194 = vector.load %arg1[%get3A_191, %get3A_192, %get3A_193] : memref<1x1090x512xf32, #tpu.memory_space<vmem>>, vector<1x256x512xf32>
    %get3A_195 = vector.shape_cast %get3A_194 : vector<1x256x512xf32> to vector<256x512xf32>
    %ne3A_196 = arith.constant 0 : i32
    %ne3A_197 = vector.broadcast %ne3A_196 : i32 to vector<256x1xi32>
    %ne3A_198 = arith.cmpi ne, %select_n3A_159, %ne3A_197 : vector<256x1xi32>
    %jit3A_199 = arith.constant 0.000000e+00 : f32
    %broadcast_in_dim3A_200 = vector.shape_cast %ne3A_198 : vector<256x1xi1> to vector<256x1xi1>
    %broadcast_in_dim3A_201 = vector.broadcast %broadcast_in_dim3A_200 : vector<256x1xi1> to vector<256x512xi1>
    %broadcast_in_dim3A_202 = vector.broadcast %jit3A_199 : f32 to vector<256x512xf32>
    %select_n3A_203 = arith.select %broadcast_in_dim3A_201, %get3A_195, %broadcast_in_dim3A_202 : vector<256x512xi1>, vector<256x512xf32>
    %get3A_204 = arith.constant 0 : index
    %get3A_205 = arith.constant 289 : index
    %get3A_206 = arith.constant 0 : index
    %get3A_207 = vector.load %arg1[%get3A_204, %get3A_205, %get3A_206] : memref<1x1090x512xf32, #tpu.memory_space<vmem>>, vector<1x256x512xf32>
    %get3A_208 = vector.shape_cast %get3A_207 : vector<1x256x512xf32> to vector<256x512xf32>
    %get3A_209 = arith.constant 0 : index
    %get3A_210 = arith.constant 290 : index
    %get3A_211 = arith.constant 0 : index
    %get3A_212 = vector.load %arg1[%get3A_209, %get3A_210, %get3A_211] : memref<1x1090x512xf32, #tpu.memory_space<vmem>>, vector<1x256x512xf32>
    %get3A_213 = vector.shape_cast %get3A_212 : vector<1x256x512xf32> to vector<256x512xf32>
    %ne3A_214 = arith.constant 31 : i32
    %ne3A_215 = vector.broadcast %ne3A_214 : i32 to vector<256x1xi32>
    %ne3A_216 = arith.cmpi ne, %select_n3A_159, %ne3A_215 : vector<256x1xi32>
    %jit3A_217 = arith.constant 0.000000e+00 : f32
    %broadcast_in_dim3A_218 = vector.shape_cast %ne3A_216 : vector<256x1xi1> to vector<256x1xi1>
    %broadcast_in_dim3A_219 = vector.broadcast %broadcast_in_dim3A_218 : vector<256x1xi1> to vector<256x512xi1>
    %broadcast_in_dim3A_220 = vector.broadcast %jit3A_217 : f32 to vector<256x512xf32>
    %select_n3A_221 = arith.select %broadcast_in_dim3A_219, %get3A_213, %broadcast_in_dim3A_220 : vector<256x512xi1>, vector<256x512xf32>
    %get3A_222 = arith.constant 0 : index
    %get3A_223 = arith.constant 320 : index
    %get3A_224 = arith.constant 0 : index
    %get3A_225 = vector.load %arg1[%get3A_222, %get3A_223, %get3A_224] : memref<1x1090x512xf32, #tpu.memory_space<vmem>>, vector<1x256x512xf32>
    %get3A_226 = vector.shape_cast %get3A_225 : vector<1x256x512xf32> to vector<256x512xf32>
    %ne3A_227 = arith.constant 0 : i32
    %ne3A_228 = vector.broadcast %ne3A_227 : i32 to vector<256x1xi32>
    %ne3A_229 = arith.cmpi ne, %select_n3A_159, %ne3A_228 : vector<256x1xi32>
    %jit3A_230 = arith.constant 0.000000e+00 : f32
    %broadcast_in_dim3A_231 = vector.shape_cast %ne3A_229 : vector<256x1xi1> to vector<256x1xi1>
    %broadcast_in_dim3A_232 = vector.broadcast %broadcast_in_dim3A_231 : vector<256x1xi1> to vector<256x512xi1>
    %broadcast_in_dim3A_233 = vector.broadcast %jit3A_230 : f32 to vector<256x512xf32>
    %select_n3A_234 = arith.select %broadcast_in_dim3A_232, %get3A_226, %broadcast_in_dim3A_233 : vector<256x512xi1>, vector<256x512xf32>
    %get3A_235 = arith.constant 0 : index
    %get3A_236 = arith.constant 321 : index
    %get3A_237 = arith.constant 0 : index
    %get3A_238 = vector.load %arg1[%get3A_235, %get3A_236, %get3A_237] : memref<1x1090x512xf32, #tpu.memory_space<vmem>>, vector<1x256x512xf32>
    %get3A_239 = vector.shape_cast %get3A_238 : vector<1x256x512xf32> to vector<256x512xf32>
    %get3A_240 = arith.constant 0 : index
    %get3A_241 = arith.constant 322 : index
    %get3A_242 = arith.constant 0 : index
    %get3A_243 = vector.load %arg1[%get3A_240, %get3A_241, %get3A_242] : memref<1x1090x512xf32, #tpu.memory_space<vmem>>, vector<1x256x512xf32>
    %get3A_244 = vector.shape_cast %get3A_243 : vector<1x256x512xf32> to vector<256x512xf32>
    %ne3A_245 = arith.constant 31 : i32
    %ne3A_246 = vector.broadcast %ne3A_245 : i32 to vector<256x1xi32>
    %ne3A_247 = arith.cmpi ne, %select_n3A_159, %ne3A_246 : vector<256x1xi32>
    %jit3A_248 = arith.constant 0.000000e+00 : f32
    %broadcast_in_dim3A_249 = vector.shape_cast %ne3A_247 : vector<256x1xi1> to vector<256x1xi1>
    %broadcast_in_dim3A_250 = vector.broadcast %broadcast_in_dim3A_249 : vector<256x1xi1> to vector<256x512xi1>
    %broadcast_in_dim3A_251 = vector.broadcast %jit3A_248 : f32 to vector<256x512xf32>
    %select_n3A_252 = arith.select %broadcast_in_dim3A_250, %get3A_244, %broadcast_in_dim3A_251 : vector<256x512xi1>, vector<256x512xf32>
    %concatenate3A_253 = tpu.concatenate %select_n3A_172, %get3A_177, %select_n3A_190, %select_n3A_203, %get3A_208, %select_n3A_221, %select_n3A_234, %get3A_239, %select_n3A_252 in 1 : vector<256x512xf32>, vector<256x512xf32>, vector<256x512xf32>, vector<256x512xf32>, vector<256x512xf32>, vector<256x512xf32>, vector<256x512xf32>, vector<256x512xf32>, vector<256x512xf32> -> vector<256x4608xf32>
    %get3A_254 = arith.constant 0 : index
    %get3A_255 = arith.constant 0 : index
    %get3A_256 = vector.load %arg2[%get3A_254, %get3A_255] : memref<4608x512xf32, #tpu.memory_space<vmem>>, vector<4608x512xf32>
    %dot_general3A_257 = arith.constant dense<0.000000e+00> : vector<256x512xf32>
    %dot_general3A_258 = tpu.matmul %concatenate3A_253, %get3A_256, %dot_general3A_257 {dimension_numbers = #tpu.dot_dimension_numbers<[1], [0], [0], [1], [0, 0, 1, 1], [], []>, transpose_lhs_hint = false} : vector<256x4608xf32>, vector<4608x512xf32>, vector<256x512xf32> -> vector<256x512xf32>
    %get3A_259 = arith.constant 0 : index
    %get3A_260 = vector.load %arg3[%get3A_259] : memref<512xf32, #tpu.memory_space<vmem>>, vector<512xf32>
    %broadcast_in_dim3A_261 = vector.shape_cast %get3A_260 : vector<512xf32> to vector<1x512xf32>
    %add3A_262 = vector.broadcast %broadcast_in_dim3A_261 : vector<1x512xf32> to vector<256x512xf32>
    %add3A_263 = arith.addf %dot_general3A_258, %add3A_262 : vector<256x512xf32>
    %max3A_264 = arith.constant 0.000000e+00 : f32
    %max3A_265 = vector.broadcast %max3A_264 : f32 to vector<256x512xf32>
    %max3A_266 = arith.maximumf %add3A_263, %max3A_265 : vector<256x512xf32>
    %get3A_267 = arith.constant 0 : index
    %get3A_268 = arith.constant 0 : index
    %get3A_269 = vector.load %arg4[%get3A_267, %get3A_268] : memref<512x128xf32, #tpu.memory_space<vmem>>, vector<512x128xf32>
    %dot_general3A_270 = arith.constant dense<0.000000e+00> : vector<256x128xf32>
    %dot_general3A_271 = tpu.matmul %max3A_266, %get3A_269, %dot_general3A_270 {dimension_numbers = #tpu.dot_dimension_numbers<[1], [0], [0], [1], [0, 0, 1, 1], [], []>, transpose_lhs_hint = false} : vector<256x512xf32>, vector<512x128xf32>, vector<256x128xf32> -> vector<256x128xf32>
    %get3A_272 = arith.constant 0 : index
    %get3A_273 = vector.load %arg5[%get3A_272] : memref<128xf32, #tpu.memory_space<vmem>>, vector<128xf32>
    %broadcast_in_dim3A_274 = vector.shape_cast %get3A_273 : vector<128xf32> to vector<1x128xf32>
    %add3A_275 = vector.broadcast %broadcast_in_dim3A_274 : vector<1x128xf32> to vector<256x128xf32>
    %add3A_276 = arith.addf %dot_general3A_271, %add3A_275 : vector<256x128xf32>
    %swap3A_277 = arith.constant 0 : index
    %swap3A_278 = arith.constant 256 : index
    %swap3A_279 = arith.constant 0 : index
    %swap3A_280 = vector.load %arg6[%swap3A_277, %swap3A_278, %swap3A_279] : memref<1x1024x128xf32, #tpu.memory_space<vmem>>, vector<1x256x128xf32>
    %swap3A_281 = vector.shape_cast %swap3A_280 : vector<1x256x128xf32> to vector<256x128xf32>
    %swap3A_282 = vector.shape_cast %add3A_276 : vector<256x128xf32> to vector<1x256x128xf32>
    tpu.vector_store %arg6[%swap3A_277, %swap3A_278, %swap3A_279], %swap3A_282 {strides = array<i32>} : memref<1x1024x128xf32, #tpu.memory_space<vmem>>, vector<1x256x128xf32>,
    %iota3A_283 = tpu.iota {dimensions = array<i32: 0>} : vector<256x1xi32>
    %add3A_284 = arith.constant 512 : i32
    %add3A_285 = vector.broadcast %add3A_284 : i32 to vector<256x1xi32>
    %add3A_286 = arith.addi %add3A_285, %iota3A_283 : vector<256x1xi32>
    %jit3A_287 = arith.constant 32 : i32
    %eq3A_288 = arith.constant 0 : i32
    %eq3A_289 = arith.cmpi eq, %jit3A_287, %eq3A_288 : i32
    %jit3A_290 = arith.constant 1 : i32
    %select_n3A_291 = arith.select %eq3A_289, %jit3A_290, %jit3A_287 : i32
    %rem3A_292 = vector.broadcast %select_n3A_291 : i32 to vector<256x1xi32>
    %rem3A_293 = arith.remsi %add3A_286, %rem3A_292 : vector<256x1xi32>
    %ne3A_294 = arith.constant 0 : i32
    %ne3A_295 = vector.broadcast %ne3A_294 : i32 to vector<256x1xi32>
    %ne3A_296 = arith.cmpi ne, %rem3A_293, %ne3A_295 : vector<256x1xi32>
    %lt3A_297 = arith.constant 0 : i32
    %lt3A_298 = vector.broadcast %lt3A_297 : i32 to vector<256x1xi32>
    %lt3A_299 = arith.cmpi slt, %rem3A_293, %lt3A_298 : vector<256x1xi32>
    %lt3A_300 = arith.constant 0 : i32
    %lt3A_301 = arith.cmpi slt, %select_n3A_291, %lt3A_300 : i32
    %ne3A_302 = vector.broadcast %lt3A_301 : i1 to vector<256x1xi1>
    %ne3A_303 = vector.broadcast %ne3A_302 : vector<256x1xi1> to vector<256x1xi1>
    %ne3A_304 = arith.xori %lt3A_299, %ne3A_303 : vector<256x1xi1>
    %and3A_305 = arith.andi %ne3A_304, %ne3A_296 : vector<256x1xi1>
    %add3A_306 = vector.broadcast %select_n3A_291 : i32 to vector<256x1xi32>
    %add3A_307 = arith.addi %rem3A_293, %add3A_306 : vector<256x1xi32>
    %select_n3A_308 = arith.select %and3A_305, %add3A_307, %rem3A_293 : vector<256x1xi1>, vector<256x1xi32>
    %get3A_309 = arith.constant 0 : index
    %get3A_310 = arith.constant 512 : index
    %get3A_311 = arith.constant 0 : index
    %get3A_312 = vector.load %arg1[%get3A_309, %get3A_310, %get3A_311] : memref<1x1090x512xf32, #tpu.memory_space<vmem>>, vector<1x256x512xf32>
    %get3A_313 = vector.shape_cast %get3A_312 : vector<1x256x512xf32> to vector<256x512xf32>
    %ne3A_314 = arith.constant 0 : i32
    %ne3A_315 = vector.broadcast %ne3A_314 : i32 to vector<256x1xi32>
    %ne3A_316 = arith.cmpi ne, %select_n3A_308, %ne3A_315 : vector<256x1xi32>
    %jit3A_317 = arith.constant 0.000000e+00 : f32
    %broadcast_in_dim3A_318 = vector.shape_cast %ne3A_316 : vector<256x1xi1> to vector<256x1xi1>
    %broadcast_in_dim3A_319 = vector.broadcast %broadcast_in_dim3A_318 : vector<256x1xi1> to vector<256x512xi1>
    %broadcast_in_dim3A_320 = vector.broadcast %jit3A_317 : f32 to vector<256x512xf32>
    %select_n3A_321 = arith.select %broadcast_in_dim3A_319, %get3A_313, %broadcast_in_dim3A_320 : vector<256x512xi1>, vector<256x512xf32>
    %get3A_322 = arith.constant 0 : index
    %get3A_323 = arith.constant 513 : index
    %get3A_324 = arith.constant 0 : index
    %get3A_325 = vector.load %arg1[%get3A_322, %get3A_323, %get3A_324] : memref<1x1090x512xf32, #tpu.memory_space<vmem>>, vector<1x256x512xf32>
    %get3A_326 = vector.shape_cast %get3A_325 : vector<1x256x512xf32> to vector<256x512xf32>
    %get3A_327 = arith.constant 0 : index
    %get3A_328 = arith.constant 514 : index
    %get3A_329 = arith.constant 0 : index
    %get3A_330 = vector.load %arg1[%get3A_327, %get3A_328, %get3A_329] : memref<1x1090x512xf32, #tpu.memory_space<vmem>>, vector<1x256x512xf32>
    %get3A_331 = vector.shape_cast %get3A_330 : vector<1x256x512xf32> to vector<256x512xf32>
    %ne3A_332 = arith.constant 31 : i32
    %ne3A_333 = vector.broadcast %ne3A_332 : i32 to vector<256x1xi32>
    %ne3A_334 = arith.cmpi ne, %select_n3A_308, %ne3A_333 : vector<256x1xi32>
    %jit3A_335 = arith.constant 0.000000e+00 : f32
    %broadcast_in_dim3A_336 = vector.shape_cast %ne3A_334 : vector<256x1xi1> to vector<256x1xi1>
    %broadcast_in_dim3A_337 = vector.broadcast %broadcast_in_dim3A_336 : vector<256x1xi1> to vector<256x512xi1>
    %broadcast_in_dim3A_338 = vector.broadcast %jit3A_335 : f32 to vector<256x512xf32>
    %select_n3A_339 = arith.select %broadcast_in_dim3A_337, %get3A_331, %broadcast_in_dim3A_338 : vector<256x512xi1>, vector<256x512xf32>
    %get3A_340 = arith.constant 0 : index
    %get3A_341 = arith.constant 544 : index
    %get3A_342 = arith.constant 0 : index
    %get3A_343 = vector.load %arg1[%get3A_340, %get3A_341, %get3A_342] : memref<1x1090x512xf32, #tpu.memory_space<vmem>>, vector<1x256x512xf32>
    %get3A_344 = vector.shape_cast %get3A_343 : vector<1x256x512xf32> to vector<256x512xf32>
    %ne3A_345 = arith.constant 0 : i32
    %ne3A_346 = vector.broadcast %ne3A_345 : i32 to vector<256x1xi32>
    %ne3A_347 = arith.cmpi ne, %select_n3A_308, %ne3A_346 : vector<256x1xi32>
    %jit3A_348 = arith.constant 0.000000e+00 : f32
    %broadcast_in_dim3A_349 = vector.shape_cast %ne3A_347 : vector<256x1xi1> to vector<256x1xi1>
    %broadcast_in_dim3A_350 = vector.broadcast %broadcast_in_dim3A_349 : vector<256x1xi1> to vector<256x512xi1>
    %broadcast_in_dim3A_351 = vector.broadcast %jit3A_348 : f32 to vector<256x512xf32>
    %select_n3A_352 = arith.select %broadcast_in_dim3A_350, %get3A_344, %broadcast_in_dim3A_351 : vector<256x512xi1>, vector<256x512xf32>
    %get3A_353 = arith.constant 0 : index
    %get3A_354 = arith.constant 545 : index
    %get3A_355 = arith.constant 0 : index
    %get3A_356 = vector.load %arg1[%get3A_353, %get3A_354, %get3A_355] : memref<1x1090x512xf32, #tpu.memory_space<vmem>>, vector<1x256x512xf32>
    %get3A_357 = vector.shape_cast %get3A_356 : vector<1x256x512xf32> to vector<256x512xf32>
    %get3A_358 = arith.constant 0 : index
    %get3A_359 = arith.constant 546 : index
    %get3A_360 = arith.constant 0 : index
    %get3A_361 = vector.load %arg1[%get3A_358, %get3A_359, %get3A_360] : memref<1x1090x512xf32, #tpu.memory_space<vmem>>, vector<1x256x512xf32>
    %get3A_362 = vector.shape_cast %get3A_361 : vector<1x256x512xf32> to vector<256x512xf32>
    %ne3A_363 = arith.constant 31 : i32
    %ne3A_364 = vector.broadcast %ne3A_363 : i32 to vector<256x1xi32>
    %ne3A_365 = arith.cmpi ne, %select_n3A_308, %ne3A_364 : vector<256x1xi32>
    %jit3A_366 = arith.constant 0.000000e+00 : f32
    %broadcast_in_dim3A_367 = vector.shape_cast %ne3A_365 : vector<256x1xi1> to vector<256x1xi1>
    %broadcast_in_dim3A_368 = vector.broadcast %broadcast_in_dim3A_367 : vector<256x1xi1> to vector<256x512xi1>
    %broadcast_in_dim3A_369 = vector.broadcast %jit3A_366 : f32 to vector<256x512xf32>
    %select_n3A_370 = arith.select %broadcast_in_dim3A_368, %get3A_362, %broadcast_in_dim3A_369 : vector<256x512xi1>, vector<256x512xf32>
    %get3A_371 = arith.constant 0 : index
    %get3A_372 = arith.constant 576 : index
    %get3A_373 = arith.constant 0 : index
    %get3A_374 = vector.load %arg1[%get3A_371, %get3A_372, %get3A_373] : memref<1x1090x512xf32, #tpu.memory_space<vmem>>, vector<1x256x512xf32>
    %get3A_375 = vector.shape_cast %get3A_374 : vector<1x256x512xf32> to vector<256x512xf32>
    %ne3A_376 = arith.constant 0 : i32
    %ne3A_377 = vector.broadcast %ne3A_376 : i32 to vector<256x1xi32>
    %ne3A_378 = arith.cmpi ne, %select_n3A_308, %ne3A_377 : vector<256x1xi32>
    %jit3A_379 = arith.constant 0.000000e+00 : f32
    %broadcast_in_dim3A_380 = vector.shape_cast %ne3A_378 : vector<256x1xi1> to vector<256x1xi1>
    %broadcast_in_dim3A_381 = vector.broadcast %broadcast_in_dim3A_380 : vector<256x1xi1> to vector<256x512xi1>
    %broadcast_in_dim3A_382 = vector.broadcast %jit3A_379 : f32 to vector<256x512xf32>
    %select_n3A_383 = arith.select %broadcast_in_dim3A_381, %get3A_375, %broadcast_in_dim3A_382 : vector<256x512xi1>, vector<256x512xf32>
    %get3A_384 = arith.constant 0 : index
    %get3A_385 = arith.constant 577 : index
    %get3A_386 = arith.constant 0 : index
    %get3A_387 = vector.load %arg1[%get3A_384, %get3A_385, %get3A_386] : memref<1x1090x512xf32, #tpu.memory_space<vmem>>, vector<1x256x512xf32>
    %get3A_388 = vector.shape_cast %get3A_387 : vector<1x256x512xf32> to vector<256x512xf32>
    %get3A_389 = arith.constant 0 : index
    %get3A_390 = arith.constant 578 : index
    %get3A_391 = arith.constant 0 : index
    %get3A_392 = vector.load %arg1[%get3A_389, %get3A_390, %get3A_391] : memref<1x1090x512xf32, #tpu.memory_space<vmem>>, vector<1x256x512xf32>
    %get3A_393 = vector.shape_cast %get3A_392 : vector<1x256x512xf32> to vector<256x512xf32>
    %ne3A_394 = arith.constant 31 : i32
    %ne3A_395 = vector.broadcast %ne3A_394 : i32 to vector<256x1xi32>
    %ne3A_396 = arith.cmpi ne, %select_n3A_308, %ne3A_395 : vector<256x1xi32>
    %jit3A_397 = arith.constant 0.000000e+00 : f32
    %broadcast_in_dim3A_398 = vector.shape_cast %ne3A_396 : vector<256x1xi1> to vector<256x1xi1>
    %broadcast_in_dim3A_399 = vector.broadcast %broadcast_in_dim3A_398 : vector<256x1xi1> to vector<256x512xi1>
    %broadcast_in_dim3A_400 = vector.broadcast %jit3A_397 : f32 to vector<256x512xf32>
    %select_n3A_401 = arith.select %broadcast_in_dim3A_399, %get3A_393, %broadcast_in_dim3A_400 : vector<256x512xi1>, vector<256x512xf32>
    %concatenate3A_402 = tpu.concatenate %select_n3A_321, %get3A_326, %select_n3A_339, %select_n3A_352, %get3A_357, %select_n3A_370, %select_n3A_383, %get3A_388, %select_n3A_401 in 1 : vector<256x512xf32>, vector<256x512xf32>, vector<256x512xf32>, vector<256x512xf32>, vector<256x512xf32>, vector<256x512xf32>, vector<256x512xf32>, vector<256x512xf32>, vector<256x512xf32> -> vector<256x4608xf32>
    %get3A_403 = arith.constant 0 : index
    %get3A_404 = arith.constant 0 : index
    %get3A_405 = vector.load %arg2[%get3A_403, %get3A_404] : memref<4608x512xf32, #tpu.memory_space<vmem>>, vector<4608x512xf32>
    %dot_general3A_406 = arith.constant dense<0.000000e+00> : vector<256x512xf32>
    %dot_general3A_407 = tpu.matmul %concatenate3A_402, %get3A_405, %dot_general3A_406 {dimension_numbers = #tpu.dot_dimension_numbers<[1], [0], [0], [1], [0, 0, 1, 1], [], []>, transpose_lhs_hint = false} : vector<256x4608xf32>, vector<4608x512xf32>, vector<256x512xf32> -> vector<256x512xf32>
    %get3A_408 = arith.constant 0 : index
    %get3A_409 = vector.load %arg3[%get3A_408] : memref<512xf32, #tpu.memory_space<vmem>>, vector<512xf32>
    %broadcast_in_dim3A_410 = vector.shape_cast %get3A_409 : vector<512xf32> to vector<1x512xf32>
    %add3A_411 = vector.broadcast %broadcast_in_dim3A_410 : vector<1x512xf32> to vector<256x512xf32>
    %add3A_412 = arith.addf %dot_general3A_407, %add3A_411 : vector<256x512xf32>
    %max3A_413 = arith.constant 0.000000e+00 : f32
    %max3A_414 = vector.broadcast %max3A_413 : f32 to vector<256x512xf32>
    %max3A_415 = arith.maximumf %add3A_412, %max3A_414 : vector<256x512xf32>
    %get3A_416 = arith.constant 0 : index
    %get3A_417 = arith.constant 0 : index
    %get3A_418 = vector.load %arg4[%get3A_416, %get3A_417] : memref<512x128xf32, #tpu.memory_space<vmem>>, vector<512x128xf32>
    %dot_general3A_419 = arith.constant dense<0.000000e+00> : vector<256x128xf32>
    %dot_general3A_420 = tpu.matmul %max3A_415, %get3A_418, %dot_general3A_419 {dimension_numbers = #tpu.dot_dimension_numbers<[1], [0], [0], [1], [0, 0, 1, 1], [], []>, transpose_lhs_hint = false} : vector<256x512xf32>, vector<512x128xf32>, vector<256x128xf32> -> vector<256x128xf32>
    %get3A_421 = arith.constant 0 : index
    %get3A_422 = vector.load %arg5[%get3A_421] : memref<128xf32, #tpu.memory_space<vmem>>, vector<128xf32>
    %broadcast_in_dim3A_423 = vector.shape_cast %get3A_422 : vector<128xf32> to vector<1x128xf32>
    %add3A_424 = vector.broadcast %broadcast_in_dim3A_423 : vector<1x128xf32> to vector<256x128xf32>
    %add3A_425 = arith.addf %dot_general3A_420, %add3A_424 : vector<256x128xf32>
    %swap3A_426 = arith.constant 0 : index
    %swap3A_427 = arith.constant 512 : index
    %swap3A_428 = arith.constant 0 : index
    %swap3A_429 = vector.load %arg6[%swap3A_426, %swap3A_427, %swap3A_428] : memref<1x1024x128xf32, #tpu.memory_space<vmem>>, vector<1x256x128xf32>
    %swap3A_430 = vector.shape_cast %swap3A_429 : vector<1x256x128xf32> to vector<256x128xf32>
    %swap3A_431 = vector.shape_cast %add3A_425 : vector<256x128xf32> to vector<1x256x128xf32>
    tpu.vector_store %arg6[%swap3A_426, %swap3A_427, %swap3A_428], %swap3A_431 {strides = array<i32>} : memref<1x1024x128xf32, #tpu.memory_space<vmem>>, vector<1x256x128xf32>,
    %iota3A_432 = tpu.iota {dimensions = array<i32: 0>} : vector<256x1xi32>
    %add3A_433 = arith.constant 768 : i32
    %add3A_434 = vector.broadcast %add3A_433 : i32 to vector<256x1xi32>
    %add3A_435 = arith.addi %add3A_434, %iota3A_432 : vector<256x1xi32>
    %jit3A_436 = arith.constant 32 : i32
    %eq3A_437 = arith.constant 0 : i32
    %eq3A_438 = arith.cmpi eq, %jit3A_436, %eq3A_437 : i32
    %jit3A_439 = arith.constant 1 : i32
    %select_n3A_440 = arith.select %eq3A_438, %jit3A_439, %jit3A_436 : i32
    %rem3A_441 = vector.broadcast %select_n3A_440 : i32 to vector<256x1xi32>
    %rem3A_442 = arith.remsi %add3A_435, %rem3A_441 : vector<256x1xi32>
    %ne3A_443 = arith.constant 0 : i32
    %ne3A_444 = vector.broadcast %ne3A_443 : i32 to vector<256x1xi32>
    %ne3A_445 = arith.cmpi ne, %rem3A_442, %ne3A_444 : vector<256x1xi32>
    %lt3A_446 = arith.constant 0 : i32
    %lt3A_447 = vector.broadcast %lt3A_446 : i32 to vector<256x1xi32>
    %lt3A_448 = arith.cmpi slt, %rem3A_442, %lt3A_447 : vector<256x1xi32>
    %lt3A_449 = arith.constant 0 : i32
    %lt3A_450 = arith.cmpi slt, %select_n3A_440, %lt3A_449 : i32
    %ne3A_451 = vector.broadcast %lt3A_450 : i1 to vector<256x1xi1>
    %ne3A_452 = vector.broadcast %ne3A_451 : vector<256x1xi1> to vector<256x1xi1>
    %ne3A_453 = arith.xori %lt3A_448, %ne3A_452 : vector<256x1xi1>
    %and3A_454 = arith.andi %ne3A_453, %ne3A_445 : vector<256x1xi1>
    %add3A_455 = vector.broadcast %select_n3A_440 : i32 to vector<256x1xi32>
    %add3A_456 = arith.addi %rem3A_442, %add3A_455 : vector<256x1xi32>
    %select_n3A_457 = arith.select %and3A_454, %add3A_456, %rem3A_442 : vector<256x1xi1>, vector<256x1xi32>
    %get3A_458 = arith.constant 0 : index
    %get3A_459 = arith.constant 768 : index
    %get3A_460 = arith.constant 0 : index
    %get3A_461 = vector.load %arg1[%get3A_458, %get3A_459, %get3A_460] : memref<1x1090x512xf32, #tpu.memory_space<vmem>>, vector<1x256x512xf32>
    %get3A_462 = vector.shape_cast %get3A_461 : vector<1x256x512xf32> to vector<256x512xf32>
    %ne3A_463 = arith.constant 0 : i32
    %ne3A_464 = vector.broadcast %ne3A_463 : i32 to vector<256x1xi32>
    %ne3A_465 = arith.cmpi ne, %select_n3A_457, %ne3A_464 : vector<256x1xi32>
    %jit3A_466 = arith.constant 0.000000e+00 : f32
    %broadcast_in_dim3A_467 = vector.shape_cast %ne3A_465 : vector<256x1xi1> to vector<256x1xi1>
    %broadcast_in_dim3A_468 = vector.broadcast %broadcast_in_dim3A_467 : vector<256x1xi1> to vector<256x512xi1>
    %broadcast_in_dim3A_469 = vector.broadcast %jit3A_466 : f32 to vector<256x512xf32>
    %select_n3A_470 = arith.select %broadcast_in_dim3A_468, %get3A_462, %broadcast_in_dim3A_469 : vector<256x512xi1>, vector<256x512xf32>
    %get3A_471 = arith.constant 0 : index
    %get3A_472 = arith.constant 769 : index
    %get3A_473 = arith.constant 0 : index
    %get3A_474 = vector.load %arg1[%get3A_471, %get3A_472, %get3A_473] : memref<1x1090x512xf32, #tpu.memory_space<vmem>>, vector<1x256x512xf32>
    %get3A_475 = vector.shape_cast %get3A_474 : vector<1x256x512xf32> to vector<256x512xf32>
    %get3A_476 = arith.constant 0 : index
    %get3A_477 = arith.constant 770 : index
    %get3A_478 = arith.constant 0 : index
    %get3A_479 = vector.load %arg1[%get3A_476, %get3A_477, %get3A_478] : memref<1x1090x512xf32, #tpu.memory_space<vmem>>, vector<1x256x512xf32>
    %get3A_480 = vector.shape_cast %get3A_479 : vector<1x256x512xf32> to vector<256x512xf32>
    %ne3A_481 = arith.constant 31 : i32
    %ne3A_482 = vector.broadcast %ne3A_481 : i32 to vector<256x1xi32>
    %ne3A_483 = arith.cmpi ne, %select_n3A_457, %ne3A_482 : vector<256x1xi32>
    %jit3A_484 = arith.constant 0.000000e+00 : f32
    %broadcast_in_dim3A_485 = vector.shape_cast %ne3A_483 : vector<256x1xi1> to vector<256x1xi1>
    %broadcast_in_dim3A_486 = vector.broadcast %broadcast_in_dim3A_485 : vector<256x1xi1> to vector<256x512xi1>
    %broadcast_in_dim3A_487 = vector.broadcast %jit3A_484 : f32 to vector<256x512xf32>
    %select_n3A_488 = arith.select %broadcast_in_dim3A_486, %get3A_480, %broadcast_in_dim3A_487 : vector<256x512xi1>, vector<256x512xf32>
    %get3A_489 = arith.constant 0 : index
    %get3A_490 = arith.constant 800 : index
    %get3A_491 = arith.constant 0 : index
    %get3A_492 = vector.load %arg1[%get3A_489, %get3A_490, %get3A_491] : memref<1x1090x512xf32, #tpu.memory_space<vmem>>, vector<1x256x512xf32>
    %get3A_493 = vector.shape_cast %get3A_492 : vector<1x256x512xf32> to vector<256x512xf32>
    %ne3A_494 = arith.constant 0 : i32
    %ne3A_495 = vector.broadcast %ne3A_494 : i32 to vector<256x1xi32>
    %ne3A_496 = arith.cmpi ne, %select_n3A_457, %ne3A_495 : vector<256x1xi32>
    %jit3A_497 = arith.constant 0.000000e+00 : f32
    %broadcast_in_dim3A_498 = vector.shape_cast %ne3A_496 : vector<256x1xi1> to vector<256x1xi1>
    %broadcast_in_dim3A_499 = vector.broadcast %broadcast_in_dim3A_498 : vector<256x1xi1> to vector<256x512xi1>
    %broadcast_in_dim3A_500 = vector.broadcast %jit3A_497 : f32 to vector<256x512xf32>
    %select_n3A_501 = arith.select %broadcast_in_dim3A_499, %get3A_493, %broadcast_in_dim3A_500 : vector<256x512xi1>, vector<256x512xf32>
    %get3A_502 = arith.constant 0 : index
    %get3A_503 = arith.constant 801 : index
    %get3A_504 = arith.constant 0 : index
    %get3A_505 = vector.load %arg1[%get3A_502, %get3A_503, %get3A_504] : memref<1x1090x512xf32, #tpu.memory_space<vmem>>, vector<1x256x512xf32>
    %get3A_506 = vector.shape_cast %get3A_505 : vector<1x256x512xf32> to vector<256x512xf32>
    %get3A_507 = arith.constant 0 : index
    %get3A_508 = arith.constant 802 : index
    %get3A_509 = arith.constant 0 : index
    %get3A_510 = vector.load %arg1[%get3A_507, %get3A_508, %get3A_509] : memref<1x1090x512xf32, #tpu.memory_space<vmem>>, vector<1x256x512xf32>
    %get3A_511 = vector.shape_cast %get3A_510 : vector<1x256x512xf32> to vector<256x512xf32>
    %ne3A_512 = arith.constant 31 : i32
    %ne3A_513 = vector.broadcast %ne3A_512 : i32 to vector<256x1xi32>
    %ne3A_514 = arith.cmpi ne, %select_n3A_457, %ne3A_513 : vector<256x1xi32>
    %jit3A_515 = arith.constant 0.000000e+00 : f32
    %broadcast_in_dim3A_516 = vector.shape_cast %ne3A_514 : vector<256x1xi1> to vector<256x1xi1>
    %broadcast_in_dim3A_517 = vector.broadcast %broadcast_in_dim3A_516 : vector<256x1xi1> to vector<256x512xi1>
    %broadcast_in_dim3A_518 = vector.broadcast %jit3A_515 : f32 to vector<256x512xf32>
    %select_n3A_519 = arith.select %broadcast_in_dim3A_517, %get3A_511, %broadcast_in_dim3A_518 : vector<256x512xi1>, vector<256x512xf32>
    %get3A_520 = arith.constant 0 : index
    %get3A_521 = arith.constant 832 : index
    %get3A_522 = arith.constant 0 : index
    %get3A_523 = vector.load %arg1[%get3A_520, %get3A_521, %get3A_522] : memref<1x1090x512xf32, #tpu.memory_space<vmem>>, vector<1x256x512xf32>
    %get3A_524 = vector.shape_cast %get3A_523 : vector<1x256x512xf32> to vector<256x512xf32>
    %ne3A_525 = arith.constant 0 : i32
    %ne3A_526 = vector.broadcast %ne3A_525 : i32 to vector<256x1xi32>
    %ne3A_527 = arith.cmpi ne, %select_n3A_457, %ne3A_526 : vector<256x1xi32>
    %jit3A_528 = arith.constant 0.000000e+00 : f32
    %broadcast_in_dim3A_529 = vector.shape_cast %ne3A_527 : vector<256x1xi1> to vector<256x1xi1>
    %broadcast_in_dim3A_530 = vector.broadcast %broadcast_in_dim3A_529 : vector<256x1xi1> to vector<256x512xi1>
    %broadcast_in_dim3A_531 = vector.broadcast %jit3A_528 : f32 to vector<256x512xf32>
    %select_n3A_532 = arith.select %broadcast_in_dim3A_530, %get3A_524, %broadcast_in_dim3A_531 : vector<256x512xi1>, vector<256x512xf32>
    %get3A_533 = arith.constant 0 : index
    %get3A_534 = arith.constant 833 : index
    %get3A_535 = arith.constant 0 : index
    %get3A_536 = vector.load %arg1[%get3A_533, %get3A_534, %get3A_535] : memref<1x1090x512xf32, #tpu.memory_space<vmem>>, vector<1x256x512xf32>
    %get3A_537 = vector.shape_cast %get3A_536 : vector<1x256x512xf32> to vector<256x512xf32>
    %get3A_538 = arith.constant 0 : index
    %get3A_539 = arith.constant 834 : index
    %get3A_540 = arith.constant 0 : index
    %get3A_541 = vector.load %arg1[%get3A_538, %get3A_539, %get3A_540] : memref<1x1090x512xf32, #tpu.memory_space<vmem>>, vector<1x256x512xf32>
    %get3A_542 = vector.shape_cast %get3A_541 : vector<1x256x512xf32> to vector<256x512xf32>
    %ne3A_543 = arith.constant 31 : i32
    %ne3A_544 = vector.broadcast %ne3A_543 : i32 to vector<256x1xi32>
    %ne3A_545 = arith.cmpi ne, %select_n3A_457, %ne3A_544 : vector<256x1xi32>
    %jit3A_546 = arith.constant 0.000000e+00 : f32
    %broadcast_in_dim3A_547 = vector.shape_cast %ne3A_545 : vector<256x1xi1> to vector<256x1xi1>
    %broadcast_in_dim3A_548 = vector.broadcast %broadcast_in_dim3A_547 : vector<256x1xi1> to vector<256x512xi1>
    %broadcast_in_dim3A_549 = vector.broadcast %jit3A_546 : f32 to vector<256x512xf32>
    %select_n3A_550 = arith.select %broadcast_in_dim3A_548, %get3A_542, %broadcast_in_dim3A_549 : vector<256x512xi1>, vector<256x512xf32>
    %concatenate3A_551 = tpu.concatenate %select_n3A_470, %get3A_475, %select_n3A_488, %select_n3A_501, %get3A_506, %select_n3A_519, %select_n3A_532, %get3A_537, %select_n3A_550 in 1 : vector<256x512xf32>, vector<256x512xf32>, vector<256x512xf32>, vector<256x512xf32>, vector<256x512xf32>, vector<256x512xf32>, vector<256x512xf32>, vector<256x512xf32>, vector<256x512xf32> -> vector<256x4608xf32>
    %get3A_552 = arith.constant 0 : index
    %get3A_553 = arith.constant 0 : index
    %get3A_554 = vector.load %arg2[%get3A_552, %get3A_553] : memref<4608x512xf32, #tpu.memory_space<vmem>>, vector<4608x512xf32>
    %dot_general3A_555 = arith.constant dense<0.000000e+00> : vector<256x512xf32>
    %dot_general3A_556 = tpu.matmul %concatenate3A_551, %get3A_554, %dot_general3A_555 {dimension_numbers = #tpu.dot_dimension_numbers<[1], [0], [0], [1], [0, 0, 1, 1], [], []>, transpose_lhs_hint = false} : vector<256x4608xf32>, vector<4608x512xf32>, vector<256x512xf32> -> vector<256x512xf32>
    %get3A_557 = arith.constant 0 : index
    %get3A_558 = vector.load %arg3[%get3A_557] : memref<512xf32, #tpu.memory_space<vmem>>, vector<512xf32>
    %broadcast_in_dim3A_559 = vector.shape_cast %get3A_558 : vector<512xf32> to vector<1x512xf32>
    %add3A_560 = vector.broadcast %broadcast_in_dim3A_559 : vector<1x512xf32> to vector<256x512xf32>
    %add3A_561 = arith.addf %dot_general3A_556, %add3A_560 : vector<256x512xf32>
    %max3A_562 = arith.constant 0.000000e+00 : f32
    %max3A_563 = vector.broadcast %max3A_562 : f32 to vector<256x512xf32>
    %max3A_564 = arith.maximumf %add3A_561, %max3A_563 : vector<256x512xf32>
    %get3A_565 = arith.constant 0 : index
    %get3A_566 = arith.constant 0 : index
    %get3A_567 = vector.load %arg4[%get3A_565, %get3A_566] : memref<512x128xf32, #tpu.memory_space<vmem>>, vector<512x128xf32>
    %dot_general3A_568 = arith.constant dense<0.000000e+00> : vector<256x128xf32>
    %dot_general3A_569 = tpu.matmul %max3A_564, %get3A_567, %dot_general3A_568 {dimension_numbers = #tpu.dot_dimension_numbers<[1], [0], [0], [1], [0, 0, 1, 1], [], []>, transpose_lhs_hint = false} : vector<256x512xf32>, vector<512x128xf32>, vector<256x128xf32> -> vector<256x128xf32>
    %get3A_570 = arith.constant 0 : index
    %get3A_571 = vector.load %arg5[%get3A_570] : memref<128xf32, #tpu.memory_space<vmem>>, vector<128xf32>
    %broadcast_in_dim3A_572 = vector.shape_cast %get3A_571 : vector<128xf32> to vector<1x128xf32>
    %add3A_573 = vector.broadcast %broadcast_in_dim3A_572 : vector<1x128xf32> to vector<256x128xf32>
    %add3A_574 = arith.addf %dot_general3A_569, %add3A_573 : vector<256x128xf32>
    %swap3A_575 = arith.constant 0 : index
    %swap3A_576 = arith.constant 768 : index
    %swap3A_577 = arith.constant 0 : index
    %swap3A_578 = vector.load %arg6[%swap3A_575, %swap3A_576, %swap3A_577] : memref<1x1024x128xf32, #tpu.memory_space<vmem>>, vector<1x256x128xf32>
    %swap3A_579 = vector.shape_cast %swap3A_578 : vector<1x256x128xf32> to vector<256x128xf32>
    %swap3A_580 = vector.shape_cast %add3A_574 : vector<256x128xf32> to vector<1x256x128xf32>
    tpu.vector_store %arg6[%swap3A_575, %swap3A_576, %swap3A_577], %swap3A_580 {strides = array<i32>} : memref<1x1024x128xf32, #tpu.memory_space<vmem>>, vector<1x256x128xf32>,
    return
  }
  func.func @transform_0(%arg0: i32) -> (i32, i32, i32) {
    %c0_i32 = arith.constant 0 : i32
    %c0_i32_0 = arith.constant 0 : i32
    %c0_i32_1 = arith.constant 0 : i32
    return %arg0, %c0_i32, %c0_i32_0 : i32, i32, i32
  }
  func.func @transform_1(%arg0: i32) -> (i32, i32) {
    %c0_i32 = arith.constant 0 : i32
    %c0_i32_0 = arith.constant 0 : i32
    %c0_i32_1 = arith.constant 0 : i32
    return %c0_i32, %c0_i32_0 : i32, i32
  }
  func.func @transform_2(%arg0: i32) -> i32 {
    %c0_i32 = arith.constant 0 : i32
    %c0_i32_0 = arith.constant 0 : i32
    return %c0_i32 : i32
  }
  func.func @transform_3(%arg0: i32) -> (i32, i32) {
    %c0_i32 = arith.constant 0 : i32
    %c0_i32_0 = arith.constant 0 : i32
    %c0_i32_1 = arith.constant 0 : i32
    return %c0_i32, %c0_i32_0 : i32, i32
  }
  func.func @transform_4(%arg0: i32) -> i32 {
    %c0_i32 = arith.constant 0 : i32
    %c0_i32_0 = arith.constant 0 : i32
    return %c0_i32 : i32
  }
  func.func @transform_5(%arg0: i32) -> (i32, i32, i32) {
    %c0_i32 = arith.constant 0 : i32
    %c0_i32_0 = arith.constant 0 : i32
    %c0_i32_1 = arith.constant 0 : i32
    return %arg0, %c0_i32, %c0_i32_0 : i32, i32, i32
  }
}

</mosaic_0001>

<sc_bundles>
// kernel: kernel.4.cloned.1.call-start
scs
__scs_entry_jumppad:
0x0: {  	(pc) =	sbr.rel $0x88, $3  }
0x1: {  	(tag) =	ssettag $0x0;
	lr =	simm.s32 $0x1  }
0x2: {  	[smem:$0x3F98] =	sst lr;
	_ =	strace $0xD0000000  }
0x3: {  	_ = 	snop  }
0x4: {  	_ = 	snop  }
0x5: {  	_ = 	snop  }
0x6: {  	_ = 	snop  }
0x7: {  	_ = 	snop  }
__scs_overlays_trampoline_lowered:
0x8: {  	[smem:$0x3FA7] =	sst s0  }
0x9: {  	[smem:$0x3FA8] =	sst s1  }
0xa: {  	[smem:$0x3FA9] =	sst s2  }
0xb: {  	[smem:$0x3FAA] =	sst s3  }
0xc: {  	[smem:$0x3FAB] =	sst s4  }
0xd: {  	[smem:$0x3FAC] =	sst s5  }
0xe: {  	[smem:$0x3FAD] =	sst s6  }
0xf: {  	[smem:$0x3FAE] =	sst s7  }
0x10: {  	[smem:$0x3FAF] =	sst s8  }
0x11: {  	[smem:$0x3FB0] =	sst s9;
	s0 =	simm.s32 @!p0 $0x0  }
0x12: {  	s1 =	sld [smem:$0x3F96];
	s0 =	simm.s32 @p0 $0x1  }
0x13: {  	[smem:$0x3FB1] =	sst s0;
	s0 =	simm.s32 @!p1 $0x0  }
0x14: {  	s2 =	sld [smem:$0x3F95];
	s0 =	simm.s32 @p1 $0x1  }
0x15: {  	[smem:$0x3FB2] =	sst s0;
	s0 =	simm.s32 @!p2 $0x0  }
0x16: {  	s3 =	sld [smem:$0x3FDB];
	s0 =	simm.s32 @p2 $0x1  }
0x17: {  	s4 =	simm.s32 $0x1BF5;
	[smem:$0x3FB4] =	sst s0  }
0x18: {  	s0 =	sld [smem:$0x3F97];
	_ =	swait.ge [sflag:s4], $0x0  }
0x19: {  	s7 =	sld [smem:$0x3F98]  }
0x1a: {  	s8 =	sadd.s32 $0xFFFFE003, lr  }
0x1b: {  	s9 =	sadd.s32 $0xFFFFFEF7, lr;
	s5 =	simm.s32 $0xFFFFFFFF;
	p2 =	slt.u32 s8, $0xFFFFF086  }
0x1c: {  	p1 =	slt.u32 s9, $0xF7A;
	s5 =	simm.s32 @!p2 $0x0  }
0x1d: {  	s5 =	simm.s32 @p1 $0x1;
	p0 =	seq.s32 s7, s2  }
0x1e: {  	s7 =	smul.u32 @!p0 $0xF7A, s2;
	p2 =	seq.s32 @!p0 s5, $0x0  }
0x1f: {  	s9 =	smul.u32 $0xF7A, s1;
	s8 =	simm.s32 @!p0 $0x1BF5;
	p2 =	por !p2, p0  }
0x20: {  	[sflag:s8] =	ssyncset.s32 @!p0 $0xFFFFF086;
	s6 =	sadd.s32 @!p0 s3, s7;
	s7 =	simm.s32 @!p0 $0x108  }
0x21: {  	s3 =	sadd.s32 s3, s9;
	s6 =	sadd.s32 @!p0 $0x88, s6;
	s7 =	simm.s32 @p2 $0x1082  }
0x22: {  	[simem:s7], [sflag:s8] =	dma.local @!p0 [hbm:s6], $0xF7A  }
0x23: {  	s9 =	sor.u32 $0xD0000000, s2;
	s6 =	simm.s32 $0x108;
	_ =	swait.ge @!p0 [sflag:s8], $0x0  }
0x24: {  	s3 =	sadd.s32 $0x88, s3;
	s6 =	simm.s32 @!p1 $0x1082;
	[sflag:s4] =	ssyncset.s32 $0xFFFFF086  }
0x25: {  	[simem:s6], [sflag:s4] =	dma.local [hbm:s3], $0xF7A  }
0x26: {  	[smem:$0x3F98] =	sst s1;
	(tag) =	ssettag s2;
	_ =	strace s9  }
0x27: {  	s1 =	sld [smem:$0x3FA8]  }
0x28: {  	s2 =	sld [smem:$0x3FA9]  }
0x29: {  	s4 =	sld [smem:$0x3FAB]  }
0x2a: {  	p0 =	seq.s32 s5, $0x0;
	s5 =	sld [smem:$0x3FAC]  }
0x2b: {  	s6 =	sld [smem:$0x3FAD]  }
0x2c: {  	s7 =	sld [smem:$0x3FAE]  }
0x2d: {  	s3 =	simm.s32 $0x108;
	s8 =	sld [smem:$0x3FAF]  }
0x2e: {  	s3 =	simm.s32 @!p0 $0x1082;
	s9 =	sld [smem:$0x3FB0]  }
0x2f: {  	lr =	sadd.s32 s0, s3;
	s0 =	sld [smem:$0x3FA7]  }
0x30: {  	s3 =	sld [smem:$0x3FAA]  }
0x31: {  	[smem:$0x3FB3] =	sst s10  }
0x32: {  	s10 =	sld [smem:$0x3FB1];
	_ =	sdelay $0x3  }
0x33: {  	p0 =	seq.s32 s10, $0x1;
	s10 =	sld [smem:$0x3FB3];
	_ =	sdelay $0x3  }
0x34: {  	[smem:$0x3FB3] =	sst s10  }
0x35: {  	s10 =	sld [smem:$0x3FB2];
	_ =	sdelay $0x3  }
0x36: {  	p1 =	seq.s32 s10, $0x1;
	s10 =	sld [smem:$0x3FB3];
	_ =	sdelay $0x3  }
0x37: {  	[smem:$0x3FB3] =	sst s10  }
0x38: {  	s10 =	sld [smem:$0x3FB4]  }
0x39: {  	_ = 	snop;
	(pc) =	sbr.ind lr, $3  }
0x3a: {  	_ = 	snop  }
0x3b: {  	_ = 	snop  }
0x3c: {  	p2 =	seq.s32 s10, $0x1;
	s10 =	sld [smem:$0x3FB3]  }
0x3d: {  	_ =	shalt  }
0x3e: {  	_ =	shalt  }
0x3f: {  	_ =	shalt  }
0x40: {  	_ =	shalt  }
0x41: {  	_ =	shalt  }
0x42: {  	_ =	shalt  }
0x43: {  	_ =	shalt  }
0x44: {  	_ =	shalt  }
0x45: {  	_ =	shalt  }
0x46: {  	_ =	shalt  }
0x47: {  	_ =	shalt  }
0x48: {  	_ =	shalt  }
0x49: {  	_ =	shalt  }
0x4a: {  	_ =	shalt  }
0x4b: {  	_ =	shalt  }
0x4c: {  	_ =	shalt  }
0x4d: {  	_ =	shalt  }
0x4e: {  	_ =	shalt  }
0x4f: {  	_ =	shalt  }
0x50: {  	_ =	shalt  }
0x51: {  	_ =	shalt  }
0x52: {  	_ =	shalt  }
0x53: {  	_ =	shalt  }
0x54: {  	_ =	shalt  }
0x55: {  	_ =	shalt  }
0x56: {  	_ =	shalt  }
0x57: {  	_ =	shalt  }
0x58: {  	_ =	shalt  }
0x59: {  	_ =	shalt  }
0x5a: {  	_ =	shalt  }
0x5b: {  	_ =	shalt  }
0x5c: {  	_ =	shalt  }
0x5d: {  	_ =	shalt  }
0x5e: {  	_ =	shalt  }
0x5f: {  	_ =	shalt  }
0x60: {  	_ =	shalt  }
0x61: {  	_ =	shalt  }
0x62: {  	_ =	shalt  }
0x63: {  	_ =	shalt  }
0x64: {  	_ =	shalt  }
0x65: {  	_ =	shalt  }
0x66: {  	_ =	shalt  }
0x67: {  	_ =	shalt  }
0x68: {  	_ =	shalt  }
0x69: {  	_ =	shalt  }
0x6a: {  	_ =	shalt  }
0x6b: {  	_ =	shalt  }
0x6c: {  	_ =	shalt  }
0x6d: {  	_ =	shalt  }
0x6e: {  	_ =	shalt  }
0x6f: {  	_ =	shalt  }
0x70: {  	_ =	shalt  }
0x71: {  	_ =	shalt  }
0x72: {  	_ =	shalt  }
0x73: {  	_ =	shalt  }
0x74: {  	_ =	shalt  }
0x75: {  	_ =	shalt  }
0x76: {  	_ =	shalt  }
0x77: {  	_ =	shalt  }
0x78: {  	_ =	shalt  }
0x79: {  	_ =	shalt  }
0x7a: {  	_ =	shalt  }
0x7b: {  	_ =	shalt  }
0x7c: {  	_ =	shalt  }
0x7d: {  	_ =	shalt  }
0x7e: {  	_ =	shalt  }
0x7f: {  	_ =	shalt  }
0x80: {  	_ =	shalt  }
0x81: {  	_ =	shalt  }
0x82: {  	_ =	shalt  }
0x83: {  	_ =	shalt  }
0x84: {  	_ =	shalt  }
0x85: {  	_ =	shalt  }
0x86: {  	_ =	shalt  }
0x87: {  	_ =	shalt  }
.Lfunc_end0:
.L_simem_size_0:
called_computation_lowered:
.L_overlay_start_0:
0x88: {  	s2 =	sld [smem:$0x3FD9]  }
0x89: {  	s3 =	sld [smem:$0x3FFE];
	_ =	sdelay $0x1  }
0x8a: {  	s1 =	srdreg.scid  }
0x8b: {  	s0 =	sand.u32 $0x1, s1  }
0x8c: {  	s14 =	sshll.u32 s0, $0xA;
	s2 =	sadd.s32 s3, s2  }
0x8d: {  	s2 =	sadd.s32 s2, s14  }
0x8e: {  	[smem:$0x3FBF] =	sst s2  }
0x8f: {  	_ = 	snop  }
0x90: {  	s2 =	sld [smem:$0x3FD0];
	_ =	sdelay $0x2  }
0x91: {  	s15 =	simm.s32 $0xA;
	s4 =	simm.s32 $0x10  }
0x92: {  	[smem:s4], [sflag:s15] =	dma.local [hbm:s2], $0x1  }
0x93: {  	_ =	swait.eq [sflag:s15], $0x1  }
0x94: {  	[sflag:s15] =	ssyncset.done $0x0  }
0x95: {  	[sflag:s15] =	ssyncadd.s32 $0xFFFFFFFF  }
0x96: {  	s16 =	sld [smem:$0x13];
	(tm) =	ssettm $0x1  }
0x97: {  	s17 =	sld [smem:$0x3FFB];
	_ =	sdelay $0x3  }
0x98: {  	_ =	strace s17  }
0x99: {  	s3 =	sld [smem:$0x3FFC];
	_ =	sdelay $0x3  }
0x9a: {  	_ =	strace s3  }
0x9b: {  	s3 =	sld [smem:$0x3FFD];
	_ =	sdelay $0x3  }
0x9c: {  	_ =	strace s3  }
0x9d: {  	_ =	strace $0x8FFFFFFF  }
0x9e: {  	s18 =	sld [smem:$0x3FDB];
	_ =	sdelay $0x1  }
0x9f: {  	s19 =	simm.s32 $_scs_section_size  }
0xa0: {  	s5 =	simm.s32 $_size__tile_overlayer_lowered;
	s6 =	simm.s32 $_tile_overlayer_lowered  }
0xa1: {  	s22 =	simm.s32 $0x1BFF;
	s21 =	sshll.u32 s6, $0x1;
	s3 =	sadd.s32 s19, s18  }
0xa2: {  	s7 =	simm.s32 $0x0;
	s20 =	sshll.u32 s5, $0x1;
	s5 =	sadd.s32 s21, s3  }
0xa3: {  	[timem:s7], [sflag:s22] =	dma.local [hbm:s5], s20  }
0xa4: {  	_ =	swait.ge [sflag:s22], s20  }
0xa5: {  	s4 =	ssub.s32 $0x0, s20;
	[sflag:s22] =	ssyncset.done $0x0  }
0xa6: {  	[sflag:s22] =	ssyncadd.s32 s4;
	_ =	sdelay $0x1  }
0xa7: {  	s23 =	simm.s32 $0x1B8B  }
0xa8: {  	_ =	swait.ge [sflag:s23], $0x1  }
0xa9: {  	[sflag:s23] =	ssyncset.done $0x0  }
0xaa: {  	s25 =	simm.s32 $0x1B8E;
	s24 =	sld [smem:$0x3FFE];
	[sflag:s23] =	ssyncadd.s32 $0xFFFFFFFF  }
0xab: {  	s26 =	simm.s32 $execute0_lowered;
	[smem:$0x3FD2] =	sst s25  }
0xac: {  	s5 =	sshll.u32 s26, $0x1;
	_ =	strace $0x80000046;
	[dreg:$0x1] =	wrdreg $0xFFFFFFFF  }
0xad: {  	s28 =	simm.s32 $_size_execute0_lowered;
	s3 =	sadd.s32 s3, s5;
	[dreg:$0x0] =	wrdreg $0x0  }
0xae: {  	s5 =	sshll.u32 s28, $0x1;
	[dreg:$0x2] =	wrdreg s3  }
0xaf: {  	[dreg:$0x3] =	wrdreg s5  }
0xb0: {  	[dreg:$0x4] =	wrdreg $0xC0  }
0xb1: {  	_ =	task [dreg:s7], $0x5FFFF  }
0xb2: {  	[dreg:$0x1] =	wrdreg $0xFFFFFFFF  }
0xb3: {  	[dreg:$0x0] =	wrdreg $0x60  }
0xb4: {  	[dreg:$0x2] =	wrdreg s16  }
0xb5: {  	[dreg:$0x3] =	wrdreg s24  }
0xb6: {  	[dreg:$0x4] =	wrdreg $0xCD800  }
0xb7: {  	[dreg:$0x5] =	wrdreg $0x9  }
0xb8: {  	_ =	task.clear_ibuf [dreg:s7], $0x6FFFF;
	_ =	strace $0x90000046  }
0xb9: {  	s29 =	simm.s32 $0x9;
	_ =	strace $0x80000048  }
0xba: {  	_ =	swait.ge [sflag:s29], $0x1  }
0xbb: {  	[sflag:s29] =	ssyncadd.s32 $0xFFFFFFFF  }
0xbc: {  	_ =	strace $0x90000048  }
0xbd: {  	_ =	sfence  }
0xbe: {  	s30 =	sld [smem:$0x0];
	_ =	sdelay $0x2  }
0xbf: {  	s31 =	sshll.u32 s1, $0xD;
	s1 =	sshrl.u32 s1, $0x2  }
0xc0: {  	s3 =	sand.u32 $0x4000, s31;
	s1 =	sadd.s32 s1, s30  }
0xc1: {  	s0 =	sor.u32 s3, s0;
	s1 =	sshll.u32 s1, $0x11  }
0xc2: {  	s0 =	sor.u32 s1, s0  }
0xc3: {  	s0 =	sadd.s32 $0x8F2B, s0  }
0xc4: {  	[sflag:s0] =	ssyncadd.remote.s32 $0x1  }
0xc5: {  	_ =	sfence.sel $0xFFFF  }
0xc6: {  	[dreg:$0x0] =	wrdreg $0xFFFFFFFF;
	(pc) =	sbr.abs _section_cstart, $3  }
0xc7: {  	[dreg:$0x1] =	wrdreg $0xFFFFFFFF  }
0xc8: {  	_ =	task.clear_ibuf [dreg:s7], $0x2FFFF;
	_ =	strace $0x9FFFFFFF  }
0xc9: {  	(tm) =	ssettm $0x7FFFFFFF  }
tec
execute0_lowered:
.L_overlay_start_1:
0x0: {  	(tag) =	ssettag $0x1  }
0x1: {  	s4 =	rddreg [dreg:$0x0]  }
0x2: {  	s5 =	rddreg [dreg:$0x1];
	s0 =	srdreg.scid  }
0x3: {  	s1 =	rddreg [dreg:$0x2];
	s15 =	stileid.u32;
	s2 =	simm.s32 $0x0  }
0x4: {  	s14 =	simm.s32 $0xB490;
	s16 =	simm.s32 $0xB760;
	s17 =	simm.s32 $0xB7F0  }
0x5: {  	s18 =	simm.s32 $0xB880;
	s19 =	simm.s32 $0xB910;
	s20 =	simm.s32 $0xBA30  }
0x6: {  	s21 =	simm.s32 $0xBAC0;
	s28 =	simm.s32 $0x0;
	s3 =	smul.u32 $0x90, s15  }
0x7: {  	s6 =	sand.u32 $0x1, s0;
	[smem:$0x7FF] =	sst s2;
	s8 =	smul.u32 $0x48, s15  }
0x8: {  	s31 =	sshll.u32 s15, $0x4;
	p0 =	sne.s32 s15, $0x0;
	s15 =	simm.s32 $0xB6D0  }
0x9: {  	v0 =	vlaneseq.u32;
	s7 =	smul.u32 $0x1200, s6;
	_ =	strace $0x80000047;
	s10 =	sshll.u32 s6, $0x9  }
0xa: {  	vm0 =	vmmov $0x3fff;
	v10 =	vimm.s32 $0x0;
	vm2 =	vcmask $0xB2C;
	s12 =	ssub.s32 $0x2, s6;
	s6 =	smul.u32 $0x480, s6;
	s9 =	sshrl.u32 s3, $0x3  }
0xb: {  	vm3 =	vcmask $0xF2C;
	vm4 =	vcmask $0x132C;
	vm5 =	vcmask $0x172C;
	s8 =	sadd.s32 s8, s5;
	s10 =	sadd.s32 s10, s5;
	s22 =	sadd.s32 $0x10, s3  }
0xc: {  	vm6 =	vcmask $0x1B2C;
	vm7 =	vcmask $0x1F2C;
	v10 =	vsel vm0, $0xFFFFFFFF, v10;
	s11 =	sadd.s32 $0x20, s3;
	s23 =	sadd.s32 $0x30, s3;
	s24 =	sshrl.u32 s12, $0x1  }
0xd: {  	vm8 =	vcmask $0x232C;
	vm10 =	vcmask $0x1F10;
	[tilespmem:$0x1FFF0] =	vst v10;
	v10 =	vimm.s32 $0xA090807;
	s25 =	sadd.s32 $0x40, s3;
	s13 =	sadd.s32 $0x50, s3;
	s26 =	sadd.s32 $0x60, s3  }
0xe: {  	vm9 =	vcmask $0x272C;
	v1 =	vor.u32 s3, v0;
	s29 =	sadd.s32 $0x70, s3;
	s30 =	sadd.s32 $0x80, s3;
	v10 =	vunpack.c.0.s8.s32 v10;
	s7 =	sadd.s32 s7, s5  }
0xf: {  	s9 =	sadd.s32 s9, s5;
	v1 =	vcvt.s32.f32 v1;
	v2 =	vor.u32 s22, v0;
	v3 =	vor.u32 s11, v0;
	s11 =	ssub.s32 s12, s24;
	s4 =	sadd.s32 s4, s6  }
.Ltmp0:
0x10: {  	v4 =	vor.u32 s23, v0;
	v5 =	vor.u32 s25, v0;
	v6 =	vor.u32 s13, v0;
	s12 =	simm.s32 $0x2400;
	s13 =	simm.s32 $0xB400;
	(pc) =	sbr.rel .LBB2_1-.Ltmp0, $4  }
0x11: {  	v7 =	vor.u32 s26, v0;
	s22 =	simm.s32 $0xBB50;
	s23 =	simm.s32 $0xBBE0;
	s24 =	simm.s32 $0xBC70;
	v2 =	vcvt.s32.f32 v2;
	v3 =	vcvt.s32.f32 v3  }
0x12: {  	v8 =	vor.u32 s29, v0;
	s25 =	simm.s32 $0xBC80;
	s26 =	simm.s32 $0xBD80;
	v4 =	vcvt.s32.f32 v4;
	s5 =	sadd.s32 $0x1600, s7;
	v5 =	vcvt.s32.f32 v5  }
0x13: {  	v9 =	vor.u32 s30, v0;
	v6 =	vcvt.s32.f32 v6;
	s6 =	sadd.s32 $0x4000, s9;
	s7 =	sadd.s32 $0x3A00, s8;
	v7 =	vcvt.s32.f32 v7;
	s8 =	sadd.s32 s31, s1  }
0x14: {  	v8 =	vcvt.s32.f32 v8;
	v9 =	vcvt.s32.f32 v9;
	s9 =	sadd.s32 $0x4200, s10;
	s10 =	smax.u32 s11, $0x1;
	s11 =	simm.s32 $0x1;
	v10 =	vnsel vm10, $0x0, v10  }
.LBB2_8:
0x15: {  	[hbm4b:s9+s2] =	stream.linear.scatter [tilespmem:s26], [sflag:$0x1], $0x1000, $0x38;
	[tilespmem:$0xCD90] =	vst v63  }
0x16: {  	_ =	swait.ge [sflag:s11], $0x1000  }
0x17: {  	[sflag:s11] =	ssyncset.done $0x0  }
0x18: {  	[sflag:s11] =	ssyncadd.s32 $0xFFFFF000  }
.LBB2_9:
0x19: {  	s28 =	sadd.s32 $0x1, s28  }
0x1a: {  	p1 =	sne.s32 s28, s10  }
.Ltmp1:
0x1b: {  	_ = 	snop;
	(pc) =	sbr.rel @!p1 .LBB2_10-.Ltmp1, $1  }
0x1c: {  	_ =	sdelay $0x3  }
.LBB2_1:
0x1d: {  	[tilespmem:s2], [sflag:$0x1] =	stream.linear.gather [hbm4b:s4+s2], $0x2400, $0x38;
	[tilespmem:$0xCD90] =	vst v63  }
0x1e: {  	_ =	swait.ge [sflag:s11], $0x2400  }
0x1f: {  	[sflag:s11] =	ssyncset.done $0x0  }
0x20: {  	[sflag:s11] =	ssyncadd.s32 $0xFFFFDC00  }
0x21: {  	[tilespmem:s12], [sflag:$0x1] =	stream.linear.gather [hbm4b:s5+s2], $0x9000, $0x38;
	[tilespmem:$0xCD90] =	vst v63  }
0x22: {  	_ =	swait.ge [sflag:s11], $0x9000  }
0x23: {  	[sflag:s11] =	ssyncset.done $0x0  }
0x24: {  	[sflag:s11] =	ssyncadd.s32 $0xFFFF7000  }
0x25: {  	[tilespmem:s13], [sflag:$0x1] =	stream.linear.gather [hbm4b:s6+s2], $0x90, $0x38;
	[tilespmem:$0xCD90] =	vst v63  }
0x26: {  	_ =	swait.ge [sflag:s11], $0x90  }
0x27: {  	[sflag:s11] =	ssyncset.done $0x0  }
0x28: {  	[sflag:s11] =	ssyncadd.s32 $0xFFFFFF70  }
0x29: {  	[tilespmem:s14], [sflag:$0x1] =	stream.linear.gather [hbm4b:s7+s2], $0x240, $0x38;
	[tilespmem:$0xCD90] =	vst v63  }
0x2a: {  	_ =	swait.ge [sflag:s11], $0x240  }
0x2b: {  	[sflag:s11] =	ssyncset.done $0x0  }
0x2c: {  	[sflag:s11] =	ssyncadd.s32 $0xFFFFFDC0  }
0x2d: {  	v11 =	vld [tilespmem:$0xB400];
	_ =	sdelay $0x4  }
0x2e: {  	v12 =	vadd.s32 $0x4800, v11  }
0x2f: {  	v13 =	vadd.s32 $0x6C00, v11;
	_ =	sdelay $0x3  }
0x30: {  	v12 =	vld.idx.msk [tilespmem:v12+s12+$0x0], $0xffff  }
0x31: {  	v13 =	vld.idx.msk [tilespmem:v13+s12+$0x0], $0xffff;
	_ =	sdelay $0x3  }
0x32: {  	v14 =	vmul.f32 $1.442695020e+00, v12  }
0x33: {  	v16 =	vmul.f32 $1.442695020e+00, v13  }
0x34: {  	(erf) = vpow2.f32 v14  }
0x35: {  	v15 =	vadd.s32 $0x2400, v11;
	(erf) = vpow2.f32 v16;
	_ =	sdelay $0x1  }
0x36: {  	v55 =	vld [tilespmem:$0xB5B0]  }
0x37: {  	v17 =	vld [tilespmem:$0xB640]  }
0x38: {  	v54 =	vld.idx.msk [tilespmem:v11+s12+$0x0], $0xffff  }
0x39: {  	v15 =	vld.idx.msk [tilespmem:v15+s12+$0x0], $0xffff  }
0x3a: {  	v18 =	vld [tilespmem:$0xB490]  }
0x3b: {  	v19 =	vld [tilespmem:$0xB520]  }
0x3c: {  	v11 =	vld.idx.msk [tilespmem:v11+s2+$0x0], $0xffff;
	v20 =	vpop (erf)  }
0x3d: {  	v21 =	vmul.f32 v55, v54;
	v16 =	vmul.f32 v55, v20;
	v56 =	vpop (erf)  }
0x3e: {  	v20 =	vmul.f32 v17, v56;
	v17 =	vmul.f32 v17, v15  }
0x3f: {  	v18 =	vadd.f32 v21, v18;
	v16 =	vmul.f32 $5.000000000e-01, v16  }
0x40: {  	v17 =	vadd.f32 v17, v19;
	v57 =	vmul.f32 $5.000000000e-01, v20  }
0x41: {  	v63 =	vld [tilespmem:$0xB410];
	[tilespmem:$0xB9A0] =	vst v11;
	v58 =	vsub.f32 v18, v16;
	v16 =	vadd.f32 v16, v18  }
0x42: {  	[tilespmem:$0xBA30] =	vst v54;
	v59 =	vsub.f32 v17, v57;
	v17 =	vadd.f32 v57, v17  }
0x43: {  	[tilespmem:$0xBAC0] =	vst v15;
	v20 =	vmax.f32 v58, $0.0e+00;
	v16 =	vmax.f32 v16, $0.0e+00  }
0x44: {  	[tilespmem:$0xBB50] =	vst v12;
	v60 =	vmin.f32 v20, $5.120000000e+02;
	v61 =	vmax.f32 v59, $0.0e+00;
	v17 =	vmax.f32 v17, $0.0e+00  }
0x45: {  	[tilespmem:$0xBBE0] =	vst v13;
	v16 =	vmin.f32 v16, $5.120000000e+02;
	v19 =	vmin.f32 v61, $5.120000000e+02;
	v17 =	vmin.f32 v17, $5.120000000e+02  }
0x46: {  	v11 =	vadd.s32 $0x4800, v63;
	v20 =	vsub.f32 v16, v60;
	[tilespmem:$0xB6D0] =	vst v60;
	v62 =	vsub.f32 v17, v19  }
0x47: {  	v24 =	vadd.s32 $0x6C00, v63;
	[tilespmem:$0xB7F0] =	vst v16  }
0x48: {  	[tilespmem:$0xB760] =	vst v19;
	v23 =	vmul.f32 v62, v20  }
0x49: {  	[tilespmem:$0xB880] =	vst v17  }
0x4a: {  	[tilespmem:$0xB910] =	vst v23  }
0x4b: {  	v11 =	vld.idx.msk [tilespmem:v11+s12+$0x0], $0xffff  }
0x4c: {  	v12 =	vld.idx.msk [tilespmem:v24+s12+$0x0], $0xffff;
	_ =	sdelay $0x3  }
0x4d: {  	v25 =	vmul.f32 $1.442695020e+00, v11  }
0x4e: {  	v27 =	vmul.f32 $1.442695020e+00, v12  }
0x4f: {  	(erf) = vpow2.f32 v25  }
0x50: {  	v26 =	vadd.s32 $0x2400, v63;
	(erf) = vpow2.f32 v27;
	_ =	sdelay $0x1  }
0x51: {  	v29 =	vld [tilespmem:$0xB5C0]  }
0x52: {  	v30 =	vld [tilespmem:$0xB650]  }
0x53: {  	v28 =	vld.idx.msk [tilespmem:v63+s12+$0x0], $0xffff  }
0x54: {  	v14 =	vld.idx.msk [tilespmem:v26+s12+$0x0], $0xffff  }
0x55: {  	v31 =	vld [tilespmem:$0xB4A0]  }
0x56: {  	v32 =	vld [tilespmem:$0xB530]  }
0x57: {  	v18 =	vld.idx.msk [tilespmem:v63+s2+$0x0], $0xffff;
	v33 =	vpop (erf)  }
0x58: {  	v34 =	vmul.f32 v29, v28;
	v15 =	vmul.f32 v29, v33;
	v35 =	vpop (erf)  }
0x59: {  	v16 =	vmul.f32 v30, v14;
	v20 =	vmul.f32 v30, v35  }
0x5a: {  	v17 =	vadd.f32 v34, v31;
	v15 =	vmul.f32 $5.000000000e-01, v15  }
0x5b: {  	v16 =	vadd.f32 v16, v32;
	v36 =	vmul.f32 $5.000000000e-01, v20  }
0x5c: {  	v42 =	vld [tilespmem:$0xB420];
	[tilespmem:$0xB9B0] =	vst v18;
	v37 =	vsub.f32 v17, v15;
	v15 =	vadd.f32 v15, v17  }
0x5d: {  	[tilespmem:$0xBA40] =	vst v28;
	v38 =	vsub.f32 v16, v36;
	v16 =	vadd.f32 v36, v16  }
0x5e: {  	[tilespmem:$0xBAD0] =	vst v14;
	v20 =	vmax.f32 v37, $0.0e+00;
	v15 =	vmax.f32 v15, $0.0e+00  }
0x5f: {  	[tilespmem:$0xBB60] =	vst v11;
	v39 =	vmin.f32 v20, $5.120000000e+02;
	v40 =	vmax.f32 v38, $0.0e+00;
	v16 =	vmax.f32 v16, $0.0e+00  }
0x60: {  	[tilespmem:$0xBBF0] =	vst v12;
	v15 =	vmin.f32 v15, $5.120000000e+02;
	v19 =	vmin.f32 v40, $5.120000000e+02;
	v16 =	vmin.f32 v16, $5.120000000e+02  }
0x61: {  	v44 =	vadd.s32 $0x4800, v42;
	v20 =	vsub.f32 v15, v39;
	[tilespmem:$0xB6E0] =	vst v39;
	v41 =	vsub.f32 v16, v19  }
0x62: {  	v45 =	vadd.s32 $0x6C00, v42;
	[tilespmem:$0xB800] =	vst v15  }
0x63: {  	[tilespmem:$0xB770] =	vst v19;
	v43 =	vmul.f32 v41, v20  }
0x64: {  	[tilespmem:$0xB890] =	vst v16  }
0x65: {  	[tilespmem:$0xB920] =	vst v43  }
0x66: {  	v11 =	vld.idx.msk [tilespmem:v44+s12+$0x0], $0xffff  }
0x67: {  	v12 =	vld.idx.msk [tilespmem:v45+s12+$0x0], $0xffff;
	_ =	sdelay $0x3  }
0x68: {  	v46 =	vmul.f32 $1.442695020e+00, v11  }
0x69: {  	v48 =	vmul.f32 $1.442695020e+00, v12  }
0x6a: {  	(erf) = vpow2.f32 v46  }
0x6b: {  	v47 =	vadd.s32 $0x2400, v42;
	(erf) = vpow2.f32 v48;
	_ =	sdelay $0x1  }
0x6c: {  	v50 =	vld [tilespmem:$0xB5D0]  }
0x6d: {  	v51 =	vld [tilespmem:$0xB660]  }
0x6e: {  	v49 =	vld.idx.msk [tilespmem:v42+s12+$0x0], $0xffff  }
0x6f: {  	v14 =	vld.idx.msk [tilespmem:v47+s12+$0x0], $0xffff  }
0x70: {  	v52 =	vld [tilespmem:$0xB4B0]  }
0x71: {  	v53 =	vld [tilespmem:$0xB540]  }
0x72: {  	v17 =	vld.idx.msk [tilespmem:v42+s2+$0x0], $0xffff;
	v54 =	vpop (erf)  }
0x73: {  	v55 =	vmul.f32 v50, v49;
	v15 =	vmul.f32 v50, v54;
	v56 =	vpop (erf)  }
0x74: {  	v16 =	vmul.f32 v51, v14;
	v20 =	vmul.f32 v51, v56  }
0x75: {  	v18 =	vadd.f32 v55, v52;
	v15 =	vmul.f32 $5.000000000e-01, v15  }
0x76: {  	v16 =	vadd.f32 v16, v53;
	v57 =	vmul.f32 $5.000000000e-01, v20  }
0x77: {  	v63 =	vld [tilespmem:$0xB430];
	[tilespmem:$0xB9C0] =	vst v17;
	v58 =	vsub.f32 v18, v15;
	v15 =	vadd.f32 v15, v18  }
0x78: {  	[tilespmem:$0xBA50] =	vst v49;
	v59 =	vsub.f32 v16, v57;
	v16 =	vadd.f32 v57, v16  }
0x79: {  	[tilespmem:$0xBAE0] =	vst v14;
	v20 =	vmax.f32 v58, $0.0e+00;
	v15 =	vmax.f32 v15, $0.0e+00  }
0x7a: {  	[tilespmem:$0xBB70] =	vst v11;
	v60 =	vmin.f32 v20, $5.120000000e+02;
	v61 =	vmax.f32 v59, $0.0e+00;
	v16 =	vmax.f32 v16, $0.0e+00  }
0x7b: {  	[tilespmem:$0xBC00] =	vst v12;
	v15 =	vmin.f32 v15, $5.120000000e+02;
	v19 =	vmin.f32 v61, $5.120000000e+02;
	v16 =	vmin.f32 v16, $5.120000000e+02  }
0x7c: {  	v23 =	vadd.s32 $0x4800, v63;
	v20 =	vsub.f32 v15, v60;
	[tilespmem:$0xB6F0] =	vst v60;
	v62 =	vsub.f32 v16, v19  }
0x7d: {  	v24 =	vadd.s32 $0x6C00, v63;
	[tilespmem:$0xB810] =	vst v15  }
0x7e: {  	[tilespmem:$0xB780] =	vst v19;
	v22 =	vmul.f32 v62, v20  }
0x7f: {  	[tilespmem:$0xB8A0] =	vst v16  }
0x80: {  	[tilespmem:$0xB930] =	vst v22  }
0x81: {  	v11 =	vld.idx.msk [tilespmem:v23+s12+$0x0], $0xffff  }
0x82: {  	v12 =	vld.idx.msk [tilespmem:v24+s12+$0x0], $0xffff;
	_ =	sdelay $0x3  }
0x83: {  	v25 =	vmul.f32 $1.442695020e+00, v11  }
0x84: {  	v27 =	vmul.f32 $1.442695020e+00, v12  }
0x85: {  	(erf) = vpow2.f32 v25  }
0x86: {  	v26 =	vadd.s32 $0x2400, v63;
	(erf) = vpow2.f32 v27;
	_ =	sdelay $0x1  }
0x87: {  	v29 =	vld [tilespmem:$0xB5E0]  }
0x88: {  	v30 =	vld [tilespmem:$0xB670]  }
0x89: {  	v28 =	vld.idx.msk [tilespmem:v63+s12+$0x0], $0xffff  }
0x8a: {  	v14 =	vld.idx.msk [tilespmem:v26+s12+$0x0], $0xffff  }
0x8b: {  	v31 =	vld [tilespmem:$0xB4C0]  }
0x8c: {  	v32 =	vld [tilespmem:$0xB550]  }
0x8d: {  	v18 =	vld.idx.msk [tilespmem:v63+s2+$0x0], $0xffff;
	v33 =	vpop (erf)  }
0x8e: {  	v34 =	vmul.f32 v29, v28;
	v15 =	vmul.f32 v29, v33;
	v35 =	vpop (erf)  }
0x8f: {  	v16 =	vmul.f32 v30, v14;
	v20 =	vmul.f32 v30, v35  }
0x90: {  	v17 =	vadd.f32 v34, v31;
	v15 =	vmul.f32 $5.000000000e-01, v15  }
0x91: {  	v16 =	vadd.f32 v16, v32;
	v36 =	vmul.f32 $5.000000000e-01, v20  }
0x92: {  	v42 =	vld [tilespmem:$0xB440];
	[tilespmem:$0xB9D0] =	vst v18;
	v37 =	vsub.f32 v17, v15;
	v15 =	vadd.f32 v15, v17  }
0x93: {  	[tilespmem:$0xBA60] =	vst v28;
	v38 =	vsub.f32 v16, v36;
	v16 =	vadd.f32 v36, v16  }
0x94: {  	[tilespmem:$0xBAF0] =	vst v14;
	v20 =	vmax.f32 v37, $0.0e+00;
	v15 =	vmax.f32 v15, $0.0e+00  }
0x95: {  	[tilespmem:$0xBB80] =	vst v11;
	v39 =	vmin.f32 v20, $5.120000000e+02;
	v40 =	vmax.f32 v38, $0.0e+00;
	v16 =	vmax.f32 v16, $0.0e+00  }
0x96: {  	[tilespmem:$0xBC10] =	vst v12;
	v15 =	vmin.f32 v15, $5.120000000e+02;
	v19 =	vmin.f32 v40, $5.120000000e+02;
	v16 =	vmin.f32 v16, $5.120000000e+02  }
0x97: {  	v44 =	vadd.s32 $0x4800, v42;
	v20 =	vsub.f32 v15, v39;
	[tilespmem:$0xB700] =	vst v39;
	v41 =	vsub.f32 v16, v19  }
0x98: {  	v45 =	vadd.s32 $0x6C00, v42;
	[tilespmem:$0xB820] =	vst v15  }
0x99: {  	[tilespmem:$0xB790] =	vst v19;
	v43 =	vmul.f32 v41, v20  }
0x9a: {  	[tilespmem:$0xB8B0] =	vst v16  }
0x9b: {  	[tilespmem:$0xB940] =	vst v43  }
0x9c: {  	v11 =	vld.idx.msk [tilespmem:v44+s12+$0x0], $0xffff  }
0x9d: {  	v12 =	vld.idx.msk [tilespmem:v45+s12+$0x0], $0xffff;
	_ =	sdelay $0x3  }
0x9e: {  	v46 =	vmul.f32 $1.442695020e+00, v11  }
0x9f: {  	v48 =	vmul.f32 $1.442695020e+00, v12  }
0xa0: {  	(erf) = vpow2.f32 v46  }
0xa1: {  	v47 =	vadd.s32 $0x2400, v42;
	(erf) = vpow2.f32 v48;
	_ =	sdelay $0x1  }
0xa2: {  	v50 =	vld [tilespmem:$0xB5F0]  }
0xa3: {  	v51 =	vld [tilespmem:$0xB680]  }
0xa4: {  	v49 =	vld.idx.msk [tilespmem:v42+s12+$0x0], $0xffff  }
0xa5: {  	v14 =	vld.idx.msk [tilespmem:v47+s12+$0x0], $0xffff  }
0xa6: {  	v52 =	vld [tilespmem:$0xB4D0]  }
0xa7: {  	v53 =	vld [tilespmem:$0xB560]  }
0xa8: {  	v17 =	vld.idx.msk [tilespmem:v42+s2+$0x0], $0xffff;
	v54 =	vpop (erf)  }
0xa9: {  	v55 =	vmul.f32 v50, v49;
	v15 =	vmul.f32 v50, v54;
	v56 =	vpop (erf)  }
0xaa: {  	v16 =	vmul.f32 v51, v14;
	v20 =	vmul.f32 v51, v56  }
0xab: {  	v18 =	vadd.f32 v55, v52;
	v15 =	vmul.f32 $5.000000000e-01, v15  }
0xac: {  	v16 =	vadd.f32 v16, v53;
	v57 =	vmul.f32 $5.000000000e-01, v20  }
0xad: {  	v63 =	vld [tilespmem:$0xB450];
	[tilespmem:$0xB9E0] =	vst v17;
	v58 =	vsub.f32 v18, v15;
	v15 =	vadd.f32 v15, v18  }
0xae: {  	[tilespmem:$0xBA70] =	vst v49;
	v59 =	vsub.f32 v16, v57;
	v16 =	vadd.f32 v57, v16  }
0xaf: {  	[tilespmem:$0xBB00] =	vst v14;
	v20 =	vmax.f32 v58, $0.0e+00;
	v15 =	vmax.f32 v15, $0.0e+00  }
0xb0: {  	[tilespmem:$0xBB90] =	vst v11;
	v60 =	vmin.f32 v20, $5.120000000e+02;
	v61 =	vmax.f32 v59, $0.0e+00;
	v16 =	vmax.f32 v16, $0.0e+00  }
0xb1: {  	[tilespmem:$0xBC20] =	vst v12;
	v15 =	vmin.f32 v15, $5.120000000e+02;
	v19 =	vmin.f32 v61, $5.120000000e+02;
	v16 =	vmin.f32 v16, $5.120000000e+02  }
0xb2: {  	v23 =	vadd.s32 $0x4800, v63;
	v20 =	vsub.f32 v15, v60;
	[tilespmem:$0xB710] =	vst v60;
	v62 =	vsub.f32 v16, v19  }
0xb3: {  	v24 =	vadd.s32 $0x6C00, v63;
	[tilespmem:$0xB830] =	vst v15  }
0xb4: {  	[tilespmem:$0xB7A0] =	vst v19;
	v22 =	vmul.f32 v62, v20  }
0xb5: {  	[tilespmem:$0xB8C0] =	vst v16  }
0xb6: {  	[tilespmem:$0xB950] =	vst v22  }
0xb7: {  	v11 =	vld.idx.msk [tilespmem:v23+s12+$0x0], $0xffff  }
0xb8: {  	v12 =	vld.idx.msk [tilespmem:v24+s12+$0x0], $0xffff;
	_ =	sdelay $0x3  }
0xb9: {  	v25 =	vmul.f32 $1.442695020e+00, v11  }
0xba: {  	v27 =	vmul.f32 $1.442695020e+00, v12  }
0xbb: {  	(erf) = vpow2.f32 v25  }
0xbc: {  	v26 =	vadd.s32 $0x2400, v63;
	(erf) = vpow2.f32 v27;
	_ =	sdelay $0x1  }
0xbd: {  	v29 =	vld [tilespmem:$0xB600]  }
0xbe: {  	v30 =	vld [tilespmem:$0xB690]  }
0xbf: {  	v28 =	vld.idx.msk [tilespmem:v63+s12+$0x0], $0xffff  }
0xc0: {  	v14 =	vld.idx.msk [tilespmem:v26+s12+$0x0], $0xffff  }
0xc1: {  	v31 =	vld [tilespmem:$0xB4E0]  }
0xc2: {  	v32 =	vld [tilespmem:$0xB570]  }
0xc3: {  	v18 =	vld.idx.msk [tilespmem:v63+s2+$0x0], $0xffff;
	v33 =	vpop (erf)  }
0xc4: {  	v34 =	vmul.f32 v29, v28;
	v15 =	vmul.f32 v29, v33;
	v35 =	vpop (erf)  }
0xc5: {  	v16 =	vmul.f32 v30, v14;
	v20 =	vmul.f32 v30, v35  }
0xc6: {  	v17 =	vadd.f32 v34, v31;
	v15 =	vmul.f32 $5.000000000e-01, v15  }
0xc7: {  	v16 =	vadd.f32 v16, v32;
	v36 =	vmul.f32 $5.000000000e-01, v20  }
0xc8: {  	v42 =	vld [tilespmem:$0xB460];
	[tilespmem:$0xB9F0] =	vst v18;
	v37 =	vsub.f32 v17, v15;
	v15 =	vadd.f32 v15, v17  }
0xc9: {  	[tilespmem:$0xBA80] =	vst v28;
	v38 =	vsub.f32 v16, v36;
	v16 =	vadd.f32 v36, v16  }
0xca: {  	[tilespmem:$0xBB10] =	vst v14;
	v20 =	vmax.f32 v37, $0.0e+00;
	v15 =	vmax.f32 v15, $0.0e+00  }
0xcb: {  	[tilespmem:$0xBBA0] =	vst v11;
	v39 =	vmin.f32 v20, $5.120000000e+02;
	v40 =	vmax.f32 v38, $0.0e+00;
	v16 =	vmax.f32 v16, $0.0e+00  }
0xcc: {  	[tilespmem:$0xBC30] =	vst v12;
	v15 =	vmin.f32 v15, $5.120000000e+02;
	v19 =	vmin.f32 v40, $5.120000000e+02;
	v16 =	vmin.f32 v16, $5.120000000e+02  }
0xcd: {  	v44 =	vadd.s32 $0x4800, v42;
	v20 =	vsub.f32 v15, v39;
	[tilespmem:$0xB720] =	vst v39;
	v41 =	vsub.f32 v16, v19  }
0xce: {  	v45 =	vadd.s32 $0x6C00, v42;
	[tilespmem:$0xB840] =	vst v15  }
0xcf: {  	[tilespmem:$0xB7B0] =	vst v19;
	v43 =	vmul.f32 v41, v20  }
0xd0: {  	[tilespmem:$0xB8D0] =	vst v16  }
0xd1: {  	[tilespmem:$0xB960] =	vst v43  }
0xd2: {  	v11 =	vld.idx.msk [tilespmem:v44+s12+$0x0], $0xffff  }
0xd3: {  	v12 =	vld.idx.msk [tilespmem:v45+s12+$0x0], $0xffff;
	_ =	sdelay $0x3  }
0xd4: {  	v46 =	vmul.f32 $1.442695020e+00, v11  }
0xd5: {  	v48 =	vmul.f32 $1.442695020e+00, v12  }
0xd6: {  	(erf) = vpow2.f32 v46  }
0xd7: {  	v47 =	vadd.s32 $0x2400, v42;
	(erf) = vpow2.f32 v48;
	_ =	sdelay $0x1  }
0xd8: {  	v50 =	vld [tilespmem:$0xB610]  }
0xd9: {  	v51 =	vld [tilespmem:$0xB6A0]  }
0xda: {  	v49 =	vld.idx.msk [tilespmem:v42+s12+$0x0], $0xffff  }
0xdb: {  	v14 =	vld.idx.msk [tilespmem:v47+s12+$0x0], $0xffff  }
0xdc: {  	v52 =	vld [tilespmem:$0xB4F0]  }
0xdd: {  	v53 =	vld [tilespmem:$0xB580]  }
0xde: {  	v17 =	vld.idx.msk [tilespmem:v42+s2+$0x0], $0xffff;
	v54 =	vpop (erf)  }
0xdf: {  	v55 =	vmul.f32 v50, v49;
	v15 =	vmul.f32 v50, v54;
	v56 =	vpop (erf)  }
0xe0: {  	v16 =	vmul.f32 v51, v14;
	v20 =	vmul.f32 v51, v56  }
0xe1: {  	v18 =	vadd.f32 v55, v52;
	v15 =	vmul.f32 $5.000000000e-01, v15  }
0xe2: {  	v16 =	vadd.f32 v16, v53;
	v57 =	vmul.f32 $5.000000000e-01, v20  }
0xe3: {  	v63 =	vld [tilespmem:$0xB470];
	[tilespmem:$0xBA00] =	vst v17;
	v58 =	vsub.f32 v18, v15;
	v15 =	vadd.f32 v15, v18  }
0xe4: {  	[tilespmem:$0xBA90] =	vst v49;
	v59 =	vsub.f32 v16, v57;
	v16 =	vadd.f32 v57, v16  }
0xe5: {  	[tilespmem:$0xBB20] =	vst v14;
	v20 =	vmax.f32 v58, $0.0e+00;
	v15 =	vmax.f32 v15, $0.0e+00  }
0xe6: {  	[tilespmem:$0xBBB0] =	vst v11;
	v60 =	vmin.f32 v20, $5.120000000e+02;
	v61 =	vmax.f32 v59, $0.0e+00;
	v16 =	vmax.f32 v16, $0.0e+00  }
0xe7: {  	[tilespmem:$0xBC40] =	vst v12;
	v15 =	vmin.f32 v15, $5.120000000e+02;
	v19 =	vmin.f32 v61, $5.120000000e+02;
	v16 =	vmin.f32 v16, $5.120000000e+02  }
0xe8: {  	v22 =	vadd.s32 $0x4800, v63;
	v20 =	vsub.f32 v15, v60;
	[tilespmem:$0xB730] =	vst v60;
	v62 =	vsub.f32 v16, v19  }
0xe9: {  	v23 =	vadd.s32 $0x6C00, v63;
	[tilespmem:$0xB850] =	vst v15  }
0xea: {  	[tilespmem:$0xB7C0] =	vst v19;
	v21 =	vmul.f32 v62, v20  }
0xeb: {  	[tilespmem:$0xB8E0] =	vst v16  }
0xec: {  	[tilespmem:$0xB970] =	vst v21  }
0xed: {  	v11 =	vld.idx.msk [tilespmem:v22+s12+$0x0], $0xffff  }
0xee: {  	v12 =	vld.idx.msk [tilespmem:v23+s12+$0x0], $0xffff;
	_ =	sdelay $0x3  }
0xef: {  	v24 =	vmul.f32 $1.442695020e+00, v11  }
0xf0: {  	v26 =	vmul.f32 $1.442695020e+00, v12  }
0xf1: {  	(erf) = vpow2.f32 v24  }
0xf2: {  	v25 =	vadd.s32 $0x2400, v63;
	(erf) = vpow2.f32 v26;
	_ =	sdelay $0x1  }
0xf3: {  	v28 =	vld [tilespmem:$0xB620]  }
0xf4: {  	v29 =	vld [tilespmem:$0xB6B0]  }
0xf5: {  	v27 =	vld.idx.msk [tilespmem:v63+s12+$0x0], $0xffff  }
0xf6: {  	v14 =	vld.idx.msk [tilespmem:v25+s12+$0x0], $0xffff  }
0xf7: {  	v30 =	vld [tilespmem:$0xB500]  }
0xf8: {  	v31 =	vld [tilespmem:$0xB590]  }
0xf9: {  	v18 =	vld.idx.msk [tilespmem:v63+s2+$0x0], $0xffff;
	v32 =	vpop (erf)  }
0xfa: {  	v33 =	vmul.f32 v28, v27;
	v15 =	vmul.f32 v28, v32;
	v34 =	vpop (erf)  }
0xfb: {  	v16 =	vmul.f32 v29, v14;
	v20 =	vmul.f32 v29, v34  }
0xfc: {  	v17 =	vadd.f32 v33, v30;
	v15 =	vmul.f32 $5.000000000e-01, v15  }
0xfd: {  	v16 =	vadd.f32 v16, v31;
	v35 =	vmul.f32 $5.000000000e-01, v20  }
0xfe: {  	v41 =	vld [tilespmem:$0xB480];
	[tilespmem:$0xBA10] =	vst v18;
	v36 =	vsub.f32 v17, v15;
	v15 =	vadd.f32 v15, v17  }
0xff: {  	[tilespmem:$0xBAA0] =	vst v27;
	v37 =	vsub.f32 v16, v35;
	v16 =	vadd.f32 v35, v16  }
0x100: {  	[tilespmem:$0xBB30] =	vst v14;
	v20 =	vmax.f32 v36, $0.0e+00;
	v15 =	vmax.f32 v15, $0.0e+00  }
0x101: {  	[tilespmem:$0xBBC0] =	vst v11;
	v38 =	vmin.f32 v20, $5.120000000e+02;
	v39 =	vmax.f32 v37, $0.0e+00;
	v16 =	vmax.f32 v16, $0.0e+00  }
0x102: {  	[tilespmem:$0xBC50] =	vst v12;
	v15 =	vmin.f32 v15, $5.120000000e+02;
	v19 =	vmin.f32 v39, $5.120000000e+02;
	v16 =	vmin.f32 v16, $5.120000000e+02  }
0x103: {  	v43 =	vadd.s32 $0x4800, v41;
	v20 =	vsub.f32 v15, v38;
	[tilespmem:$0xB740] =	vst v38;
	v40 =	vsub.f32 v16, v19  }
0x104: {  	v44 =	vadd.s32 $0x6C00, v41;
	[tilespmem:$0xB860] =	vst v15  }
0x105: {  	[tilespmem:$0xB7D0] =	vst v19;
	v42 =	vmul.f32 v40, v20  }
0x106: {  	[tilespmem:$0xB8F0] =	vst v16  }
0x107: {  	[tilespmem:$0xB980] =	vst v42  }
0x108: {  	v11 =	vld.idx.msk [tilespmem:v43+s12+$0x0], $0xffff  }
0x109: {  	v12 =	vld.idx.msk [tilespmem:v44+s12+$0x0], $0xffff;
	_ =	sdelay $0x3  }
0x10a: {  	v45 =	vmul.f32 $1.442695020e+00, v11  }
0x10b: {  	v47 =	vmul.f32 $1.442695020e+00, v12  }
0x10c: {  	(erf) = vpow2.f32 v45  }
0x10d: {  	v46 =	vadd.s32 $0x2400, v41;
	(erf) = vpow2.f32 v47;
	_ =	sdelay $0x1  }
0x10e: {  	v49 =	vld [tilespmem:$0xB630]  }
0x10f: {  	v50 =	vld [tilespmem:$0xB6C0]  }
0x110: {  	v48 =	vld.idx.msk [tilespmem:v41+s12+$0x0], $0xffff  }
0x111: {  	v14 =	vld.idx.msk [tilespmem:v46+s12+$0x0], $0xffff  }
0x112: {  	v51 =	vld [tilespmem:$0xB510]  }
0x113: {  	v52 =	vld [tilespmem:$0xB5A0]  }
0x114: {  	v53 =	vpop (erf)  }
0x115: {  	v54 =	vmul.f32 v49, v48;
	v15 =	vmul.f32 v49, v53;
	v55 =	vpop (erf)  }
0x116: {  	v16 =	vmul.f32 v50, v14;
	v20 =	vmul.f32 v50, v55  }
0x117: {  	v18 =	vadd.f32 v54, v51;
	v15 =	vmul.f32 $5.000000000e-01, v15  }
0x118: {  	v16 =	vadd.f32 v16, v52;
	v56 =	vmul.f32 $5.000000000e-01, v20  }
0x119: {  	v17 =	vld.idx.msk [tilespmem:v41+s2+$0x0], $0xffff;
	[tilespmem:$0xBAB0] =	vst v48;
	v57 =	vsub.f32 v18, v15;
	v15 =	vadd.f32 v15, v18  }
0x11a: {  	v63 =	vld [tilespmem:$0x1FFF0];
	[tilespmem:$0xBB40] =	vst v14;
	v58 =	vsub.f32 v16, v56;
	v16 =	vadd.f32 v56, v16  }
0x11b: {  	[tilespmem:$0xBBD0] =	vst v11;
	v20 =	vmax.f32 v57, $0.0e+00;
	v15 =	vmax.f32 v15, $0.0e+00  }
0x11c: {  	[tilespmem:$0xBC60] =	vst v12;
	v59 =	vmin.f32 v20, $5.120000000e+02;
	v60 =	vmax.f32 v58, $0.0e+00;
	v16 =	vmax.f32 v16, $0.0e+00  }
0x11d: {  	v15 =	vmin.f32 v15, $5.120000000e+02;
	v19 =	vmin.f32 v60, $5.120000000e+02;
	v16 =	vmin.f32 v16, $5.120000000e+02;
	[tilespmem:$0xB750] =	vst v59  }
.Ltmp2:
0x11e: {  	v20 =	vsub.f32 v15, v59;
	[tilespmem:$0xB870] =	vst v15;
	v61 =	vsub.f32 v16, v19;
	(pc) =	sbr.rel .LBB2_2-.Ltmp2, $4  }
0x11f: {  	vm0 =	vnez.u8 v63;
	[tilespmem:$0xB7E0] =	vst v19  }
0x120: {  	v15 =	vnsel vm0, $0xF149F2CA, v17;
	[tilespmem:$0xB900] =	vst v16;
	v62 =	vmul.f32 v61, v20  }
0x121: {  	[tilespmem:$0xBA20] =	vst v15  }
0x122: {  	s29 =	simm.s32 $0xFF;
	s30 =	simm.s32 $0xBD80;
	s31 =	simm.s32 $0x0;
	[tilespmem:$0xB990] =	vst v62  }
.LBB2_5:
0x123: {  	s29 =	sadd.s32 $0xFFFFFFFF, s29;
	s30 =	sadd.s32 $0x10, s30  }
.LBB2_2:
0x124: {  	v11 =	vld [tilespmem:$0xB9A0]  }
0x125: {  	v12 =	vld [tilespmem:$0xB9B0];
	_ =	sdelay $0x1  }
0x126: {  	v13 =	vld [tilespmem:$0xB9C0];
	_ =	sdelay $0x1  }
0x127: {  	v14 =	vld [tilespmem:$0xB9D0]  }
0x128: {  	vm14 =	vgt.f32 v12, v11  }
0x129: {  	v11 =	vsel vm14, v12, v11;
	v12 =	vld [tilespmem:$0xB9E0]  }
0x12a: {  	vm15 =	vgt.f32 v13, v11  }
0x12b: {  	v11 =	vsel vm15, v13, v11;
	v13 =	vld [tilespmem:$0xB9F0]  }
0x12c: {  	vm0 =	vgt.f32 v14, v11  }
0x12d: {  	v11 =	vsel vm0, v14, v11;
	v14 =	vld [tilespmem:$0xBA00]  }
0x12e: {  	vm10 =	vgt.f32 v12, v11  }
0x12f: {  	v11 =	vsel vm10, v12, v11;
	v12 =	vld [tilespmem:$0xBA10]  }
0x130: {  	vm11 =	vgt.f32 v13, v11  }
0x131: {  	v11 =	vsel vm11, v13, v11;
	v13 =	vld [tilespmem:$0xBA20]  }
0x132: {  	vm12 =	vgt.f32 v14, v11  }
0x133: {  	v11 =	vsel vm12, v14, v11  }
0x134: {  	vm13 =	vgt.f32 v12, v11  }
0x135: {  	v11 =	vsel vm13, v12, v11  }
0x136: {  	vm1 =	vgt.f32 v13, v11  }
0x137: {  	v11 =	vsel vm1, v13, v11  }
0x138: {  	(xrf0) =	vmax.scan.msk.f32 $0xffff, v11  }
0x139: {  	v12 =	vor.u32 $0x80000000, v0;
	v13 =	vor.u32 $0x80000010, v0  }
0x13a: {  	v14 =	vor.u32 $0x80000020, v0;
	v13 =	vsel vm14, v13, v12  }
0x13b: {  	v13 =	vsel vm15, v14, v13;
	v14 =	vor.u32 $0x80000030, v0  }
0x13c: {  	v13 =	vsel vm0, v14, v13;
	v14 =	vor.u32 $0x80000040, v0  }
0x13d: {  	v13 =	vsel vm10, v14, v13;
	v14 =	vor.u32 $0x80000050, v0  }
0x13e: {  	v13 =	vsel vm11, v14, v13;
	v14 =	vor.u32 $0x80000060, v0;
	v15, _, _ =	vpop (xrf0)  }
0x13f: {  	v13 =	vsel vm12, v14, v13;
	v14 =	vor.u32 $0x80000070, v0;
	v15 =	vbroadcast v15, $0xF  }
0x140: {  	v13 =	vsel vm13, v14, v13;
	v14 =	vor.u32 $0x80000080, v0  }
0x141: {  	vm0 =	veq.f32 v11, v15;
	v11 =	vsel vm1, v14, v13  }
0x142: {  	v11 =	vnsel vm0, $0xC0000000, v11  }
0x143: {  	(xrf0) =	vmin.scan.msk.u32 $0xffff, v11;
	_ =	sdelay $0x5  }
0x144: {  	v11, _, _ =	vpop (xrf0)  }
0x145: {  	(v2sf) =	vpush v11, $0xF;
	_ =	sdelay $0xe  }
0x146: {  	s0 =	spop (v2sf)  }
0x147: {  	s0 =	sxor.u32 $0x80000000, s0  }
0x148: {  	v11 =	vmov s0;
	_ =	sdelay $0x4  }
0x149: {  	v13 =	vld.idx.msk [tilespmem:v11+s15+$0x0], $0xffff  }
0x14a: {  	s0 =	sadd.s32 s3, s0;
	v14 =	vld.idx.msk [tilespmem:v11+s16+$0x0], $0xffff  }
0x14b: {  	vm14 =	vmmov $0x1;
	s0 =	scvt.s32.f32 s0;
	v16 =	vld.idx.msk [tilespmem:v11+s17+$0x0], $0xffff  }
0x14c: {  	v15 =	vnsel vm14, $0x0, v15;
	vm0 =	veq.s32 v0, $0x1;
	v17 =	vld.idx.msk [tilespmem:v11+s18+$0x0], $0xffff  }
0x14d: {  	v15 =	vsel vm0, s0, v15;
	vm0 =	vcmask $0x72C;
	v18 =	vld.idx.msk [tilespmem:v11+s19+$0x0], $0xffff  }
0x14e: {  	v19 =	vld.idx.msk [tilespmem:v11+s20+$0x0], $0xffff;
	v13 =	vsel vm0, v15, v13  }
0x14f: {  	v15 =	vld.idx.msk [tilespmem:v11+s21+$0x0], $0xffff;
	v13 =	vsel vm2, v13, v14  }
0x150: {  	v14 =	vld.idx.msk [tilespmem:v11+s22+$0x0], $0xffff;
	v13 =	vsel vm3, v13, v16  }
0x151: {  	v11 =	vld.idx.msk [tilespmem:v11+s23+$0x0], $0xffff;
	v13 =	vsel vm4, v13, v17  }
0x152: {  	v13 =	vsel vm5, v13, v18  }
0x153: {  	v13 =	vsel vm6, v13, v19  }
0x154: {  	v13 =	vsel vm7, v13, v15  }
0x155: {  	v13 =	vsel vm8, v13, v14  }
0x156: {  	v11 =	vsel vm9, v13, v11  }
0x157: {  	[tilespmem:$0xBC70] =	vst v11  }
0x158: {  	[spmem:s8] =	stream.linear.scatter [tilespmem:s24], [sflag:$0x1], $0x10, $0x38;
	[tilespmem:$0xCD90] =	vst v63  }
0x159: {  	_ =	swait.ge [sflag:s11], $0x10  }
0x15a: {  	[sflag:s11] =	ssyncset.done $0x0  }
0x15b: {  	[sflag:s11] =	ssyncadd.s32 $0xFFFFFFF0  }
0x15c: {  	v11 =	vmul.u32 $0x10, v0;
	[bflag:$0x0] =	sbarrier.arrive $0xFFFF  }
0x15d: {  	[tilespmem:s25], [sflag:$0x1] =	stream.linear.gather [spmem:s1], $0x100, $0x38;
	[tilespmem:$0xCD90] =	vst v63  }
0x15e: {  	_ =	swait.ge [sflag:s11], $0x100  }
0x15f: {  	[sflag:s11] =	ssyncset.done $0x0  }
0x160: {  	[sflag:s11] =	ssyncadd.s32 $0xFFFFFF00  }
0x161: {  	[bflag:$0x0] =	sbarrier.arrive $0xFFFF  }
0x162: {  	v11 =	vld.idx.msk [tilespmem:v11+s25+$0x0], $0xffff;
	_ =	sdelay $0x4  }
0x163: {  	(xrf0) =	vmax.scan.msk.f32 $0xffff, v11;
	_ =	sdelay $0x5  }
0x164: {  	v13, _, _ =	vpop (xrf0)  }
0x165: {  	v13 =	vbroadcast v13, $0xF;
	_ =	sdelay $0x1  }
0x166: {  	vm0 =	veq.f32 v11, v13  }
0x167: {  	v11 =	vnsel vm0, $0xC0000000, v12  }
0x168: {  	(xrf0) =	vmin.scan.msk.u32 $0xffff, v11;
	_ =	sdelay $0x5  }
0x169: {  	v11, _, _ =	vpop (xrf0)  }
0x16a: {  	(v2sf) =	vpush v11, $0xF;
	_ =	sdelay $0x6  }
0x16b: {  	v51 =	vld [tilespmem:$0xB760]  }
0x16c: {  	v52 =	vld [tilespmem:$0xB7F0]  }
0x16d: {  	v20 =	vld [tilespmem:$0xB880]  }
0x16e: {  	v21 =	vld [tilespmem:$0xB910]  }
0x16f: {  	v22 =	vld [tilespmem:$0xB6E0]  }
0x170: {  	v23 =	vld [tilespmem:$0xB770]  }
0x171: {  	v24 =	vld [tilespmem:$0xB800]  }
0x172: {  	v25 =	vld [tilespmem:$0xB890]  }
0x173: {  	v26 =	vld [tilespmem:$0xB920];
	s0 =	spop (v2sf)  }
0x174: {  	v27 =	vld [tilespmem:$0xB6F0];
	s0 =	sshll.u32 s0, $0x4  }
0x175: {  	v28 =	vld [tilespmem:$0xB780];
	v14 =	vmov s0  }
0x176: {  	v58 =	vld [tilespmem:$0xB8A0];
	v11 =	vor.u32 $0x2, v14  }
0x177: {  	v59 =	vld [tilespmem:$0xB930];
	v13 =	vor.u32 $0x3, v14  }
0x178: {  	v60 =	vld [tilespmem:$0xB700];
	v16 =	vor.u32 $0x5, v14  }
0x179: {  	v37 =	vld [tilespmem:$0xB820];
	v17 =	vor.u32 $0x6, v14  }
0x17a: {  	v29 =	vld [tilespmem:$0xB8B0]  }
0x17b: {  	v15 =	vor.u32 $0x4, v14;
	v12 =	vld.idx.msk [tilespmem:v11+s25+$0x0], $0xffff  }
0x17c: {  	v11 =	vld.idx.msk [tilespmem:v13+s25+$0x0], $0xffff  }
0x17d: {  	v13 =	vld.idx.msk [tilespmem:v16+s25+$0x0], $0xffff  }
0x17e: {  	v16 =	vld.idx.msk [tilespmem:v17+s25+$0x0], $0xffff  }
0x17f: {  	v17 =	vld [tilespmem:$0xB6D0]  }
0x180: {  	v15 =	vld.idx.msk [tilespmem:v15+s25+$0x0], $0xffff  }
0x181: {  	v30 =	vld [tilespmem:$0xB710]  }
0x182: {  	v31 =	vld [tilespmem:$0xB7A0]  }
0x183: {  	v32 =	vld [tilespmem:$0xB940]  }
0x184: {  	v33 =	vld [tilespmem:$0xB720];
	v17 =	vmax.f32 v17, v12;
	v18 =	vmax.f32 v51, v11  }
0x185: {  	v44 =	vld [tilespmem:$0xB840];
	v19 =	vmin.f32 v52, v15;
	v20 =	vmin.f32 v20, v13;
	v53 =	vmax.f32 v22, v12  }
0x186: {  	v47 =	vld [tilespmem:$0xB960];
	v55 =	vmax.f32 v23, v11;
	v56 =	vmin.f32 v24, v15;
	v57 =	vmin.f32 v25, v13  }
0x187: {  	v34 =	vld [tilespmem:$0xB7D0];
	v21 =	vadd.f32 v21, v16;
	v36 =	vadd.f32 v26, v16;
	v27 =	vmax.f32 v27, v12  }
0x188: {  	v54 =	vld [tilespmem:$0xB810];
	v28 =	vmax.f32 v28, v11;
	v25 =	vmin.f32 v58, v13;
	v23 =	vadd.f32 v59, v16  }
0x189: {  	v39 =	vld [tilespmem:$0xB8C0];
	v24 =	vmax.f32 v60, v12;
	v26 =	vmin.f32 v37, v15;
	v29 =	vmin.f32 v29, v13  }
0x18a: {  	v38 =	vld [tilespmem:$0xB830];
	v41 =	vmax.f32 v30, v12;
	v43 =	vmax.f32 v31, v11;
	v32 =	vadd.f32 v32, v16  }
0x18b: {  	v46 =	vld [tilespmem:$0xB8D0];
	v33 =	vmax.f32 v33, v12;
	v31 =	vmin.f32 v44, v15;
	v30 =	vadd.f32 v47, v16  }
0x18c: {  	v63 =	vld [tilespmem:$0xB790];
	v34 =	vmax.f32 v34, v11;
	v17 =	vsub.f32 v19, v17;
	v18 =	vsub.f32 v20, v18  }
0x18d: {  	v40 =	vld [tilespmem:$0xB950];
	v19 =	vsub.f32 v56, v53;
	v22 =	vsub.f32 v57, v55;
	v20 =	vmin.f32 v54, v15  }
0x18e: {  	v50 =	vld [tilespmem:$0xB730];
	v25 =	vsub.f32 v25, v28;
	v24 =	vsub.f32 v26, v24;
	v28 =	vmin.f32 v39, v13  }
0x18f: {  	v42 =	vld [tilespmem:$0xB7B0];
	v57 =	vsub.f32 v31, v33;
	v20 =	vsub.f32 v20, v27;
	v27 =	vmin.f32 v38, v15  }
0x190: {  	v51 =	vld [tilespmem:$0xB7C0];
	v45 =	vsub.f32 v28, v43;
	v28 =	vmin.f32 v46, v13;
	v17 =	vmax.f32 v17, $0.0e+00  }
0x191: {  	v58 =	vld [tilespmem:$0xB8F0];
	v18 =	vmax.f32 v18, $0.0e+00;
	v61 =	vmax.f32 v19, $0.0e+00;
	v62 =	vmax.f32 v22, $0.0e+00  }
0x192: {  	v60 =	vld [tilespmem:$0xB7E0];
	v25 =	vmax.f32 v25, $0.0e+00;
	v22 =	vmax.f32 v63, v11;
	v26 =	vsub.f32 v27, v41  }
0x193: {  	v37 =	vld [tilespmem:$0xB970];
	v24 =	vmax.f32 v24, $0.0e+00;
	v27 =	vmax.f32 v50, v12;
	v63 =	vor.u32 $0x1, v14  }
0x194: {  	v35 =	vld [tilespmem:$0xB860];
	v17 =	vmul.f32 v18, v17;
	v18 =	vmul.f32 v62, v61;
	v20 =	vmax.f32 v20, $0.0e+00  }
0x195: {  	v22 =	vsub.f32 v29, v22;
	v49 =	vmax.f32 v45, $0.0e+00;
	v29 =	vmax.f32 v42, v11  }
0x196: {  	v38 =	vld [tilespmem:$0xB980];
	v20 =	vmul.f32 v25, v20;
	v48 =	vmax.f32 v26, $0.0e+00;
	v25 =	vadd.f32 v40, v16  }
0x197: {  	v53 =	vld [tilespmem:$0xB850];
	v28 =	vsub.f32 v28, v29;
	v26 =	vmax.f32 v51, v11;
	v29 =	vmin.f32 v58, v13  }
0x198: {  	v55 =	vld [tilespmem:$0xB8E0];
	v31 =	vmax.f32 v60, v11;
	v42 =	vadd.f32 v37, v16;
	v21 =	vsub.f32 v21, v17  }
0x199: {  	v61 =	vld [tilespmem:$0xB870];
	v19 =	vsub.f32 v36, v18;
	v22 =	vmax.f32 v22, $0.0e+00;
	v36 =	vmin.f32 v35, v15  }
0x19a: {  	v56 =	vld [tilespmem:$0xB740];
	v29 =	vsub.f32 v29, v34;
	v23 =	vsub.f32 v23, v20;
	v22 =	vmul.f32 v22, v24  }
0x19b: {  	v62 =	vld [tilespmem:$0xB900];
	v24 =	vmul.f32 v49, v48;
	v43 =	vadd.f32 v38, v16;
	v21 =	vadd.f32 $9.999999710e-10, v21  }
0x19c: {  	v28 =	vmax.f32 v28, $0.0e+00;
	v19 =	vadd.f32 $9.999999710e-10, v19;
	v52 =	vadd.f32 $9.999999710e-10, v23  }
0x19d: {  	v54 =	vsub.f32 v32, v22;
	v25 =	vsub.f32 v25, v24;
	v23 =	vmin.f32 v53, v15  }
0x19e: {  	v32 =	vmin.f32 v55, v13;
	v33 =	vmin.f32 v61, v15;
	(erf) = vrcp.f32 v21  }
0x19f: {  	v59 =	vld [tilespmem:$0xB750];
	v23 =	vsub.f32 v23, v27;
	v26 =	vsub.f32 v32, v26;
	v21 =	vmax.f32 v56, v12  }
0x1a0: {  	v27 =	vmin.f32 v62, v13;
	(erf) = vrcp.f32 v19;
	v19 =	vadd.f32 $9.999999710e-10, v54  }
0x1a1: {  	v25 =	vadd.f32 $9.999999710e-10, v25;
	v21 =	vsub.f32 v36, v21;
	(erf) = vrcp.f32 v52  }
0x1a2: {  	v40 =	vsub.f32 v27, v31;
	(erf) = vrcp.f32 v19;
	v19 =	vmax.f32 v57, $0.0e+00  }
0x1a3: {  	v39 =	vld [tilespmem:$0xB990];
	v23 =	vmax.f32 v23, $0.0e+00;
	v26 =	vmax.f32 v26, $0.0e+00;
	v19 =	vmul.f32 v28, v19  }
0x1a4: {  	v23 =	vmul.f32 v26, v23;
	(erf) = vrcp.f32 v25;
	v25 =	vmax.f32 v59, v12  }
0x1a5: {  	v29 =	vmax.f32 v29, $0.0e+00;
	v25 =	vsub.f32 v33, v25;
	v41 =	vsub.f32 v30, v19  }
0x1a6: {  	v21 =	vmax.f32 v21, $0.0e+00;
	v26 =	vmax.f32 v40, $0.0e+00;
	v30 =	vsub.f32 v42, v23  }
0x1a7: {  	v21 =	vmul.f32 v29, v21;
	v25 =	vmax.f32 v25, $0.0e+00;
	v27 =	vadd.f32 $9.999999710e-10, v41  }
0x1a8: {  	v16 =	vadd.f32 v39, v16;
	v25 =	vmul.f32 v26, v25;
	v47 =	vadd.f32 $9.999999710e-10, v30  }
0x1a9: {  	v44 =	vld.idx.msk [tilespmem:v63+s25+$0x0], $0xffff;
	v45 =	vsub.f32 v43, v21;
	v46 =	vpop (erf);
	(erf) = vrcp.f32 v27  }
0x1aa: {  	v17 =	vmul.f32 v46, v17;
	v16 =	vsub.f32 v16, v25;
	(erf) = vrcp.f32 v47  }
0x1ab: {  	v28 =	vadd.f32 $9.999999710e-10, v45  }
0x1ac: {  	v50 =	vld [tilespmem:$0xB9B0];
	v48 =	vpop (erf);
	v16 =	vadd.f32 $9.999999710e-10, v16  }
0x1ad: {  	v49 =	vld [tilespmem:$0xB9A0];
	v18 =	vmul.f32 v48, v18;
	(erf) = vrcp.f32 v28  }
0x1ae: {  	v51 =	vld [tilespmem:$0xB9C0];
	vm1 =	veq.f32 v44, v1;
	vm11 =	veq.f32 v44, v2;
	vm0 =	vgt.f32 v17, $5.000000000e-01;
	v17 =	vpop (erf)  }
0x1af: {  	vm10 =	vgt.f32 v18, $5.000000000e-01;
	(erf) = vrcp.f32 v16;
	v17 =	vmul.f32 v17, v20  }
0x1b0: {  	v52 =	vld [tilespmem:$0xB9D0];
	vm0 =	vmor vm1, vm0;
	vm1 =	vmor vm11, vm10;
	vm11 =	veq.f32 v44, v3;
	v16 =	vpop (erf)  }
0x1b1: {  	v54 =	vsel vm1, $0xF149F2CA, v50;
	vm10 =	vgt.f32 v17, $5.000000000e-01;
	v16 =	vmul.f32 v16, v22;
	v53 =	vpop (erf)  }
0x1b2: {  	v55 =	vld [tilespmem:$0xB9E0];
	v17 =	vsel vm0, $0xF149F2CA, v49;
	vm0 =	vmor vm11, vm10;
	vm10 =	veq.f32 v44, v4;
	v56 =	vpop (erf)  }
0x1b3: {  	vm1 =	vgt.f32 v16, $5.000000000e-01;
	v16 =	vmul.f32 v53, v24;
	v18 =	vsel vm0, $0xF149F2CA, v51;
	v58 =	vpop (erf)  }
0x1b4: {  	v57 =	vld [tilespmem:$0xB9F0];
	[tilespmem:$0xB9A0] =	vst v17;
	vm0 =	vmor vm10, vm1;
	v19 =	vmul.f32 v56, v19;
	v17 =	vmul.f32 v58, v23  }
0x1b5: {  	vm1 =	veq.f32 v44, v5;
	v20 =	vsel vm0, $0xF149F2CA, v52;
	vm0 =	vgt.f32 v16, $5.000000000e-01;
	v16 =	vld [tilespmem:$0xBA00]  }
0x1b6: {  	v59 =	vpop (erf);
	vm10 =	vgt.f32 v19, $5.000000000e-01;
	vm0 =	vmor vm1, vm0  }
0x1b7: {  	v61 =	vld [tilespmem:$0xBA10];
	[tilespmem:$0xB9B0] =	vst v54;
	v21 =	vmul.f32 v59, v21;
	v60 =	vsel vm0, $0xF149F2CA, v55;
	vm0 =	veq.f32 v44, v6  }
0x1b8: {  	v62 =	vld [tilespmem:$0xBA20];
	[tilespmem:$0xB9C0] =	vst v18;
	vm1 =	vgt.f32 v17, $5.000000000e-01;
	vm0 =	vmor vm0, vm10;
	vm10 =	veq.f32 v44, v7;
	v17 =	vpop (erf)  }
0x1b9: {  	[tilespmem:$0xB9D0] =	vst v20;
	vm1 =	vmor vm10, vm1;
	vm10 =	vgt.f32 v21, $5.000000000e-01;
	v17 =	vmul.f32 v17, v25  }
.Ltmp3:
0x1ba: {  	[tilespmem:$0xB9E0] =	vst v60;
	v63 =	vsel vm0, $0xF149F2CA, v57;
	vm0 =	veq.f32 v44, v8;
	v16 =	vsel vm1, $0xF149F2CA, v16;
	(pc) =	sbr.rel @!p0 .LBB2_3-.Ltmp3, $4  }
0x1bb: {  	[tilespmem:$0xB9F0] =	vst v63;
	vm0 =	vmor vm0, vm10;
	vm10 =	veq.f32 v44, v9;
	vm1 =	vgt.f32 v17, $5.000000000e-01  }
0x1bc: {  	[tilespmem:$0xBA00] =	vst v16;
	v17 =	vsel vm0, $0xF149F2CA, v61;
	vm0 =	vmor vm10, vm1  }
0x1bd: {  	[tilespmem:$0xBA10] =	vst v17;
	v16 =	vsel vm0, $0xF149F2CA, v62  }
0x1be: {  	[tilespmem:$0xBA20] =	vst v16  }
0x1bf: {  	p1 =	seq.s32 s29, $0x0  }
.Ltmp4:
0x1c0: {  	_ = 	snop;
	(pc) =	sbr.rel @p1 .LBB2_9-.Ltmp4, $1  }
0x1c1: {  	_ =	sdelay $0x3  }
.Ltmp5:
0x1c2: {  	(pc) =	sbr.rel .LBB2_5-.Ltmp5, $2  }
0x1c3: {  	_ =	sdelay $0x2  }
0x1c4: {  	s31 =	sadd.s32 $0x1, s31  }
.LBB2_3:
0x1c5: {  	v14 =	vor.u32 v10, v14;
	_ =	sdelay $0x4  }
0x1c6: {  	v14 =	vld.idx.msk [tilespmem:v14+s25+$0x0], $0xffff;
	_ =	sdelay $0x1  }
0x1c7: {  	v16 =	vadd.f32 v15, v12  }
0x1c8: {  	v17 =	vadd.f32 v13, v11  }
0x1c9: {  	vm0 =	vcmask $0x3F20;
	v16 =	vmul.f32 $5.000000000e-01, v16  }
0x1ca: {  	p1 =	seq.s32 s29, $0x0;
	v17 =	vmul.f32 $5.000000000e-01, v17;
	v14 =	vsel vm0, $0x0, v14  }
.Ltmp6:
0x1cb: {  	v63 =	vsub.f32 v15, v12;
	vm0 =	vcmask $0x310;
	v14 =	vsel vm14, v16, v14;
	(pc) =	sbr.rel @p1 .LBB2_8-.Ltmp6, $4  }
0x1cc: {  	v11 =	vsub.f32 v13, v11;
	v14 =	vsel vm0, v14, v17;
	vm0 =	vcmask $0x710  }
0x1cd: {  	v12 =	vsel vm0, v14, v63;
	vm0 =	vcmask $0xB10  }
0x1ce: {  	v11 =	vsel vm0, v12, v11  }
0x1cf: {  	[tilespmem:s30+$0x0] =	vst v11  }
.Ltmp7:
0x1d0: {  	(pc) =	sbr.rel .LBB2_5-.Ltmp7, $2  }
0x1d1: {  	_ =	sdelay $0x2  }
0x1d2: {  	s31 =	sadd.s32 $0x1, s31  }
.LBB2_10:
0x1d3: {  	_ =	sfence.sel $0x180000  }
0x1d4: {  	[bflag:$0x0] =	sbarrier.arrive $0xFFFF  }
0x1d5: {  	_ =	strace $0x90000047  }
0x1d6: {  	[bflag:$0x2] =	sbarrier.arrive $0xFFFF  }
0x1d7: {  	s0 =	rddreg [dreg:$0x3]  }
0x1d8: {  	s0 =	sadd.s32 @!p0 $0x100000, s0  }
0x1d9: {  	[sflag:s0] =	ssyncadd.tile.s32 @!p0 $0x1;
	_ =	shalt  }
.Lfunc_end2:
_tile_overlayer_lowered:
.L_overlay_start_2:
0x1da: {  	(tag) =	ssettag $0x2  }
0x1db: {  	s0 =	rddreg [dreg:$0x0];
	s2 =	stileid.u32  }
0x1dc: {  	s1 =	rddreg [dreg:$0x1];
	p0 =	sne.s32 s2, $0x0  }
0x1dd: {  	s3 =	rddreg [dreg:$0x2];
	[bflag:$0x3] =	sbarrier.arrive $0xFFFF;
	s2 =	simm.s32 @!p0 $0x1C01  }
0x1de: {  	[timem:s3], [sflag:s2] =	dma.local @!p0 [hbm:s0], s1  }
0x1df: {  	s0 =	simm.s32 @!p0 $0x1  }
0x1e0: {  	_ =	swait.ge @!p0 [sflag:s0], s1  }
0x1e1: {  	s1 =	ssub.s32 @!p0 $0x0, s1;
	[sflag:s0] =	ssyncset.done @!p0 $0x0  }
0x1e2: {  	[sflag:s0] =	ssyncadd.s32 @!p0 s1  }
0x1e3: {  	[bflag:$0x3] =	sbarrier.arrive $0xFFFF  }
0x1e4: {  	_ =	shalt  }

</sc_bundles>
